<compile_context>
chip_gen: v7x
topology: tpu7x:2x2x1
jax: 0.10.2.dev20260603
libtpu: 0.0.44.dev20260713+nightly
codegen_flags: <defaults>
</compile_context>

<pallas_src>
import functools
import jax
import jax.numpy as jnp
from jax import lax
from jax.experimental import pallas as pl
from jax.experimental.pallas import tpu as pltpu
from jax.experimental.pallas import tpu_sc as plsc

N = 10000
M = 2000
E = 320000
E2 = 320000
D = 128
H = 4
HID = 128
HD = D // H
NPAD = 10240
TILE_E = 512
TILE_N = 512


def _gelu(x):
    return 0.5 * x * (1.0 + lax.erf(x * 0.7071067811865476))


def _ln_kernel(x_ref, s_ref, b_ref, o_ref):
    x = x_ref[...]
    mu = jnp.mean(x, axis=-1, keepdims=True)
    var = jnp.mean((x - mu) ** 2, axis=-1, keepdims=True)
    o_ref[...] = (x - mu) / jnp.sqrt(var + 1e-5) * s_ref[...] + b_ref[...]


def _layer_norm_tc(x, scale, bias, tile):
    rows = x.shape[0]
    grid = rows // tile
    return pl.pallas_call(
        _ln_kernel,
        grid=(grid,),
        in_specs=[
            pl.BlockSpec((tile, D), lambda i: (i, 0)),
            pl.BlockSpec((1, D), lambda i: (0, 0)),
            pl.BlockSpec((1, D), lambda i: (0, 0)),
        ],
        out_specs=pl.BlockSpec((tile, D), lambda i: (i, 0)),
        out_shape=jax.ShapeDtypeStruct((rows, D), jnp.float32),
    )(x, scale.reshape(1, D), bias.reshape(1, D))


def _inter_edge_kernel(sc_ref, tc_ref, wsrc_ref, wtgt_ref, bsum_ref,
                       attn_ref, blk_ref, wmsg_ref, bmsg_ref, kron_ref,
                       tile16_ref, msgw_ref, exrow_ref):
    scv = sc_ref[...].astype(jnp.bfloat16)
    tcv = tc_ref[...].astype(jnp.bfloat16)
    h = (jnp.dot(scv, wsrc_ref[...], preferred_element_type=jnp.float32)
         + jnp.dot(tcv, wtgt_ref[...], preferred_element_type=jnp.float32)
         + bsum_ref[...])
    h = _gelu(h)
    logits = jnp.dot(h * attn_ref[...], blk_ref[...],
                     preferred_element_type=jnp.float32)
    ex = jnp.exp(logits)
    msg = jnp.dot(scv, wmsg_ref[...], preferred_element_type=jnp.float32) + bmsg_ref[...]
    scale = jnp.dot(ex[:, :H], kron_ref[...], preferred_element_type=jnp.float32)
    msgw_ref[...] = msg * scale
    exrow_ref[...] = jnp.dot(ex, tile16_ref[...], preferred_element_type=jnp.float32)


def _intra_edge_kernel(ps_ref, pd_ref, br_ref, wsrc_ref, wtgt_ref, wbrg_ref,
                       bsum_ref, attn_ref, blk_ref, wm1_ref, wm2_ref,
                       bmsg_ref, kron_ref, tile16_ref, msgw_ref, exrow_ref):
    psv = ps_ref[...].astype(jnp.bfloat16)
    brv = br_ref[...].astype(jnp.bfloat16)
    h = (jnp.dot(psv, wsrc_ref[...], preferred_element_type=jnp.float32)
         + jnp.dot(pd_ref[...].astype(jnp.bfloat16), wtgt_ref[...],
                   preferred_element_type=jnp.float32)
         + jnp.dot(brv, wbrg_ref[...], preferred_element_type=jnp.float32)
         + bsum_ref[...])
    h = _gelu(h)
    logits = jnp.dot(h * attn_ref[...], blk_ref[...],
                     preferred_element_type=jnp.float32)
    ex = jnp.exp(logits)
    msg = (jnp.dot(psv, wm1_ref[...], preferred_element_type=jnp.float32)
           + jnp.dot(brv, wm2_ref[...], preferred_element_type=jnp.float32)
           + bmsg_ref[...])
    scale = jnp.dot(ex[:, :H], kron_ref[...], preferred_element_type=jnp.float32)
    msgw_ref[...] = msg * scale
    exrow_ref[...] = jnp.dot(ex, tile16_ref[...], preferred_element_type=jnp.float32)


def _final_kernel(nh_ref, u1_ref, su1_ref, u2_ref, su2_ref, wnp_ref, bnp_ref,
                  wo1_ref, bo1_ref, wo2_ref, bo2_ref, kron_ref, o_ref):
    kron = kron_ref[...]
    s1 = (su1_ref[0] + su1_ref[1])[:, :H]
    s2 = (su2_ref[0] + su2_ref[1])[:, :H]
    d1 = jnp.dot(s1, kron, preferred_element_type=jnp.float32) + 1e-16
    d2 = jnp.dot(s2, kron, preferred_element_type=jnp.float32) + 1e-16
    g1 = (u1_ref[0] + u1_ref[1]) / d1
    g2 = (u2_ref[0] + u2_ref[1]) / d2
    out = (jnp.dot(nh_ref[...], wnp_ref[...], preferred_element_type=jnp.float32)
           + bnp_ref[...]
           + jnp.dot(g1, wo1_ref[...], preferred_element_type=jnp.float32)
           + bo1_ref[...]
           + jnp.dot(g2, wo2_ref[...], preferred_element_type=jnp.float32)
           + bo2_ref[...])
    o_ref[...] = out


SC_NC = 2
SC_NS = 16
SC_NW = SC_NC * SC_NS


def _gather_rows_sc(table, idx):
    B = idx.shape[0]
    b_per_w = B // SC_NW
    GB = 400
    nblk = b_per_w // GB
    mesh = plsc.VectorSubcoreMesh(core_axis_name="c", subcore_axis_name="s",
                                  num_cores=SC_NC, num_subcores=SC_NS)

    @functools.partial(
        pl.kernel, mesh=mesh,
        out_type=jax.ShapeDtypeStruct((B, D), jnp.float32),
        scratch_types=[
            pltpu.VMEM((b_per_w,), jnp.int32),
            pltpu.VMEM((GB, D), jnp.float32),
            pltpu.VMEM((GB, D), jnp.float32),
            pltpu.SemaphoreType.DMA,
            pltpu.SemaphoreType.DMA,
        ],
    )
    def k(table_hbm, idx_hbm, out_hbm, idx_v, rows_a, rows_b, sem_a, sem_b):
        wid = lax.axis_index("s") * SC_NC + lax.axis_index("c")
        base = wid * b_per_w
        pltpu.sync_copy(idx_hbm.at[pl.ds(base, b_per_w)], idx_v)
        pltpu.async_copy(table_hbm.at[idx_v.at[pl.ds(0, GB)]],
                         rows_a, sem_a).wait()

        def pair_body(i, carry):
            j0 = 2 * i
            cb = pltpu.async_copy(
                table_hbm.at[idx_v.at[pl.ds((j0 + 1) * GB, GB)]], rows_b, sem_b)
            pltpu.sync_copy(rows_a, out_hbm.at[pl.ds(base + j0 * GB, GB)])
            cb.wait()
            ca = pltpu.async_copy(
                table_hbm.at[idx_v.at[pl.ds((j0 + 2) * GB, GB)]], rows_a, sem_a)
            pltpu.sync_copy(rows_b, out_hbm.at[pl.ds(base + (j0 + 1) * GB, GB)])
            ca.wait()
            return carry

        lax.fori_loop(0, (nblk - 1) // 2, pair_body, 0)
        pltpu.sync_copy(rows_a, out_hbm.at[pl.ds(base + (nblk - 1) * GB, GB)])

    return k(table, idx)


def _scatter2_rows_sc(msgw, exrow, idx2d, zeros_u):
    B = msgw.shape[0]
    b_per_w = B // SC_NW
    RB = 80
    nblk = b_per_w // RB
    npair = (nblk - 1) // 2
    rows_per_s = NPAD // SC_NS
    mesh = plsc.VectorSubcoreMesh(core_axis_name="c", subcore_axis_name="s",
                                  num_cores=SC_NC, num_subcores=SC_NS)
    part_t = jax.ShapeDtypeStruct((SC_NC, NPAD, D), jnp.float32)

    @functools.partial(
        pl.kernel, mesh=mesh,
        out_type=[part_t, part_t],
        scratch_types=[
            pltpu.VMEM((nblk, RB), jnp.int32),
            pltpu.VMEM((RB, D), jnp.float32),
            pltpu.VMEM((RB, D), jnp.float32),
            pltpu.VMEM_SHARED((NPAD, D), jnp.float32),
            pltpu.SemaphoreType.DMA,
            pltpu.SemaphoreType.DMA,
        ],
    )
    def k(msgw_hbm, exrow_hbm, idx2d_hbm, zu_hbm, u_out, s_out,
          idx2_v, m_a, m_b, uacc, sem_a, sem_b):
        cid = lax.axis_index("c")
        sid = lax.axis_index("s")
        wid = sid * SC_NC + cid
        base = wid * b_per_w
        my_rows = pl.ds(sid * rows_per_s, rows_per_s)

        pltpu.sync_copy(idx2d_hbm.at[wid], idx2_v)
        pltpu.sync_copy(zu_hbm, uacc.at[my_rows])
        plsc.subcore_barrier()

        def scatter_stream(rows_hbm):
            pltpu.async_copy(rows_hbm.at[pl.ds(base, RB)], m_a, sem_a).wait()

            def pair_body(i, carry):
                j0 = 2 * i
                cb = pltpu.async_copy(
                    rows_hbm.at[pl.ds(base + (j0 + 1) * RB, RB)], m_b, sem_b)
                pltpu.sync_copy(m_a, uacc.at[idx2_v.at[j0]], add=True)
                cb.wait()
                ca = pltpu.async_copy(
                    rows_hbm.at[pl.ds(base + (j0 + 2) * RB, RB)], m_a, sem_a)
                pltpu.sync_copy(m_b, uacc.at[idx2_v.at[j0 + 1]], add=True)
                ca.wait()
                return carry

            lax.fori_loop(0, npair, pair_body, 0)
            pltpu.sync_copy(m_a, uacc.at[idx2_v.at[nblk - 1]], add=True)

        scatter_stream(msgw_hbm)
        plsc.subcore_barrier()
        pltpu.sync_copy(uacc.at[my_rows], u_out.at[cid, my_rows])
        pltpu.sync_copy(zu_hbm, uacc.at[my_rows])
        plsc.subcore_barrier()

        scatter_stream(exrow_hbm)
        plsc.subcore_barrier()
        pltpu.sync_copy(uacc.at[my_rows], s_out.at[cid, my_rows])

    return k(msgw, exrow, idx2d, zeros_u)


def _full_spec(shape):
    nd = len(shape)
    return pl.BlockSpec(shape, lambda i: (0,) * nd)


def kernel(node_features, edge_features, bridge_features, params, node_idx, edge_idx, pair_src, pair_dst):
    p = params
    f32 = jnp.float32
    bf = lambda a: a.astype(jnp.bfloat16)

    hid_ids = jnp.arange(H * HID, dtype=jnp.int32) // HID
    blk = (hid_ids[:, None] == jnp.arange(8, dtype=jnp.int32)[None, :]).astype(f32)
    hd_ids = jnp.arange(D, dtype=jnp.int32) // HD
    kron = (jnp.arange(H, dtype=jnp.int32)[:, None] == hd_ids[None, :]).astype(f32)
    col_mod8 = jnp.arange(D, dtype=jnp.int32) % 8
    tile16 = (jnp.arange(8, dtype=jnp.int32)[:, None] == col_mod8[None, :]).astype(f32)

    nf_pad = jnp.pad(node_features, ((0, NPAD - N), (0, 0)))
    nh_pad = _layer_norm_tc(nf_pad, p['ln_n_s'], p['ln_n_b'], 512)
    nh = nh_pad[:N]
    eh = _layer_norm_tc(edge_features, p['ln_e_s'], p['ln_e_b'], 400)

    sc_i = _gather_rows_sc(eh, edge_idx)
    tc_i = _gather_rows_sc(nh, node_idx)
    ps = _gather_rows_sc(nh, pair_src)
    pd = _gather_rows_sc(nh, pair_dst)

    bsum_i = (p['i_bsrc'] + p['i_btgt']).reshape(1, H * HID)
    attn_i = p['i_attn'].reshape(1, H * HID)
    grid_e = E // TILE_E
    msgw1, exrow1 = pl.pallas_call(
        _inter_edge_kernel,
        grid=(grid_e,),
        in_specs=[
            pl.BlockSpec((TILE_E, D), lambda i: (i, 0)),
            pl.BlockSpec((TILE_E, D), lambda i: (i, 0)),
            _full_spec((D, H * HID)),
            _full_spec((D, H * HID)),
            _full_spec((1, H * HID)),
            _full_spec((1, H * HID)),
            _full_spec((H * HID, 8)),
            _full_spec((D, D)),
            _full_spec((1, D)),
            _full_spec((H, D)),
            _full_spec((8, D)),
        ],
        out_specs=[
            pl.BlockSpec((TILE_E, D), lambda i: (i, 0)),
            pl.BlockSpec((TILE_E, D), lambda i: (i, 0)),
        ],
        out_shape=[
            jax.ShapeDtypeStruct((E, D), f32),
            jax.ShapeDtypeStruct((E, D), f32),
        ],
    )(sc_i, tc_i, bf(p['i_Wsrc']), bf(p['i_Wtgt']), bsum_i, attn_i, blk,
      bf(p['i_Wmsg']), p['i_bmsg'].reshape(1, D), kron, tile16)

    bsum_a = (p['a_bsrc'] + p['a_btgt'] + p['a_bbrg']).reshape(1, H * HID)
    attn_a = p['a_attn'].reshape(1, H * HID)
    grid_e2 = E2 // TILE_E
    msgw2, exrow2 = pl.pallas_call(
        _intra_edge_kernel,
        grid=(grid_e2,),
        in_specs=[
            pl.BlockSpec((TILE_E, D), lambda i: (i, 0)),
            pl.BlockSpec((TILE_E, D), lambda i: (i, 0)),
            pl.BlockSpec((TILE_E, D), lambda i: (i, 0)),
            _full_spec((D, H * HID)),
            _full_spec((D, H * HID)),
            _full_spec((D, H * HID)),
            _full_spec((1, H * HID)),
            _full_spec((1, H * HID)),
            _full_spec((H * HID, 8)),
            _full_spec((D, D)),
            _full_spec((D, D)),
            _full_spec((1, D)),
            _full_spec((H, D)),
            _full_spec((8, D)),
        ],
        out_specs=[
            pl.BlockSpec((TILE_E, D), lambda i: (i, 0)),
            pl.BlockSpec((TILE_E, D), lambda i: (i, 0)),
        ],
        out_shape=[
            jax.ShapeDtypeStruct((E2, D), f32),
            jax.ShapeDtypeStruct((E2, D), f32),
        ],
    )(ps, pd, bridge_features, bf(p['a_Wsrc']), bf(p['a_Wtgt']), bf(p['a_Wbrg']),
      bsum_a, attn_a, blk, bf(p['a_Wmsg'][:D]), bf(p['a_Wmsg'][D:]),
      p['a_bmsg'].reshape(1, D), kron, tile16)

    zu = jnp.zeros((NPAD // SC_NS, D), f32)
    idx2d_1 = node_idx.reshape(SC_NW, -1, 80)
    idx2d_2 = pair_dst.reshape(SC_NW, -1, 80)
    u1, su1 = _scatter2_rows_sc(msgw1, exrow1, idx2d_1, zu)
    u2, su2 = _scatter2_rows_sc(msgw2, exrow2, idx2d_2, zu)

    grid_n = NPAD // TILE_N
    out = pl.pallas_call(
        _final_kernel,
        grid=(grid_n,),
        in_specs=[
            pl.BlockSpec((TILE_N, D), lambda i: (i, 0)),
            pl.BlockSpec((SC_NC, TILE_N, D), lambda i: (0, i, 0)),
            pl.BlockSpec((SC_NC, TILE_N, D), lambda i: (0, i, 0)),
            pl.BlockSpec((SC_NC, TILE_N, D), lambda i: (0, i, 0)),
            pl.BlockSpec((SC_NC, TILE_N, D), lambda i: (0, i, 0)),
            _full_spec((D, D)),
            _full_spec((1, D)),
            _full_spec((D, D)),
            _full_spec((1, D)),
            _full_spec((D, D)),
            _full_spec((1, D)),
            _full_spec((H, D)),
        ],
        out_specs=pl.BlockSpec((TILE_N, D), lambda i: (i, 0)),
        out_shape=jax.ShapeDtypeStruct((NPAD, D), f32),
    )(nh_pad, u1, su1, u2, su2, p['Wnp'], p['bnp'].reshape(1, D),
      p['i_Wout'], p['i_bout'].reshape(1, D),
      p['a_Wout'], p['a_bout'].reshape(1, D), kron)

    return out[:N]

# --- scband reference (transcript-rebuilt; emitter-appended) ---
"""Pipeline reference for scband-hyper-graph-structure-learning-69329362092308 (READ-ONLY COPY).

The authoritative reference and input builder live on the scoring server;
editing this copy changes nothing except your own understanding.
"""

import jax, jax.numpy as jnp
import numpy as np

N = 10000
M = 2000
E = 320000
E2 = 320000
D = 128
H = 4
HID = 128
HD = D // H


def _linear(x, W, b):
    return x @ W + b


def _layer_norm(x, scale, bias):
    mu = x.mean(-1, keepdims=True)
    var = ((x - mu) ** 2).mean(-1, keepdims=True)
    return (x - mu) / jnp.sqrt(var + 1e-5) * scale + bias


def _scatter_softmax(logits, seg, num_segments):
    m = jax.ops.segment_max(logits, seg, num_segments=num_segments)
    m = jnp.where(jnp.isfinite(m), m, 0.0)
    ex = jnp.exp(logits - m[seg])
    s = jax.ops.segment_sum(ex, seg, num_segments=num_segments)
    return ex / (s[seg] + 1e-16)


def _inter_rank(source_features, target_features, tgt_idx, src_idx, p):
    sc = source_features[src_idx]
    tc = target_features[tgt_idx]
    h = _linear(sc, p['i_Wsrc'], p['i_bsrc']) + _linear(tc, p['i_Wtgt'], p['i_btgt'])
    h = jax.nn.gelu(h, approximate=False).reshape(-1, H, HID)
    logits = (h * p['i_attn']).sum(-1)
    scores = _scatter_softmax(logits, tgt_idx, target_features.shape[0])
    msg = _linear(sc, p['i_Wmsg'], p['i_bmsg']).reshape(-1, H, HD)
    msg = msg * scores[..., None]
    grouped = jax.ops.segment_sum(msg, tgt_idx, num_segments=target_features.shape[0]).reshape(-1, D)
    return _linear(grouped, p['i_Wout'], p['i_bout'])


def _intra_rank(cell_features, bridge_cells, src_idx, dst_idx, p):
    sc = cell_features[src_idx]
    tc = cell_features[dst_idx]
    h = (_linear(sc, p['a_Wsrc'], p['a_bsrc'])
         + _linear(tc, p['a_Wtgt'], p['a_btgt'])
         + _linear(bridge_cells, p['a_Wbrg'], p['a_bbrg']))
    h = jax.nn.gelu(h, approximate=False).reshape(-1, H, HID)
    logits = (h * p['a_attn']).sum(-1)
    scores = _scatter_softmax(logits, dst_idx, cell_features.shape[0])
    msg = _linear(jnp.concatenate([sc, bridge_cells], axis=-1), p['a_Wmsg'], p['a_bmsg']).reshape(-1, H, HD)
    msg = msg * scores[..., None]
    grouped = jax.ops.segment_sum(msg, dst_idx, num_segments=cell_features.shape[0]).reshape(-1, D)
    return _linear(grouped, p['a_Wout'], p['a_bout'])


def setup_inputs(seed: int = 0) -> dict:
    key = jax.random.key(seed)
    ks = jax.random.split(key, 30)

    def w(k, shape):
        return jax.random.normal(k, shape, dtype=jnp.float32) * 0.02

    node_features = jax.random.normal(ks[0], (N, D), dtype=jnp.float32)
    edge_features = jax.random.normal(ks[1], (M, D), dtype=jnp.float32)
    bridge_features = jax.random.normal(ks[2], (E2, D), dtype=jnp.float32)
    node_idx = jnp.sort(jax.random.randint(ks[3], (E,), 0, N, dtype=jnp.int32))
    edge_idx = jax.random.randint(ks[4], (E,), 0, M, dtype=jnp.int32)
    pair_src = jax.random.randint(ks[5], (E2,), 0, N, dtype=jnp.int32)
    pair_dst = jnp.sort(jax.random.randint(ks[6], (E2,), 0, N, dtype=jnp.int32))
    params = {
        'ln_n_s': jnp.ones((D,), jnp.float32), 'ln_n_b': jnp.zeros((D,), jnp.float32),
        'ln_e_s': jnp.ones((D,), jnp.float32), 'ln_e_b': jnp.zeros((D,), jnp.float32),
        'i_Wsrc': w(ks[7], (D, HID * H)), 'i_bsrc': jnp.zeros((HID * H,), jnp.float32),
        'i_Wtgt': w(ks[8], (D, HID * H)), 'i_btgt': jnp.zeros((HID * H,), jnp.float32),
        'i_attn': jax.random.normal(ks[9], (H, HID), dtype=jnp.float32),
        'i_Wmsg': w(ks[10], (D, D)), 'i_bmsg': jnp.zeros((D,), jnp.float32),
        'i_Wout': w(ks[11], (D, D)), 'i_bout': jnp.zeros((D,), jnp.float32),
        'a_Wsrc': w(ks[12], (D, HID * H)), 'a_bsrc': jnp.zeros((HID * H,), jnp.float32),
        'a_Wtgt': w(ks[13], (D, HID * H)), 'a_btgt': jnp.zeros((HID * H,), jnp.float32),
        'a_Wbrg': w(ks[14], (D, HID * H)), 'a_bbrg': jnp.zeros((HID * H,), jnp.float32),
        'a_attn': jax.random.normal(ks[15], (H, HID), dtype=jnp.float32),
        'a_Wmsg': w(ks[16], (2 * D, D)), 'a_bmsg': jnp.zeros((D,), jnp.float32),
        'a_Wout': w(ks[17], (D, D)), 'a_bout': jnp.zeros((D,), jnp.float32),
        'Wnp': w(ks[18], (D, D)), 'bnp': jnp.zeros((D,), jnp.float32),
    }
    return {'node_features': node_features, 'edge_features': edge_features,
            'bridge_features': bridge_features, 'params': params,
            'node_idx': node_idx, 'edge_idx': edge_idx,
            'pair_src': pair_src, 'pair_dst': pair_dst}


def reference(node_features, edge_features, bridge_features, params, node_idx, edge_idx, pair_src, pair_dst):
    nh = _layer_norm(node_features, params['ln_n_s'], params['ln_n_b'])
    eh = _layer_norm(edge_features, params['ln_e_s'], params['ln_e_b'])
    inter = _inter_rank(eh, nh, node_idx, edge_idx, params)
    intra = _intra_rank(nh, bridge_features, pair_src, pair_dst, params)
    return _linear(nh, params['Wnp'], params['bnp']) + intra + inter

if __name__ == "__main__":
    import jax
    _d = setup_inputs()
    print(jax.jit(kernel)(*tuple(_d.values())))

</pallas_src>

<mosaic_0001>
#map = affine_map<(d0, d1) -> (0, 0)>
#map1 = affine_map<(d0, d1) -> (0)>
module attributes {stable_mosaic.version = 14 : i64} {
  func.func @k(%arg0: i32, %arg1: i32, %arg2: memref<10000x128xf32, #tpu.memory_space<hbm>>, %arg3: memref<320000xi32, #tpu.memory_space<hbm>>, %arg4: memref<320000x128xf32, #tpu.memory_space<hbm>>, %arg5: memref<10000xi32, #tpu.memory_space<vmem>>, %arg6: memref<400x128xf32, #tpu.memory_space<vmem>>, %arg7: memref<400x128xf32, #tpu.memory_space<vmem>>, %arg8: memref<!tpu.dma_semaphore, #tpu.memory_space<semaphore_mem>>, %arg9: memref<!tpu.dma_semaphore, #tpu.memory_space<semaphore_mem>>) attributes {dimension_semantics = [#tpu.dimension_semantics<core_parallel>, #tpu.dimension_semantics<subcore_parallel>], iteration_bounds = array<i64: 2, 16>, scalar_prefetch = 0 : i64, scratch_operands = 5 : i64, tpu.core_type = #tpu.core_type<sc_vector_subcore>, window_params = [{transform_indices = #map}, {transform_indices = #map1}, {transform_indices = #map}]} {
    %mul3A = arith.constant 2 : i32
    %mul3A_0 = arith.muli %arg1, %mul3A : i32
    %add3A = arith.addi %mul3A_0, %arg0 : i32
    %mul3A_1 = arith.constant 10000 : i32
    %mul3A_2 = arith.muli %add3A, %mul3A_1 : i32
    "tpu.region"() ({
      %run_scoped3A = tpu.sem_alloc : memref<!tpu.dma_semaphore, #tpu.memory_space<semaphore_mem>>
      %dma_start3A_18 = tpu.memref_slice %arg3[%mul3A_2] : memref<320000xi32, #tpu.memory_space<hbm>> -> memref<10000xi32, #tpu.memory_space<hbm>>
      %dma_start3A_19 = tpu.memref_slice %arg3[%mul3A_2] : memref<320000xi32, #tpu.memory_space<hbm>> -> memref<10000xi32, #tpu.memory_space<hbm>>
      tpu.enqueue_dma source(%dma_start3A_19 : memref<10000xi32, #tpu.memory_space<hbm>>) target(%arg5 : memref<10000xi32, #tpu.memory_space<vmem>>) target_semaphore(%run_scoped3A : memref<!tpu.dma_semaphore, #tpu.memory_space<semaphore_mem>>)
      %dma_wait3A_20 = tpu.memref_slice %arg3[%mul3A_2] : memref<320000xi32, #tpu.memory_space<hbm>> -> memref<10000xi32, #tpu.memory_space<hbm>>
      %dma_wait3A_21 = tpu.memref_slice %arg3[%mul3A_2] : memref<320000xi32, #tpu.memory_space<hbm>> -> memref<10000xi32, #tpu.memory_space<hbm>>
      tpu.wait_dma2 semaphore(%run_scoped3A : memref<!tpu.dma_semaphore, #tpu.memory_space<semaphore_mem>>) src(%dma_wait3A_21 : memref<10000xi32, #tpu.memory_space<hbm>>) dst(%arg5 : memref<10000xi32, #tpu.memory_space<vmem>>)
      tpu.yield
    }) : () -> ()
    %dma_start3A = arith.constant 0 : i32
    %dma_start3A_3 = tpu.memref_slice %arg5[%dma_start3A] : memref<10000xi32, #tpu.memory_space<vmem>> -> memref<400xi32, #tpu.memory_space<vmem>>
    %dma_start3A_4 = arith.constant 0 : i32
    %dma_start3A_5 = arith.constant 0 : i32
    %dma_start3A_6 = tpu.memref_slice %arg2[%dma_start3A_4, %dma_start3A_5] : memref<10000x128xf32, #tpu.memory_space<hbm>> -> memref<10000x128xf32, #tpu.memory_space<hbm>>
    tpu.enqueue_indirect_dma source(%dma_start3A_6 : memref<10000x128xf32, #tpu.memory_space<hbm>>) target(%arg6 : memref<400x128xf32, #tpu.memory_space<vmem>>) offsets(%dma_start3A_3 : memref<400xi32, #tpu.memory_space<vmem>>) semaphore(%arg8 : memref<!tpu.dma_semaphore, #tpu.memory_space<semaphore_mem>>)
    %dma_wait3A = arith.constant 0 : i32
    %dma_wait3A_7 = tpu.memref_slice %arg5[%dma_wait3A] : memref<10000xi32, #tpu.memory_space<vmem>> -> memref<400xi32, #tpu.memory_space<vmem>>
    %dma_wait3A_8 = arith.constant 0 : i32
    %dma_wait3A_9 = arith.constant 0 : i32
    %dma_wait3A_10 = tpu.memref_slice %arg2[%dma_wait3A_8, %dma_wait3A_9] : memref<10000x128xf32, #tpu.memory_space<hbm>> -> memref<10000x128xf32, #tpu.memory_space<hbm>>
    tpu.wait_indirect_dma semaphore(%arg8 : memref<!tpu.dma_semaphore, #tpu.memory_space<semaphore_mem>>) src(%dma_wait3A_10 : memref<10000x128xf32, #tpu.memory_space<hbm>>) dst(%arg6 : memref<400x128xf32, #tpu.memory_space<vmem>>)
    %scan3A = arith.constant 0 : i32
    %scan3A_11 = arith.constant 0 : i32
    %scan3A_12 = arith.constant 12 : i32
    %scan3A_13 = arith.addi %scan3A_11, %scan3A_12 : i32
    %scan3A_14 = arith.constant 1 : i32
    scf.for %scan3A_18 = %scan3A_11 to %scan3A_13 step %scan3A_14  : i32 {
      %mul3A_19 = arith.constant 2 : i32
      %mul3A_20 = arith.muli %mul3A_19, %scan3A_18 : i32
      %add3A_21 = arith.constant 1 : i32
      %add3A_22 = arith.addi %mul3A_20, %add3A_21 : i32
      %mul3A_23 = arith.constant 400 : i32
      %mul3A_24 = arith.muli %add3A_22, %mul3A_23 : i32
      %dma_start3A_25 = tpu.memref_slice %arg5[%mul3A_24] : memref<10000xi32, #tpu.memory_space<vmem>> -> memref<400xi32, #tpu.memory_space<vmem>>
      %dma_start3A_26 = arith.constant 0 : i32
      %dma_start3A_27 = arith.constant 0 : i32
      %dma_start3A_28 = tpu.memref_slice %arg2[%dma_start3A_26, %dma_start3A_27] : memref<10000x128xf32, #tpu.memory_space<hbm>> -> memref<10000x128xf32, #tpu.memory_space<hbm>>
      tpu.enqueue_indirect_dma source(%dma_start3A_28 : memref<10000x128xf32, #tpu.memory_space<hbm>>) target(%arg7 : memref<400x128xf32, #tpu.memory_space<vmem>>) offsets(%dma_start3A_25 : memref<400xi32, #tpu.memory_space<vmem>>) semaphore(%arg9 : memref<!tpu.dma_semaphore, #tpu.memory_space<semaphore_mem>>)
      %mul3A_29 = arith.constant 400 : i32
      %mul3A_30 = arith.muli %mul3A_20, %mul3A_29 : i32
      %add3A_31 = arith.addi %mul3A_2, %mul3A_30 : i32
      "tpu.region"() ({
        %run_scoped3A = tpu.sem_alloc : memref<!tpu.dma_semaphore, #tpu.memory_space<semaphore_mem>>
        %dma_start3A_53 = arith.constant 0 : i32
        %dma_start3A_54 = tpu.memref_slice %arg4[%add3A_31, %dma_start3A_53] : memref<320000x128xf32, #tpu.memory_space<hbm>> -> memref<400x128xf32, #tpu.memory_space<hbm>>
        %dma_start3A_55 = arith.constant 0 : i32
        %dma_start3A_56 = tpu.memref_slice %arg4[%add3A_31, %dma_start3A_55] : memref<320000x128xf32, #tpu.memory_space<hbm>> -> memref<400x128xf32, #tpu.memory_space<hbm>>
        tpu.enqueue_dma source(%arg6 : memref<400x128xf32, #tpu.memory_space<vmem>>) target(%dma_start3A_56 : memref<400x128xf32, #tpu.memory_space<hbm>>) target_semaphore(%run_scoped3A : memref<!tpu.dma_semaphore, #tpu.memory_space<semaphore_mem>>)
        %dma_wait3A_57 = arith.constant 0 : i32
        %dma_wait3A_58 = tpu.memref_slice %arg4[%add3A_31, %dma_wait3A_57] : memref<320000x128xf32, #tpu.memory_space<hbm>> -> memref<400x128xf32, #tpu.memory_space<hbm>>
        %dma_wait3A_59 = arith.constant 0 : i32
        %dma_wait3A_60 = tpu.memref_slice %arg4[%add3A_31, %dma_wait3A_59] : memref<320000x128xf32, #tpu.memory_space<hbm>> -> memref<400x128xf32, #tpu.memory_space<hbm>>
        tpu.wait_dma2 semaphore(%run_scoped3A : memref<!tpu.dma_semaphore, #tpu.memory_space<semaphore_mem>>) src(%arg6 : memref<400x128xf32, #tpu.memory_space<vmem>>) dst(%dma_wait3A_60 : memref<400x128xf32, #tpu.memory_space<hbm>>)
        tpu.yield
      }) : () -> ()
      %dma_wait3A_32 = tpu.memref_slice %arg5[%mul3A_24] : memref<10000xi32, #tpu.memory_space<vmem>> -> memref<400xi32, #tpu.memory_space<vmem>>
      %dma_wait3A_33 = arith.constant 0 : i32
      %dma_wait3A_34 = arith.constant 0 : i32
      %dma_wait3A_35 = tpu.memref_slice %arg2[%dma_wait3A_33, %dma_wait3A_34] : memref<10000x128xf32, #tpu.memory_space<hbm>> -> memref<10000x128xf32, #tpu.memory_space<hbm>>
      tpu.wait_indirect_dma semaphore(%arg9 : memref<!tpu.dma_semaphore, #tpu.memory_space<semaphore_mem>>) src(%dma_wait3A_35 : memref<10000x128xf32, #tpu.memory_space<hbm>>) dst(%arg7 : memref<400x128xf32, #tpu.memory_space<vmem>>)
      %add3A_36 = arith.constant 2 : i32
      %add3A_37 = arith.addi %mul3A_20, %add3A_36 : i32
      %mul3A_38 = arith.constant 400 : i32
      %mul3A_39 = arith.muli %add3A_37, %mul3A_38 : i32
      %dma_start3A_40 = tpu.memref_slice %arg5[%mul3A_39] : memref<10000xi32, #tpu.memory_space<vmem>> -> memref<400xi32, #tpu.memory_space<vmem>>
      %dma_start3A_41 = arith.constant 0 : i32
      %dma_start3A_42 = arith.constant 0 : i32
      %dma_start3A_43 = tpu.memref_slice %arg2[%dma_start3A_41, %dma_start3A_42] : memref<10000x128xf32, #tpu.memory_space<hbm>> -> memref<10000x128xf32, #tpu.memory_space<hbm>>
      tpu.enqueue_indirect_dma source(%dma_start3A_43 : memref<10000x128xf32, #tpu.memory_space<hbm>>) target(%arg6 : memref<400x128xf32, #tpu.memory_space<vmem>>) offsets(%dma_start3A_40 : memref<400xi32, #tpu.memory_space<vmem>>) semaphore(%arg8 : memref<!tpu.dma_semaphore, #tpu.memory_space<semaphore_mem>>)
      %add3A_44 = arith.constant 1 : i32
      %add3A_45 = arith.addi %mul3A_20, %add3A_44 : i32
      %mul3A_46 = arith.constant 400 : i32
      %mul3A_47 = arith.muli %add3A_45, %mul3A_46 : i32
      %add3A_48 = arith.addi %mul3A_2, %mul3A_47 : i32
      "tpu.region"() ({
        %run_scoped3A = tpu.sem_alloc : memref<!tpu.dma_semaphore, #tpu.memory_space<semaphore_mem>>
        %dma_start3A_53 = arith.constant 0 : i32
        %dma_start3A_54 = tpu.memref_slice %arg4[%add3A_48, %dma_start3A_53] : memref<320000x128xf32, #tpu.memory_space<hbm>> -> memref<400x128xf32, #tpu.memory_space<hbm>>
        %dma_start3A_55 = arith.constant 0 : i32
        %dma_start3A_56 = tpu.memref_slice %arg4[%add3A_48, %dma_start3A_55] : memref<320000x128xf32, #tpu.memory_space<hbm>> -> memref<400x128xf32, #tpu.memory_space<hbm>>
        tpu.enqueue_dma source(%arg7 : memref<400x128xf32, #tpu.memory_space<vmem>>) target(%dma_start3A_56 : memref<400x128xf32, #tpu.memory_space<hbm>>) target_semaphore(%run_scoped3A : memref<!tpu.dma_semaphore, #tpu.memory_space<semaphore_mem>>)
        %dma_wait3A_57 = arith.constant 0 : i32
        %dma_wait3A_58 = tpu.memref_slice %arg4[%add3A_48, %dma_wait3A_57] : memref<320000x128xf32, #tpu.memory_space<hbm>> -> memref<400x128xf32, #tpu.memory_space<hbm>>
        %dma_wait3A_59 = arith.constant 0 : i32
        %dma_wait3A_60 = tpu.memref_slice %arg4[%add3A_48, %dma_wait3A_59] : memref<320000x128xf32, #tpu.memory_space<hbm>> -> memref<400x128xf32, #tpu.memory_space<hbm>>
        tpu.wait_dma2 semaphore(%run_scoped3A : memref<!tpu.dma_semaphore, #tpu.memory_space<semaphore_mem>>) src(%arg7 : memref<400x128xf32, #tpu.memory_space<vmem>>) dst(%dma_wait3A_60 : memref<400x128xf32, #tpu.memory_space<hbm>>)
        tpu.yield
      }) : () -> ()
      %dma_wait3A_49 = tpu.memref_slice %arg5[%mul3A_39] : memref<10000xi32, #tpu.memory_space<vmem>> -> memref<400xi32, #tpu.memory_space<vmem>>
      %dma_wait3A_50 = arith.constant 0 : i32
      %dma_wait3A_51 = arith.constant 0 : i32
      %dma_wait3A_52 = tpu.memref_slice %arg2[%dma_wait3A_50, %dma_wait3A_51] : memref<10000x128xf32, #tpu.memory_space<hbm>> -> memref<10000x128xf32, #tpu.memory_space<hbm>>
      tpu.wait_indirect_dma semaphore(%arg8 : memref<!tpu.dma_semaphore, #tpu.memory_space<semaphore_mem>>) src(%dma_wait3A_52 : memref<10000x128xf32, #tpu.memory_space<hbm>>) dst(%arg6 : memref<400x128xf32, #tpu.memory_space<vmem>>)
    }
    %scan3A_15 = arith.constant 12 : i32
    %add3A_16 = arith.constant 9600 : i32
    %add3A_17 = arith.addi %mul3A_2, %add3A_16 : i32
    "tpu.region"() ({
      %run_scoped3A = tpu.sem_alloc : memref<!tpu.dma_semaphore, #tpu.memory_space<semaphore_mem>>
      %dma_start3A_18 = arith.constant 0 : i32
      %dma_start3A_19 = tpu.memref_slice %arg4[%add3A_17, %dma_start3A_18] : memref<320000x128xf32, #tpu.memory_space<hbm>> -> memref<400x128xf32, #tpu.memory_space<hbm>>
      %dma_start3A_20 = arith.constant 0 : i32
      %dma_start3A_21 = tpu.memref_slice %arg4[%add3A_17, %dma_start3A_20] : memref<320000x128xf32, #tpu.memory_space<hbm>> -> memref<400x128xf32, #tpu.memory_space<hbm>>
      tpu.enqueue_dma source(%arg6 : memref<400x128xf32, #tpu.memory_space<vmem>>) target(%dma_start3A_21 : memref<400x128xf32, #tpu.memory_space<hbm>>) target_semaphore(%run_scoped3A : memref<!tpu.dma_semaphore, #tpu.memory_space<semaphore_mem>>)
      %dma_wait3A_22 = arith.constant 0 : i32
      %dma_wait3A_23 = tpu.memref_slice %arg4[%add3A_17, %dma_wait3A_22] : memref<320000x128xf32, #tpu.memory_space<hbm>> -> memref<400x128xf32, #tpu.memory_space<hbm>>
      %dma_wait3A_24 = arith.constant 0 : i32
      %dma_wait3A_25 = tpu.memref_slice %arg4[%add3A_17, %dma_wait3A_24] : memref<320000x128xf32, #tpu.memory_space<hbm>> -> memref<400x128xf32, #tpu.memory_space<hbm>>
      tpu.wait_dma2 semaphore(%run_scoped3A : memref<!tpu.dma_semaphore, #tpu.memory_space<semaphore_mem>>) src(%arg6 : memref<400x128xf32, #tpu.memory_space<vmem>>) dst(%dma_wait3A_25 : memref<400x128xf32, #tpu.memory_space<hbm>>)
      tpu.yield
    }) : () -> ()
    return
  }
}

#map = affine_map<(d0, d1) -> (0, 0)>
#map1 = affine_map<(d0, d1) -> (0)>
module attributes {stable_mosaic.version = 14 : i64} {
  func.func @k(%arg0: i32, %arg1: i32, %arg2: memref<10000x128xf32, #tpu.memory_space<hbm>>, %arg3: memref<320000xi32, #tpu.memory_space<hbm>>, %arg4: memref<320000x128xf32, #tpu.memory_space<hbm>>, %arg5: memref<10000xi32, #tpu.memory_space<vmem>>, %arg6: memref<400x128xf32, #tpu.memory_space<vmem>>, %arg7: memref<400x128xf32, #tpu.memory_space<vmem>>, %arg8: memref<!tpu.dma_semaphore, #tpu.memory_space<semaphore_mem>>, %arg9: memref<!tpu.dma_semaphore, #tpu.memory_space<semaphore_mem>>) attributes {dimension_semantics = [#tpu.dimension_semantics<core_parallel>, #tpu.dimension_semantics<subcore_parallel>], iteration_bounds = array<i64: 2, 16>, scalar_prefetch = 0 : i64, scratch_operands = 5 : i64, tpu.core_type = #tpu.core_type<sc_vector_subcore>, window_params = [{transform_indices = #map}, {transform_indices = #map1}, {transform_indices = #map}]} {
    %mul3A = arith.constant 2 : i32
    %mul3A_0 = arith.muli %arg1, %mul3A : i32
    %add3A = arith.addi %mul3A_0, %arg0 : i32
    %mul3A_1 = arith.constant 10000 : i32
    %mul3A_2 = arith.muli %add3A, %mul3A_1 : i32
    "tpu.region"() ({
      %run_scoped3A = tpu.sem_alloc : memref<!tpu.dma_semaphore, #tpu.memory_space<semaphore_mem>>
      %dma_start3A_18 = tpu.memref_slice %arg3[%mul3A_2] : memref<320000xi32, #tpu.memory_space<hbm>> -> memref<10000xi32, #tpu.memory_space<hbm>>
      %dma_start3A_19 = tpu.memref_slice %arg3[%mul3A_2] : memref<320000xi32, #tpu.memory_space<hbm>> -> memref<10000xi32, #tpu.memory_space<hbm>>
      tpu.enqueue_dma source(%dma_start3A_19 : memref<10000xi32, #tpu.memory_space<hbm>>) target(%arg5 : memref<10000xi32, #tpu.memory_space<vmem>>) target_semaphore(%run_scoped3A : memref<!tpu.dma_semaphore, #tpu.memory_space<semaphore_mem>>)
      %dma_wait3A_20 = tpu.memref_slice %arg3[%mul3A_2] : memref<320000xi32, #tpu.memory_space<hbm>> -> memref<10000xi32, #tpu.memory_space<hbm>>
      %dma_wait3A_21 = tpu.memref_slice %arg3[%mul3A_2] : memref<320000xi32, #tpu.memory_space<hbm>> -> memref<10000xi32, #tpu.memory_space<hbm>>
      tpu.wait_dma2 semaphore(%run_scoped3A : memref<!tpu.dma_semaphore, #tpu.memory_space<semaphore_mem>>) src(%dma_wait3A_21 : memref<10000xi32, #tpu.memory_space<hbm>>) dst(%arg5 : memref<10000xi32, #tpu.memory_space<vmem>>)
      tpu.yield
    }) : () -> ()
    %dma_start3A = arith.constant 0 : i32
    %dma_start3A_3 = tpu.memref_slice %arg5[%dma_start3A] : memref<10000xi32, #tpu.memory_space<vmem>> -> memref<400xi32, #tpu.memory_space<vmem>>
    %dma_start3A_4 = arith.constant 0 : i32
    %dma_start3A_5 = arith.constant 0 : i32
    %dma_start3A_6 = tpu.memref_slice %arg2[%dma_start3A_4, %dma_start3A_5] : memref<10000x128xf32, #tpu.memory_space<hbm>> -> memref<10000x128xf32, #tpu.memory_space<hbm>>
    tpu.enqueue_indirect_dma source(%dma_start3A_6 : memref<10000x128xf32, #tpu.memory_space<hbm>>) target(%arg6 : memref<400x128xf32, #tpu.memory_space<vmem>>) offsets(%dma_start3A_3 : memref<400xi32, #tpu.memory_space<vmem>>) semaphore(%arg8 : memref<!tpu.dma_semaphore, #tpu.memory_space<semaphore_mem>>)
    %dma_wait3A = arith.constant 0 : i32
    %dma_wait3A_7 = tpu.memref_slice %arg5[%dma_wait3A] : memref<10000xi32, #tpu.memory_space<vmem>> -> memref<400xi32, #tpu.memory_space<vmem>>
    %dma_wait3A_8 = arith.constant 0 : i32
    %dma_wait3A_9 = arith.constant 0 : i32
    %dma_wait3A_10 = tpu.memref_slice %arg2[%dma_wait3A_8, %dma_wait3A_9] : memref<10000x128xf32, #tpu.memory_space<hbm>> -> memref<10000x128xf32, #tpu.memory_space<hbm>>
    tpu.wait_indirect_dma semaphore(%arg8 : memref<!tpu.dma_semaphore, #tpu.memory_space<semaphore_mem>>) src(%dma_wait3A_10 : memref<10000x128xf32, #tpu.memory_space<hbm>>) dst(%arg6 : memref<400x128xf32, #tpu.memory_space<vmem>>)
    %scan3A = arith.constant 0 : i32
    %scan3A_11 = arith.constant 0 : i32
    %scan3A_12 = arith.constant 12 : i32
    %scan3A_13 = arith.addi %scan3A_11, %scan3A_12 : i32
    %scan3A_14 = arith.constant 1 : i32
    scf.for %scan3A_18 = %scan3A_11 to %scan3A_13 step %scan3A_14  : i32 {
      %mul3A_19 = arith.constant 2 : i32
      %mul3A_20 = arith.muli %mul3A_19, %scan3A_18 : i32
      %add3A_21 = arith.constant 1 : i32
      %add3A_22 = arith.addi %mul3A_20, %add3A_21 : i32
      %mul3A_23 = arith.constant 400 : i32
      %mul3A_24 = arith.muli %add3A_22, %mul3A_23 : i32
      %dma_start3A_25 = tpu.memref_slice %arg5[%mul3A_24] : memref<10000xi32, #tpu.memory_space<vmem>> -> memref<400xi32, #tpu.memory_space<vmem>>
      %dma_start3A_26 = arith.constant 0 : i32
      %dma_start3A_27 = arith.constant 0 : i32
      %dma_start3A_28 = tpu.memref_slice %arg2[%dma_start3A_26, %dma_start3A_27] : memref<10000x128xf32, #tpu.memory_space<hbm>> -> memref<10000x128xf32, #tpu.memory_space<hbm>>
      tpu.enqueue_indirect_dma source(%dma_start3A_28 : memref<10000x128xf32, #tpu.memory_space<hbm>>) target(%arg7 : memref<400x128xf32, #tpu.memory_space<vmem>>) offsets(%dma_start3A_25 : memref<400xi32, #tpu.memory_space<vmem>>) semaphore(%arg9 : memref<!tpu.dma_semaphore, #tpu.memory_space<semaphore_mem>>)
      %mul3A_29 = arith.constant 400 : i32
      %mul3A_30 = arith.muli %mul3A_20, %mul3A_29 : i32
      %add3A_31 = arith.addi %mul3A_2, %mul3A_30 : i32
      "tpu.region"() ({
        %run_scoped3A = tpu.sem_alloc : memref<!tpu.dma_semaphore, #tpu.memory_space<semaphore_mem>>
        %dma_start3A_53 = arith.constant 0 : i32
        %dma_start3A_54 = tpu.memref_slice %arg4[%add3A_31, %dma_start3A_53] : memref<320000x128xf32, #tpu.memory_space<hbm>> -> memref<400x128xf32, #tpu.memory_space<hbm>>
        %dma_start3A_55 = arith.constant 0 : i32
        %dma_start3A_56 = tpu.memref_slice %arg4[%add3A_31, %dma_start3A_55] : memref<320000x128xf32, #tpu.memory_space<hbm>> -> memref<400x128xf32, #tpu.memory_space<hbm>>
        tpu.enqueue_dma source(%arg6 : memref<400x128xf32, #tpu.memory_space<vmem>>) target(%dma_start3A_56 : memref<400x128xf32, #tpu.memory_space<hbm>>) target_semaphore(%run_scoped3A : memref<!tpu.dma_semaphore, #tpu.memory_space<semaphore_mem>>)
        %dma_wait3A_57 = arith.constant 0 : i32
        %dma_wait3A_58 = tpu.memref_slice %arg4[%add3A_31, %dma_wait3A_57] : memref<320000x128xf32, #tpu.memory_space<hbm>> -> memref<400x128xf32, #tpu.memory_space<hbm>>
        %dma_wait3A_59 = arith.constant 0 : i32
        %dma_wait3A_60 = tpu.memref_slice %arg4[%add3A_31, %dma_wait3A_59] : memref<320000x128xf32, #tpu.memory_space<hbm>> -> memref<400x128xf32, #tpu.memory_space<hbm>>
        tpu.wait_dma2 semaphore(%run_scoped3A : memref<!tpu.dma_semaphore, #tpu.memory_space<semaphore_mem>>) src(%arg6 : memref<400x128xf32, #tpu.memory_space<vmem>>) dst(%dma_wait3A_60 : memref<400x128xf32, #tpu.memory_space<hbm>>)
        tpu.yield
      }) : () -> ()
      %dma_wait3A_32 = tpu.memref_slice %arg5[%mul3A_24] : memref<10000xi32, #tpu.memory_space<vmem>> -> memref<400xi32, #tpu.memory_space<vmem>>
      %dma_wait3A_33 = arith.constant 0 : i32
      %dma_wait3A_34 = arith.constant 0 : i32
      %dma_wait3A_35 = tpu.memref_slice %arg2[%dma_wait3A_33, %dma_wait3A_34] : memref<10000x128xf32, #tpu.memory_space<hbm>> -> memref<10000x128xf32, #tpu.memory_space<hbm>>
      tpu.wait_indirect_dma semaphore(%arg9 : memref<!tpu.dma_semaphore, #tpu.memory_space<semaphore_mem>>) src(%dma_wait3A_35 : memref<10000x128xf32, #tpu.memory_space<hbm>>) dst(%arg7 : memref<400x128xf32, #tpu.memory_space<vmem>>)
      %add3A_36 = arith.constant 2 : i32
      %add3A_37 = arith.addi %mul3A_20, %add3A_36 : i32
      %mul3A_38 = arith.constant 400 : i32
      %mul3A_39 = arith.muli %add3A_37, %mul3A_38 : i32
      %dma_start3A_40 = tpu.memref_slice %arg5[%mul3A_39] : memref<10000xi32, #tpu.memory_space<vmem>> -> memref<400xi32, #tpu.memory_space<vmem>>
      %dma_start3A_41 = arith.constant 0 : i32
      %dma_start3A_42 = arith.constant 0 : i32
      %dma_start3A_43 = tpu.memref_slice %arg2[%dma_start3A_41, %dma_start3A_42] : memref<10000x128xf32, #tpu.memory_space<hbm>> -> memref<10000x128xf32, #tpu.memory_space<hbm>>
      tpu.enqueue_indirect_dma source(%dma_start3A_43 : memref<10000x128xf32, #tpu.memory_space<hbm>>) target(%arg6 : memref<400x128xf32, #tpu.memory_space<vmem>>) offsets(%dma_start3A_40 : memref<400xi32, #tpu.memory_space<vmem>>) semaphore(%arg8 : memref<!tpu.dma_semaphore, #tpu.memory_space<semaphore_mem>>)
      %add3A_44 = arith.constant 1 : i32
      %add3A_45 = arith.addi %mul3A_20, %add3A_44 : i32
      %mul3A_46 = arith.constant 400 : i32
      %mul3A_47 = arith.muli %add3A_45, %mul3A_46 : i32
      %add3A_48 = arith.addi %mul3A_2, %mul3A_47 : i32
      "tpu.region"() ({
        %run_scoped3A = tpu.sem_alloc : memref<!tpu.dma_semaphore, #tpu.memory_space<semaphore_mem>>
        %dma_start3A_53 = arith.constant 0 : i32
        %dma_start3A_54 = tpu.memref_slice %arg4[%add3A_48, %dma_start3A_53] : memref<320000x128xf32, #tpu.memory_space<hbm>> -> memref<400x128xf32, #tpu.memory_space<hbm>>
        %dma_start3A_55 = arith.constant 0 : i32
        %dma_start3A_56 = tpu.memref_slice %arg4[%add3A_48, %dma_start3A_55] : memref<320000x128xf32, #tpu.memory_space<hbm>> -> memref<400x128xf32, #tpu.memory_space<hbm>>
        tpu.enqueue_dma source(%arg7 : memref<400x128xf32, #tpu.memory_space<vmem>>) target(%dma_start3A_56 : memref<400x128xf32, #tpu.memory_space<hbm>>) target_semaphore(%run_scoped3A : memref<!tpu.dma_semaphore, #tpu.memory_space<semaphore_mem>>)
        %dma_wait3A_57 = arith.constant 0 : i32
        %dma_wait3A_58 = tpu.memref_slice %arg4[%add3A_48, %dma_wait3A_57] : memref<320000x128xf32, #tpu.memory_space<hbm>> -> memref<400x128xf32, #tpu.memory_space<hbm>>
        %dma_wait3A_59 = arith.constant 0 : i32
        %dma_wait3A_60 = tpu.memref_slice %arg4[%add3A_48, %dma_wait3A_59] : memref<320000x128xf32, #tpu.memory_space<hbm>> -> memref<400x128xf32, #tpu.memory_space<hbm>>
        tpu.wait_dma2 semaphore(%run_scoped3A : memref<!tpu.dma_semaphore, #tpu.memory_space<semaphore_mem>>) src(%arg7 : memref<400x128xf32, #tpu.memory_space<vmem>>) dst(%dma_wait3A_60 : memref<400x128xf32, #tpu.memory_space<hbm>>)
        tpu.yield
      }) : () -> ()
      %dma_wait3A_49 = tpu.memref_slice %arg5[%mul3A_39] : memref<10000xi32, #tpu.memory_space<vmem>> -> memref<400xi32, #tpu.memory_space<vmem>>
      %dma_wait3A_50 = arith.constant 0 : i32
      %dma_wait3A_51 = arith.constant 0 : i32
      %dma_wait3A_52 = tpu.memref_slice %arg2[%dma_wait3A_50, %dma_wait3A_51] : memref<10000x128xf32, #tpu.memory_space<hbm>> -> memref<10000x128xf32, #tpu.memory_space<hbm>>
      tpu.wait_indirect_dma semaphore(%arg8 : memref<!tpu.dma_semaphore, #tpu.memory_space<semaphore_mem>>) src(%dma_wait3A_52 : memref<10000x128xf32, #tpu.memory_space<hbm>>) dst(%arg6 : memref<400x128xf32, #tpu.memory_space<vmem>>)
    }
    %scan3A_15 = arith.constant 12 : i32
    %add3A_16 = arith.constant 9600 : i32
    %add3A_17 = arith.addi %mul3A_2, %add3A_16 : i32
    "tpu.region"() ({
      %run_scoped3A = tpu.sem_alloc : memref<!tpu.dma_semaphore, #tpu.memory_space<semaphore_mem>>
      %dma_start3A_18 = arith.constant 0 : i32
      %dma_start3A_19 = tpu.memref_slice %arg4[%add3A_17, %dma_start3A_18] : memref<320000x128xf32, #tpu.memory_space<hbm>> -> memref<400x128xf32, #tpu.memory_space<hbm>>
      %dma_start3A_20 = arith.constant 0 : i32
      %dma_start3A_21 = tpu.memref_slice %arg4[%add3A_17, %dma_start3A_20] : memref<320000x128xf32, #tpu.memory_space<hbm>> -> memref<400x128xf32, #tpu.memory_space<hbm>>
      tpu.enqueue_dma source(%arg6 : memref<400x128xf32, #tpu.memory_space<vmem>>) target(%dma_start3A_21 : memref<400x128xf32, #tpu.memory_space<hbm>>) target_semaphore(%run_scoped3A : memref<!tpu.dma_semaphore, #tpu.memory_space<semaphore_mem>>)
      %dma_wait3A_22 = arith.constant 0 : i32
      %dma_wait3A_23 = tpu.memref_slice %arg4[%add3A_17, %dma_wait3A_22] : memref<320000x128xf32, #tpu.memory_space<hbm>> -> memref<400x128xf32, #tpu.memory_space<hbm>>
      %dma_wait3A_24 = arith.constant 0 : i32
      %dma_wait3A_25 = tpu.memref_slice %arg4[%add3A_17, %dma_wait3A_24] : memref<320000x128xf32, #tpu.memory_space<hbm>> -> memref<400x128xf32, #tpu.memory_space<hbm>>
      tpu.wait_dma2 semaphore(%run_scoped3A : memref<!tpu.dma_semaphore, #tpu.memory_space<semaphore_mem>>) src(%arg6 : memref<400x128xf32, #tpu.memory_space<vmem>>) dst(%dma_wait3A_25 : memref<400x128xf32, #tpu.memory_space<hbm>>)
      tpu.yield
    }) : () -> ()
    return
  }
}

#map = affine_map<(d0, d1) -> (0, 0)>
#map1 = affine_map<(d0, d1) -> (0)>
module attributes {stable_mosaic.version = 14 : i64} {
  func.func @k(%arg0: i32, %arg1: i32, %arg2: memref<2000x128xf32, #tpu.memory_space<hbm>>, %arg3: memref<320000xi32, #tpu.memory_space<hbm>>, %arg4: memref<320000x128xf32, #tpu.memory_space<hbm>>, %arg5: memref<10000xi32, #tpu.memory_space<vmem>>, %arg6: memref<400x128xf32, #tpu.memory_space<vmem>>, %arg7: memref<400x128xf32, #tpu.memory_space<vmem>>, %arg8: memref<!tpu.dma_semaphore, #tpu.memory_space<semaphore_mem>>, %arg9: memref<!tpu.dma_semaphore, #tpu.memory_space<semaphore_mem>>) attributes {dimension_semantics = [#tpu.dimension_semantics<core_parallel>, #tpu.dimension_semantics<subcore_parallel>], iteration_bounds = array<i64: 2, 16>, scalar_prefetch = 0 : i64, scratch_operands = 5 : i64, tpu.core_type = #tpu.core_type<sc_vector_subcore>, window_params = [{transform_indices = #map}, {transform_indices = #map1}, {transform_indices = #map}]} {
    %mul3A = arith.constant 2 : i32
    %mul3A_0 = arith.muli %arg1, %mul3A : i32
    %add3A = arith.addi %mul3A_0, %arg0 : i32
    %mul3A_1 = arith.constant 10000 : i32
    %mul3A_2 = arith.muli %add3A, %mul3A_1 : i32
    "tpu.region"() ({
      %run_scoped3A = tpu.sem_alloc : memref<!tpu.dma_semaphore, #tpu.memory_space<semaphore_mem>>
      %dma_start3A_18 = tpu.memref_slice %arg3[%mul3A_2] : memref<320000xi32, #tpu.memory_space<hbm>> -> memref<10000xi32, #tpu.memory_space<hbm>>
      %dma_start3A_19 = tpu.memref_slice %arg3[%mul3A_2] : memref<320000xi32, #tpu.memory_space<hbm>> -> memref<10000xi32, #tpu.memory_space<hbm>>
      tpu.enqueue_dma source(%dma_start3A_19 : memref<10000xi32, #tpu.memory_space<hbm>>) target(%arg5 : memref<10000xi32, #tpu.memory_space<vmem>>) target_semaphore(%run_scoped3A : memref<!tpu.dma_semaphore, #tpu.memory_space<semaphore_mem>>)
      %dma_wait3A_20 = tpu.memref_slice %arg3[%mul3A_2] : memref<320000xi32, #tpu.memory_space<hbm>> -> memref<10000xi32, #tpu.memory_space<hbm>>
      %dma_wait3A_21 = tpu.memref_slice %arg3[%mul3A_2] : memref<320000xi32, #tpu.memory_space<hbm>> -> memref<10000xi32, #tpu.memory_space<hbm>>
      tpu.wait_dma2 semaphore(%run_scoped3A : memref<!tpu.dma_semaphore, #tpu.memory_space<semaphore_mem>>) src(%dma_wait3A_21 : memref<10000xi32, #tpu.memory_space<hbm>>) dst(%arg5 : memref<10000xi32, #tpu.memory_space<vmem>>)
      tpu.yield
    }) : () -> ()
    %dma_start3A = arith.constant 0 : i32
    %dma_start3A_3 = tpu.memref_slice %arg5[%dma_start3A] : memref<10000xi32, #tpu.memory_space<vmem>> -> memref<400xi32, #tpu.memory_space<vmem>>
    %dma_start3A_4 = arith.constant 0 : i32
    %dma_start3A_5 = arith.constant 0 : i32
    %dma_start3A_6 = tpu.memref_slice %arg2[%dma_start3A_4, %dma_start3A_5] : memref<2000x128xf32, #tpu.memory_space<hbm>> -> memref<2000x128xf32, #tpu.memory_space<hbm>>
    tpu.enqueue_indirect_dma source(%dma_start3A_6 : memref<2000x128xf32, #tpu.memory_space<hbm>>) target(%arg6 : memref<400x128xf32, #tpu.memory_space<vmem>>) offsets(%dma_start3A_3 : memref<400xi32, #tpu.memory_space<vmem>>) semaphore(%arg8 : memref<!tpu.dma_semaphore, #tpu.memory_space<semaphore_mem>>)
    %dma_wait3A = arith.constant 0 : i32
    %dma_wait3A_7 = tpu.memref_slice %arg5[%dma_wait3A] : memref<10000xi32, #tpu.memory_space<vmem>> -> memref<400xi32, #tpu.memory_space<vmem>>
    %dma_wait3A_8 = arith.constant 0 : i32
    %dma_wait3A_9 = arith.constant 0 : i32
    %dma_wait3A_10 = tpu.memref_slice %arg2[%dma_wait3A_8, %dma_wait3A_9] : memref<2000x128xf32, #tpu.memory_space<hbm>> -> memref<2000x128xf32, #tpu.memory_space<hbm>>
    tpu.wait_indirect_dma semaphore(%arg8 : memref<!tpu.dma_semaphore, #tpu.memory_space<semaphore_mem>>) src(%dma_wait3A_10 : memref<2000x128xf32, #tpu.memory_space<hbm>>) dst(%arg6 : memref<400x128xf32, #tpu.memory_space<vmem>>)
    %scan3A = arith.constant 0 : i32
    %scan3A_11 = arith.constant 0 : i32
    %scan3A_12 = arith.constant 12 : i32
    %scan3A_13 = arith.addi %scan3A_11, %scan3A_12 : i32
    %scan3A_14 = arith.constant 1 : i32
    scf.for %scan3A_18 = %scan3A_11 to %scan3A_13 step %scan3A_14  : i32 {
      %mul3A_19 = arith.constant 2 : i32
      %mul3A_20 = arith.muli %mul3A_19, %scan3A_18 : i32
      %add3A_21 = arith.constant 1 : i32
      %add3A_22 = arith.addi %mul3A_20, %add3A_21 : i32
      %mul3A_23 = arith.constant 400 : i32
      %mul3A_24 = arith.muli %add3A_22, %mul3A_23 : i32
      %dma_start3A_25 = tpu.memref_slice %arg5[%mul3A_24] : memref<10000xi32, #tpu.memory_space<vmem>> -> memref<400xi32, #tpu.memory_space<vmem>>
      %dma_start3A_26 = arith.constant 0 : i32
      %dma_start3A_27 = arith.constant 0 : i32
      %dma_start3A_28 = tpu.memref_slice %arg2[%dma_start3A_26, %dma_start3A_27] : memref<2000x128xf32, #tpu.memory_space<hbm>> -> memref<2000x128xf32, #tpu.memory_space<hbm>>
      tpu.enqueue_indirect_dma source(%dma_start3A_28 : memref<2000x128xf32, #tpu.memory_space<hbm>>) target(%arg7 : memref<400x128xf32, #tpu.memory_space<vmem>>) offsets(%dma_start3A_25 : memref<400xi32, #tpu.memory_space<vmem>>) semaphore(%arg9 : memref<!tpu.dma_semaphore, #tpu.memory_space<semaphore_mem>>)
      %mul3A_29 = arith.constant 400 : i32
      %mul3A_30 = arith.muli %mul3A_20, %mul3A_29 : i32
      %add3A_31 = arith.addi %mul3A_2, %mul3A_30 : i32
      "tpu.region"() ({
        %run_scoped3A = tpu.sem_alloc : memref<!tpu.dma_semaphore, #tpu.memory_space<semaphore_mem>>
        %dma_start3A_53 = arith.constant 0 : i32
        %dma_start3A_54 = tpu.memref_slice %arg4[%add3A_31, %dma_start3A_53] : memref<320000x128xf32, #tpu.memory_space<hbm>> -> memref<400x128xf32, #tpu.memory_space<hbm>>
        %dma_start3A_55 = arith.constant 0 : i32
        %dma_start3A_56 = tpu.memref_slice %arg4[%add3A_31, %dma_start3A_55] : memref<320000x128xf32, #tpu.memory_space<hbm>> -> memref<400x128xf32, #tpu.memory_space<hbm>>
        tpu.enqueue_dma source(%arg6 : memref<400x128xf32, #tpu.memory_space<vmem>>) target(%dma_start3A_56 : memref<400x128xf32, #tpu.memory_space<hbm>>) target_semaphore(%run_scoped3A : memref<!tpu.dma_semaphore, #tpu.memory_space<semaphore_mem>>)
        %dma_wait3A_57 = arith.constant 0 : i32
        %dma_wait3A_58 = tpu.memref_slice %arg4[%add3A_31, %dma_wait3A_57] : memref<320000x128xf32, #tpu.memory_space<hbm>> -> memref<400x128xf32, #tpu.memory_space<hbm>>
        %dma_wait3A_59 = arith.constant 0 : i32
        %dma_wait3A_60 = tpu.memref_slice %arg4[%add3A_31, %dma_wait3A_59] : memref<320000x128xf32, #tpu.memory_space<hbm>> -> memref<400x128xf32, #tpu.memory_space<hbm>>
        tpu.wait_dma2 semaphore(%run_scoped3A : memref<!tpu.dma_semaphore, #tpu.memory_space<semaphore_mem>>) src(%arg6 : memref<400x128xf32, #tpu.memory_space<vmem>>) dst(%dma_wait3A_60 : memref<400x128xf32, #tpu.memory_space<hbm>>)
        tpu.yield
      }) : () -> ()
      %dma_wait3A_32 = tpu.memref_slice %arg5[%mul3A_24] : memref<10000xi32, #tpu.memory_space<vmem>> -> memref<400xi32, #tpu.memory_space<vmem>>
      %dma_wait3A_33 = arith.constant 0 : i32
      %dma_wait3A_34 = arith.constant 0 : i32
      %dma_wait3A_35 = tpu.memref_slice %arg2[%dma_wait3A_33, %dma_wait3A_34] : memref<2000x128xf32, #tpu.memory_space<hbm>> -> memref<2000x128xf32, #tpu.memory_space<hbm>>
      tpu.wait_indirect_dma semaphore(%arg9 : memref<!tpu.dma_semaphore, #tpu.memory_space<semaphore_mem>>) src(%dma_wait3A_35 : memref<2000x128xf32, #tpu.memory_space<hbm>>) dst(%arg7 : memref<400x128xf32, #tpu.memory_space<vmem>>)
      %add3A_36 = arith.constant 2 : i32
      %add3A_37 = arith.addi %mul3A_20, %add3A_36 : i32
      %mul3A_38 = arith.constant 400 : i32
      %mul3A_39 = arith.muli %add3A_37, %mul3A_38 : i32
      %dma_start3A_40 = tpu.memref_slice %arg5[%mul3A_39] : memref<10000xi32, #tpu.memory_space<vmem>> -> memref<400xi32, #tpu.memory_space<vmem>>
      %dma_start3A_41 = arith.constant 0 : i32
      %dma_start3A_42 = arith.constant 0 : i32
      %dma_start3A_43 = tpu.memref_slice %arg2[%dma_start3A_41, %dma_start3A_42] : memref<2000x128xf32, #tpu.memory_space<hbm>> -> memref<2000x128xf32, #tpu.memory_space<hbm>>
      tpu.enqueue_indirect_dma source(%dma_start3A_43 : memref<2000x128xf32, #tpu.memory_space<hbm>>) target(%arg6 : memref<400x128xf32, #tpu.memory_space<vmem>>) offsets(%dma_start3A_40 : memref<400xi32, #tpu.memory_space<vmem>>) semaphore(%arg8 : memref<!tpu.dma_semaphore, #tpu.memory_space<semaphore_mem>>)
      %add3A_44 = arith.constant 1 : i32
      %add3A_45 = arith.addi %mul3A_20, %add3A_44 : i32
      %mul3A_46 = arith.constant 400 : i32
      %mul3A_47 = arith.muli %add3A_45, %mul3A_46 : i32
      %add3A_48 = arith.addi %mul3A_2, %mul3A_47 : i32
      "tpu.region"() ({
        %run_scoped3A = tpu.sem_alloc : memref<!tpu.dma_semaphore, #tpu.memory_space<semaphore_mem>>
        %dma_start3A_53 = arith.constant 0 : i32
        %dma_start3A_54 = tpu.memref_slice %arg4[%add3A_48, %dma_start3A_53] : memref<320000x128xf32, #tpu.memory_space<hbm>> -> memref<400x128xf32, #tpu.memory_space<hbm>>
        %dma_start3A_55 = arith.constant 0 : i32
        %dma_start3A_56 = tpu.memref_slice %arg4[%add3A_48, %dma_start3A_55] : memref<320000x128xf32, #tpu.memory_space<hbm>> -> memref<400x128xf32, #tpu.memory_space<hbm>>
        tpu.enqueue_dma source(%arg7 : memref<400x128xf32, #tpu.memory_space<vmem>>) target(%dma_start3A_56 : memref<400x128xf32, #tpu.memory_space<hbm>>) target_semaphore(%run_scoped3A : memref<!tpu.dma_semaphore, #tpu.memory_space<semaphore_mem>>)
        %dma_wait3A_57 = arith.constant 0 : i32
        %dma_wait3A_58 = tpu.memref_slice %arg4[%add3A_48, %dma_wait3A_57] : memref<320000x128xf32, #tpu.memory_space<hbm>> -> memref<400x128xf32, #tpu.memory_space<hbm>>
        %dma_wait3A_59 = arith.constant 0 : i32
        %dma_wait3A_60 = tpu.memref_slice %arg4[%add3A_48, %dma_wait3A_59] : memref<320000x128xf32, #tpu.memory_space<hbm>> -> memref<400x128xf32, #tpu.memory_space<hbm>>
        tpu.wait_dma2 semaphore(%run_scoped3A : memref<!tpu.dma_semaphore, #tpu.memory_space<semaphore_mem>>) src(%arg7 : memref<400x128xf32, #tpu.memory_space<vmem>>) dst(%dma_wait3A_60 : memref<400x128xf32, #tpu.memory_space<hbm>>)
        tpu.yield
      }) : () -> ()
      %dma_wait3A_49 = tpu.memref_slice %arg5[%mul3A_39] : memref<10000xi32, #tpu.memory_space<vmem>> -> memref<400xi32, #tpu.memory_space<vmem>>
      %dma_wait3A_50 = arith.constant 0 : i32
      %dma_wait3A_51 = arith.constant 0 : i32
      %dma_wait3A_52 = tpu.memref_slice %arg2[%dma_wait3A_50, %dma_wait3A_51] : memref<2000x128xf32, #tpu.memory_space<hbm>> -> memref<2000x128xf32, #tpu.memory_space<hbm>>
      tpu.wait_indirect_dma semaphore(%arg8 : memref<!tpu.dma_semaphore, #tpu.memory_space<semaphore_mem>>) src(%dma_wait3A_52 : memref<2000x128xf32, #tpu.memory_space<hbm>>) dst(%arg6 : memref<400x128xf32, #tpu.memory_space<vmem>>)
    }
    %scan3A_15 = arith.constant 12 : i32
    %add3A_16 = arith.constant 9600 : i32
    %add3A_17 = arith.addi %mul3A_2, %add3A_16 : i32
    "tpu.region"() ({
      %run_scoped3A = tpu.sem_alloc : memref<!tpu.dma_semaphore, #tpu.memory_space<semaphore_mem>>
      %dma_start3A_18 = arith.constant 0 : i32
      %dma_start3A_19 = tpu.memref_slice %arg4[%add3A_17, %dma_start3A_18] : memref<320000x128xf32, #tpu.memory_space<hbm>> -> memref<400x128xf32, #tpu.memory_space<hbm>>
      %dma_start3A_20 = arith.constant 0 : i32
      %dma_start3A_21 = tpu.memref_slice %arg4[%add3A_17, %dma_start3A_20] : memref<320000x128xf32, #tpu.memory_space<hbm>> -> memref<400x128xf32, #tpu.memory_space<hbm>>
      tpu.enqueue_dma source(%arg6 : memref<400x128xf32, #tpu.memory_space<vmem>>) target(%dma_start3A_21 : memref<400x128xf32, #tpu.memory_space<hbm>>) target_semaphore(%run_scoped3A : memref<!tpu.dma_semaphore, #tpu.memory_space<semaphore_mem>>)
      %dma_wait3A_22 = arith.constant 0 : i32
      %dma_wait3A_23 = tpu.memref_slice %arg4[%add3A_17, %dma_wait3A_22] : memref<320000x128xf32, #tpu.memory_space<hbm>> -> memref<400x128xf32, #tpu.memory_space<hbm>>
      %dma_wait3A_24 = arith.constant 0 : i32
      %dma_wait3A_25 = tpu.memref_slice %arg4[%add3A_17, %dma_wait3A_24] : memref<320000x128xf32, #tpu.memory_space<hbm>> -> memref<400x128xf32, #tpu.memory_space<hbm>>
      tpu.wait_dma2 semaphore(%run_scoped3A : memref<!tpu.dma_semaphore, #tpu.memory_space<semaphore_mem>>) src(%arg6 : memref<400x128xf32, #tpu.memory_space<vmem>>) dst(%dma_wait3A_25 : memref<400x128xf32, #tpu.memory_space<hbm>>)
      tpu.yield
    }) : () -> ()
    return
  }
}

#map = affine_map<(d0, d1) -> (0, 0)>
#map1 = affine_map<(d0, d1) -> (0)>
module attributes {stable_mosaic.version = 14 : i64} {
  func.func @k(%arg0: i32, %arg1: i32, %arg2: memref<10000x128xf32, #tpu.memory_space<hbm>>, %arg3: memref<320000xi32, #tpu.memory_space<hbm>>, %arg4: memref<320000x128xf32, #tpu.memory_space<hbm>>, %arg5: memref<10000xi32, #tpu.memory_space<vmem>>, %arg6: memref<400x128xf32, #tpu.memory_space<vmem>>, %arg7: memref<400x128xf32, #tpu.memory_space<vmem>>, %arg8: memref<!tpu.dma_semaphore, #tpu.memory_space<semaphore_mem>>, %arg9: memref<!tpu.dma_semaphore, #tpu.memory_space<semaphore_mem>>) attributes {dimension_semantics = [#tpu.dimension_semantics<core_parallel>, #tpu.dimension_semantics<subcore_parallel>], iteration_bounds = array<i64: 2, 16>, scalar_prefetch = 0 : i64, scratch_operands = 5 : i64, tpu.core_type = #tpu.core_type<sc_vector_subcore>, window_params = [{transform_indices = #map}, {transform_indices = #map1}, {transform_indices = #map}]} {
    %mul3A = arith.constant 2 : i32
    %mul3A_0 = arith.muli %arg1, %mul3A : i32
    %add3A = arith.addi %mul3A_0, %arg0 : i32
    %mul3A_1 = arith.constant 10000 : i32
    %mul3A_2 = arith.muli %add3A, %mul3A_1 : i32
    "tpu.region"() ({
      %run_scoped3A = tpu.sem_alloc : memref<!tpu.dma_semaphore, #tpu.memory_space<semaphore_mem>>
      %dma_start3A_18 = tpu.memref_slice %arg3[%mul3A_2] : memref<320000xi32, #tpu.memory_space<hbm>> -> memref<10000xi32, #tpu.memory_space<hbm>>
      %dma_start3A_19 = tpu.memref_slice %arg3[%mul3A_2] : memref<320000xi32, #tpu.memory_space<hbm>> -> memref<10000xi32, #tpu.memory_space<hbm>>
      tpu.enqueue_dma source(%dma_start3A_19 : memref<10000xi32, #tpu.memory_space<hbm>>) target(%arg5 : memref<10000xi32, #tpu.memory_space<vmem>>) target_semaphore(%run_scoped3A : memref<!tpu.dma_semaphore, #tpu.memory_space<semaphore_mem>>)
      %dma_wait3A_20 = tpu.memref_slice %arg3[%mul3A_2] : memref<320000xi32, #tpu.memory_space<hbm>> -> memref<10000xi32, #tpu.memory_space<hbm>>
      %dma_wait3A_21 = tpu.memref_slice %arg3[%mul3A_2] : memref<320000xi32, #tpu.memory_space<hbm>> -> memref<10000xi32, #tpu.memory_space<hbm>>
      tpu.wait_dma2 semaphore(%run_scoped3A : memref<!tpu.dma_semaphore, #tpu.memory_space<semaphore_mem>>) src(%dma_wait3A_21 : memref<10000xi32, #tpu.memory_space<hbm>>) dst(%arg5 : memref<10000xi32, #tpu.memory_space<vmem>>)
      tpu.yield
    }) : () -> ()
    %dma_start3A = arith.constant 0 : i32
    %dma_start3A_3 = tpu.memref_slice %arg5[%dma_start3A] : memref<10000xi32, #tpu.memory_space<vmem>> -> memref<400xi32, #tpu.memory_space<vmem>>
    %dma_start3A_4 = arith.constant 0 : i32
    %dma_start3A_5 = arith.constant 0 : i32
    %dma_start3A_6 = tpu.memref_slice %arg2[%dma_start3A_4, %dma_start3A_5] : memref<10000x128xf32, #tpu.memory_space<hbm>> -> memref<10000x128xf32, #tpu.memory_space<hbm>>
    tpu.enqueue_indirect_dma source(%dma_start3A_6 : memref<10000x128xf32, #tpu.memory_space<hbm>>) target(%arg6 : memref<400x128xf32, #tpu.memory_space<vmem>>) offsets(%dma_start3A_3 : memref<400xi32, #tpu.memory_space<vmem>>) semaphore(%arg8 : memref<!tpu.dma_semaphore, #tpu.memory_space<semaphore_mem>>)
    %dma_wait3A = arith.constant 0 : i32
    %dma_wait3A_7 = tpu.memref_slice %arg5[%dma_wait3A] : memref<10000xi32, #tpu.memory_space<vmem>> -> memref<400xi32, #tpu.memory_space<vmem>>
    %dma_wait3A_8 = arith.constant 0 : i32
    %dma_wait3A_9 = arith.constant 0 : i32
    %dma_wait3A_10 = tpu.memref_slice %arg2[%dma_wait3A_8, %dma_wait3A_9] : memref<10000x128xf32, #tpu.memory_space<hbm>> -> memref<10000x128xf32, #tpu.memory_space<hbm>>
    tpu.wait_indirect_dma semaphore(%arg8 : memref<!tpu.dma_semaphore, #tpu.memory_space<semaphore_mem>>) src(%dma_wait3A_10 : memref<10000x128xf32, #tpu.memory_space<hbm>>) dst(%arg6 : memref<400x128xf32, #tpu.memory_space<vmem>>)
    %scan3A = arith.constant 0 : i32
    %scan3A_11 = arith.constant 0 : i32
    %scan3A_12 = arith.constant 12 : i32
    %scan3A_13 = arith.addi %scan3A_11, %scan3A_12 : i32
    %scan3A_14 = arith.constant 1 : i32
    scf.for %scan3A_18 = %scan3A_11 to %scan3A_13 step %scan3A_14  : i32 {
      %mul3A_19 = arith.constant 2 : i32
      %mul3A_20 = arith.muli %mul3A_19, %scan3A_18 : i32
      %add3A_21 = arith.constant 1 : i32
      %add3A_22 = arith.addi %mul3A_20, %add3A_21 : i32
      %mul3A_23 = arith.constant 400 : i32
      %mul3A_24 = arith.muli %add3A_22, %mul3A_23 : i32
      %dma_start3A_25 = tpu.memref_slice %arg5[%mul3A_24] : memref<10000xi32, #tpu.memory_space<vmem>> -> memref<400xi32, #tpu.memory_space<vmem>>
      %dma_start3A_26 = arith.constant 0 : i32
      %dma_start3A_27 = arith.constant 0 : i32
      %dma_start3A_28 = tpu.memref_slice %arg2[%dma_start3A_26, %dma_start3A_27] : memref<10000x128xf32, #tpu.memory_space<hbm>> -> memref<10000x128xf32, #tpu.memory_space<hbm>>
      tpu.enqueue_indirect_dma source(%dma_start3A_28 : memref<10000x128xf32, #tpu.memory_space<hbm>>) target(%arg7 : memref<400x128xf32, #tpu.memory_space<vmem>>) offsets(%dma_start3A_25 : memref<400xi32, #tpu.memory_space<vmem>>) semaphore(%arg9 : memref<!tpu.dma_semaphore, #tpu.memory_space<semaphore_mem>>)
      %mul3A_29 = arith.constant 400 : i32
      %mul3A_30 = arith.muli %mul3A_20, %mul3A_29 : i32
      %add3A_31 = arith.addi %mul3A_2, %mul3A_30 : i32
      "tpu.region"() ({
        %run_scoped3A = tpu.sem_alloc : memref<!tpu.dma_semaphore, #tpu.memory_space<semaphore_mem>>
        %dma_start3A_53 = arith.constant 0 : i32
        %dma_start3A_54 = tpu.memref_slice %arg4[%add3A_31, %dma_start3A_53] : memref<320000x128xf32, #tpu.memory_space<hbm>> -> memref<400x128xf32, #tpu.memory_space<hbm>>
        %dma_start3A_55 = arith.constant 0 : i32
        %dma_start3A_56 = tpu.memref_slice %arg4[%add3A_31, %dma_start3A_55] : memref<320000x128xf32, #tpu.memory_space<hbm>> -> memref<400x128xf32, #tpu.memory_space<hbm>>
        tpu.enqueue_dma source(%arg6 : memref<400x128xf32, #tpu.memory_space<vmem>>) target(%dma_start3A_56 : memref<400x128xf32, #tpu.memory_space<hbm>>) target_semaphore(%run_scoped3A : memref<!tpu.dma_semaphore, #tpu.memory_space<semaphore_mem>>)
        %dma_wait3A_57 = arith.constant 0 : i32
        %dma_wait3A_58 = tpu.memref_slice %arg4[%add3A_31, %dma_wait3A_57] : memref<320000x128xf32, #tpu.memory_space<hbm>> -> memref<400x128xf32, #tpu.memory_space<hbm>>
        %dma_wait3A_59 = arith.constant 0 : i32
        %dma_wait3A_60 = tpu.memref_slice %arg4[%add3A_31, %dma_wait3A_59] : memref<320000x128xf32, #tpu.memory_space<hbm>> -> memref<400x128xf32, #tpu.memory_space<hbm>>
        tpu.wait_dma2 semaphore(%run_scoped3A : memref<!tpu.dma_semaphore, #tpu.memory_space<semaphore_mem>>) src(%arg6 : memref<400x128xf32, #tpu.memory_space<vmem>>) dst(%dma_wait3A_60 : memref<400x128xf32, #tpu.memory_space<hbm>>)
        tpu.yield
      }) : () -> ()
      %dma_wait3A_32 = tpu.memref_slice %arg5[%mul3A_24] : memref<10000xi32, #tpu.memory_space<vmem>> -> memref<400xi32, #tpu.memory_space<vmem>>
      %dma_wait3A_33 = arith.constant 0 : i32
      %dma_wait3A_34 = arith.constant 0 : i32
      %dma_wait3A_35 = tpu.memref_slice %arg2[%dma_wait3A_33, %dma_wait3A_34] : memref<10000x128xf32, #tpu.memory_space<hbm>> -> memref<10000x128xf32, #tpu.memory_space<hbm>>
      tpu.wait_indirect_dma semaphore(%arg9 : memref<!tpu.dma_semaphore, #tpu.memory_space<semaphore_mem>>) src(%dma_wait3A_35 : memref<10000x128xf32, #tpu.memory_space<hbm>>) dst(%arg7 : memref<400x128xf32, #tpu.memory_space<vmem>>)
      %add3A_36 = arith.constant 2 : i32
      %add3A_37 = arith.addi %mul3A_20, %add3A_36 : i32
      %mul3A_38 = arith.constant 400 : i32
      %mul3A_39 = arith.muli %add3A_37, %mul3A_38 : i32
      %dma_start3A_40 = tpu.memref_slice %arg5[%mul3A_39] : memref<10000xi32, #tpu.memory_space<vmem>> -> memref<400xi32, #tpu.memory_space<vmem>>
      %dma_start3A_41 = arith.constant 0 : i32
      %dma_start3A_42 = arith.constant 0 : i32
      %dma_start3A_43 = tpu.memref_slice %arg2[%dma_start3A_41, %dma_start3A_42] : memref<10000x128xf32, #tpu.memory_space<hbm>> -> memref<10000x128xf32, #tpu.memory_space<hbm>>
      tpu.enqueue_indirect_dma source(%dma_start3A_43 : memref<10000x128xf32, #tpu.memory_space<hbm>>) target(%arg6 : memref<400x128xf32, #tpu.memory_space<vmem>>) offsets(%dma_start3A_40 : memref<400xi32, #tpu.memory_space<vmem>>) semaphore(%arg8 : memref<!tpu.dma_semaphore, #tpu.memory_space<semaphore_mem>>)
      %add3A_44 = arith.constant 1 : i32
      %add3A_45 = arith.addi %mul3A_20, %add3A_44 : i32
      %mul3A_46 = arith.constant 400 : i32
      %mul3A_47 = arith.muli %add3A_45, %mul3A_46 : i32
      %add3A_48 = arith.addi %mul3A_2, %mul3A_47 : i32
      "tpu.region"() ({
        %run_scoped3A = tpu.sem_alloc : memref<!tpu.dma_semaphore, #tpu.memory_space<semaphore_mem>>
        %dma_start3A_53 = arith.constant 0 : i32
        %dma_start3A_54 = tpu.memref_slice %arg4[%add3A_48, %dma_start3A_53] : memref<320000x128xf32, #tpu.memory_space<hbm>> -> memref<400x128xf32, #tpu.memory_space<hbm>>
        %dma_start3A_55 = arith.constant 0 : i32
        %dma_start3A_56 = tpu.memref_slice %arg4[%add3A_48, %dma_start3A_55] : memref<320000x128xf32, #tpu.memory_space<hbm>> -> memref<400x128xf32, #tpu.memory_space<hbm>>
        tpu.enqueue_dma source(%arg7 : memref<400x128xf32, #tpu.memory_space<vmem>>) target(%dma_start3A_56 : memref<400x128xf32, #tpu.memory_space<hbm>>) target_semaphore(%run_scoped3A : memref<!tpu.dma_semaphore, #tpu.memory_space<semaphore_mem>>)
        %dma_wait3A_57 = arith.constant 0 : i32
        %dma_wait3A_58 = tpu.memref_slice %arg4[%add3A_48, %dma_wait3A_57] : memref<320000x128xf32, #tpu.memory_space<hbm>> -> memref<400x128xf32, #tpu.memory_space<hbm>>
        %dma_wait3A_59 = arith.constant 0 : i32
        %dma_wait3A_60 = tpu.memref_slice %arg4[%add3A_48, %dma_wait3A_59] : memref<320000x128xf32, #tpu.memory_space<hbm>> -> memref<400x128xf32, #tpu.memory_space<hbm>>
        tpu.wait_dma2 semaphore(%run_scoped3A : memref<!tpu.dma_semaphore, #tpu.memory_space<semaphore_mem>>) src(%arg7 : memref<400x128xf32, #tpu.memory_space<vmem>>) dst(%dma_wait3A_60 : memref<400x128xf32, #tpu.memory_space<hbm>>)
        tpu.yield
      }) : () -> ()
      %dma_wait3A_49 = tpu.memref_slice %arg5[%mul3A_39] : memref<10000xi32, #tpu.memory_space<vmem>> -> memref<400xi32, #tpu.memory_space<vmem>>
      %dma_wait3A_50 = arith.constant 0 : i32
      %dma_wait3A_51 = arith.constant 0 : i32
      %dma_wait3A_52 = tpu.memref_slice %arg2[%dma_wait3A_50, %dma_wait3A_51] : memref<10000x128xf32, #tpu.memory_space<hbm>> -> memref<10000x128xf32, #tpu.memory_space<hbm>>
      tpu.wait_indirect_dma semaphore(%arg8 : memref<!tpu.dma_semaphore, #tpu.memory_space<semaphore_mem>>) src(%dma_wait3A_52 : memref<10000x128xf32, #tpu.memory_space<hbm>>) dst(%arg6 : memref<400x128xf32, #tpu.memory_space<vmem>>)
    }
    %scan3A_15 = arith.constant 12 : i32
    %add3A_16 = arith.constant 9600 : i32
    %add3A_17 = arith.addi %mul3A_2, %add3A_16 : i32
    "tpu.region"() ({
      %run_scoped3A = tpu.sem_alloc : memref<!tpu.dma_semaphore, #tpu.memory_space<semaphore_mem>>
      %dma_start3A_18 = arith.constant 0 : i32
      %dma_start3A_19 = tpu.memref_slice %arg4[%add3A_17, %dma_start3A_18] : memref<320000x128xf32, #tpu.memory_space<hbm>> -> memref<400x128xf32, #tpu.memory_space<hbm>>
      %dma_start3A_20 = arith.constant 0 : i32
      %dma_start3A_21 = tpu.memref_slice %arg4[%add3A_17, %dma_start3A_20] : memref<320000x128xf32, #tpu.memory_space<hbm>> -> memref<400x128xf32, #tpu.memory_space<hbm>>
      tpu.enqueue_dma source(%arg6 : memref<400x128xf32, #tpu.memory_space<vmem>>) target(%dma_start3A_21 : memref<400x128xf32, #tpu.memory_space<hbm>>) target_semaphore(%run_scoped3A : memref<!tpu.dma_semaphore, #tpu.memory_space<semaphore_mem>>)
      %dma_wait3A_22 = arith.constant 0 : i32
      %dma_wait3A_23 = tpu.memref_slice %arg4[%add3A_17, %dma_wait3A_22] : memref<320000x128xf32, #tpu.memory_space<hbm>> -> memref<400x128xf32, #tpu.memory_space<hbm>>
      %dma_wait3A_24 = arith.constant 0 : i32
      %dma_wait3A_25 = tpu.memref_slice %arg4[%add3A_17, %dma_wait3A_24] : memref<320000x128xf32, #tpu.memory_space<hbm>> -> memref<400x128xf32, #tpu.memory_space<hbm>>
      tpu.wait_dma2 semaphore(%run_scoped3A : memref<!tpu.dma_semaphore, #tpu.memory_space<semaphore_mem>>) src(%arg6 : memref<400x128xf32, #tpu.memory_space<vmem>>) dst(%dma_wait3A_25 : memref<400x128xf32, #tpu.memory_space<hbm>>)
      tpu.yield
    }) : () -> ()
    return
  }
}

#map = affine_map<(d0, d1) -> (0, 0)>
#map1 = affine_map<(d0, d1) -> (0, 0, 0)>
module attributes {stable_mosaic.version = 14 : i64} {
  func.func @k(%arg0: i32, %arg1: i32, %arg2: memref<320000x128xf32, #tpu.memory_space<hbm>>, %arg3: memref<320000x128xf32, #tpu.memory_space<hbm>>, %arg4: memref<32x125x80xi32, #tpu.memory_space<hbm>>, %arg5: memref<640x128xf32, #tpu.memory_space<hbm>>, %arg6: memref<2x10240x128xf32, #tpu.memory_space<hbm>>, %arg7: memref<2x10240x128xf32, #tpu.memory_space<hbm>>, %arg8: memref<125x80xi32, #tpu.memory_space<vmem>>, %arg9: memref<80x128xf32, #tpu.memory_space<vmem>>, %arg10: memref<80x128xf32, #tpu.memory_space<vmem>>, %arg11: memref<10240x128xf32, #tpu.memory_space<vmem_shared>>, %arg12: memref<!tpu.dma_semaphore, #tpu.memory_space<semaphore_mem>>, %arg13: memref<!tpu.dma_semaphore, #tpu.memory_space<semaphore_mem>>) attributes {dimension_semantics = [#tpu.dimension_semantics<core_parallel>, #tpu.dimension_semantics<subcore_parallel>], iteration_bounds = array<i64: 2, 16>, scalar_prefetch = 0 : i64, scratch_operands = 6 : i64, tpu.core_type = #tpu.core_type<sc_vector_subcore>, window_params = [{transform_indices = #map}, {transform_indices = #map}, {transform_indices = #map1}, {transform_indices = #map}, {transform_indices = #map1}, {transform_indices = #map1}]} {
    %mul3A = arith.constant 2 : i32
    %mul3A_0 = arith.muli %arg1, %mul3A : i32
    %add3A = arith.addi %mul3A_0, %arg0 : i32
    %mul3A_1 = arith.constant 10000 : i32
    %mul3A_2 = arith.muli %add3A, %mul3A_1 : i32
    %mul3A_3 = arith.constant 640 : i32
    %mul3A_4 = arith.muli %arg1, %mul3A_3 : i32
    "tpu.region"() ({
      %run_scoped3A_34 = tpu.sem_alloc : memref<!tpu.dma_semaphore, #tpu.memory_space<semaphore_mem>>
      %dma_start3A_35 = arith.constant 0 : i32
      %dma_start3A_36 = arith.constant 0 : i32
      %dma_start3A_37 = tpu.memref_slice %arg4[%add3A, %dma_start3A_35, %dma_start3A_36] : memref<32x125x80xi32, #tpu.memory_space<hbm>> -> memref<1x125x80xi32, #tpu.memory_space<hbm>>
      %dma_start3A_38 = tpu.memref_squeeze %dma_start3A_37 : memref<1x125x80xi32, #tpu.memory_space<hbm>> -> memref<125x80xi32, #tpu.memory_space<hbm>>
      %dma_start3A_39 = arith.constant 0 : i32
      %dma_start3A_40 = arith.constant 0 : i32
      %dma_start3A_41 = tpu.memref_slice %arg4[%add3A, %dma_start3A_39, %dma_start3A_40] : memref<32x125x80xi32, #tpu.memory_space<hbm>> -> memref<1x125x80xi32, #tpu.memory_space<hbm>>
      %dma_start3A_42 = tpu.memref_squeeze %dma_start3A_41 : memref<1x125x80xi32, #tpu.memory_space<hbm>> -> memref<125x80xi32, #tpu.memory_space<hbm>>
      tpu.enqueue_dma source(%dma_start3A_42 : memref<125x80xi32, #tpu.memory_space<hbm>>) target(%arg8 : memref<125x80xi32, #tpu.memory_space<vmem>>) target_semaphore(%run_scoped3A_34 : memref<!tpu.dma_semaphore, #tpu.memory_space<semaphore_mem>>)
      %dma_wait3A_43 = arith.constant 0 : i32
      %dma_wait3A_44 = arith.constant 0 : i32
      %dma_wait3A_45 = tpu.memref_slice %arg4[%add3A, %dma_wait3A_43, %dma_wait3A_44] : memref<32x125x80xi32, #tpu.memory_space<hbm>> -> memref<1x125x80xi32, #tpu.memory_space<hbm>>
      %dma_wait3A_46 = tpu.memref_squeeze %dma_wait3A_45 : memref<1x125x80xi32, #tpu.memory_space<hbm>> -> memref<125x80xi32, #tpu.memory_space<hbm>>
      %dma_wait3A_47 = arith.constant 0 : i32
      %dma_wait3A_48 = arith.constant 0 : i32
      %dma_wait3A_49 = tpu.memref_slice %arg4[%add3A, %dma_wait3A_47, %dma_wait3A_48] : memref<32x125x80xi32, #tpu.memory_space<hbm>> -> memref<1x125x80xi32, #tpu.memory_space<hbm>>
      %dma_wait3A_50 = tpu.memref_squeeze %dma_wait3A_49 : memref<1x125x80xi32, #tpu.memory_space<hbm>> -> memref<125x80xi32, #tpu.memory_space<hbm>>
      tpu.wait_dma2 semaphore(%run_scoped3A_34 : memref<!tpu.dma_semaphore, #tpu.memory_space<semaphore_mem>>) src(%dma_wait3A_50 : memref<125x80xi32, #tpu.memory_space<hbm>>) dst(%arg8 : memref<125x80xi32, #tpu.memory_space<vmem>>)
      tpu.yield
    }) : () -> ()
    "tpu.region"() ({
      %run_scoped3A_34 = tpu.sem_alloc : memref<!tpu.dma_semaphore, #tpu.memory_space<semaphore_mem>>
      %dma_start3A_35 = arith.constant 0 : i32
      %dma_start3A_36 = tpu.memref_slice %arg11[%mul3A_4, %dma_start3A_35] : memref<10240x128xf32, #tpu.memory_space<vmem_shared>> -> memref<640x128xf32, #tpu.memory_space<vmem_shared>>
      tpu.enqueue_dma source(%arg5 : memref<640x128xf32, #tpu.memory_space<hbm>>) target(%dma_start3A_36 : memref<640x128xf32, #tpu.memory_space<vmem_shared>>) target_semaphore(%run_scoped3A_34 : memref<!tpu.dma_semaphore, #tpu.memory_space<semaphore_mem>>)
      %dma_wait3A_37 = arith.constant 0 : i32
      %dma_wait3A_38 = tpu.memref_slice %arg11[%mul3A_4, %dma_wait3A_37] : memref<10240x128xf32, #tpu.memory_space<vmem_shared>> -> memref<640x128xf32, #tpu.memory_space<vmem_shared>>
      tpu.wait_dma2 semaphore(%run_scoped3A_34 : memref<!tpu.dma_semaphore, #tpu.memory_space<semaphore_mem>>) src(%arg5 : memref<640x128xf32, #tpu.memory_space<hbm>>) dst(%dma_wait3A_38 : memref<640x128xf32, #tpu.memory_space<vmem_shared>>)
      tpu.yield
    }) : () -> ()
    %barrier3A = arith.constant 0 : index
    tpu.barrier barrier_id(%barrier3A)
    %dma_start3A = arith.constant 0 : i32
    %dma_start3A_5 = tpu.memref_slice %arg2[%mul3A_2, %dma_start3A] : memref<320000x128xf32, #tpu.memory_space<hbm>> -> memref<80x128xf32, #tpu.memory_space<hbm>>
    %dma_start3A_6 = arith.constant 0 : i32
    %dma_start3A_7 = tpu.memref_slice %arg2[%mul3A_2, %dma_start3A_6] : memref<320000x128xf32, #tpu.memory_space<hbm>> -> memref<80x128xf32, #tpu.memory_space<hbm>>
    tpu.enqueue_dma source(%dma_start3A_7 : memref<80x128xf32, #tpu.memory_space<hbm>>) target(%arg9 : memref<80x128xf32, #tpu.memory_space<vmem>>) target_semaphore(%arg12 : memref<!tpu.dma_semaphore, #tpu.memory_space<semaphore_mem>>)
    %dma_wait3A = arith.constant 0 : i32
    %dma_wait3A_8 = tpu.memref_slice %arg2[%mul3A_2, %dma_wait3A] : memref<320000x128xf32, #tpu.memory_space<hbm>> -> memref<80x128xf32, #tpu.memory_space<hbm>>
    %dma_wait3A_9 = arith.constant 0 : i32
    %dma_wait3A_10 = tpu.memref_slice %arg2[%mul3A_2, %dma_wait3A_9] : memref<320000x128xf32, #tpu.memory_space<hbm>> -> memref<80x128xf32, #tpu.memory_space<hbm>>
    tpu.wait_dma2 semaphore(%arg12 : memref<!tpu.dma_semaphore, #tpu.memory_space<semaphore_mem>>) src(%dma_wait3A_10 : memref<80x128xf32, #tpu.memory_space<hbm>>) dst(%arg9 : memref<80x128xf32, #tpu.memory_space<vmem>>)
    %scan3A = arith.constant 0 : i32
    %scan3A_11 = arith.constant 0 : i32
    %scan3A_12 = arith.constant 62 : i32
    %scan3A_13 = arith.addi %scan3A_11, %scan3A_12 : i32
    %scan3A_14 = arith.constant 1 : i32
    scf.for %scan3A_34 = %scan3A_11 to %scan3A_13 step %scan3A_14  : i32 {
      %mul3A_35 = arith.constant 2 : i32
      %mul3A_36 = arith.muli %mul3A_35, %scan3A_34 : i32
      %add3A_37 = arith.constant 1 : i32
      %add3A_38 = arith.addi %mul3A_36, %add3A_37 : i32
      %mul3A_39 = arith.constant 80 : i32
      %mul3A_40 = arith.muli %add3A_38, %mul3A_39 : i32
      %add3A_41 = arith.addi %mul3A_2, %mul3A_40 : i32
      %dma_start3A_42 = arith.constant 0 : i32
      %dma_start3A_43 = tpu.memref_slice %arg2[%add3A_41, %dma_start3A_42] : memref<320000x128xf32, #tpu.memory_space<hbm>> -> memref<80x128xf32, #tpu.memory_space<hbm>>
      %dma_start3A_44 = arith.constant 0 : i32
      %dma_start3A_45 = tpu.memref_slice %arg2[%add3A_41, %dma_start3A_44] : memref<320000x128xf32, #tpu.memory_space<hbm>> -> memref<80x128xf32, #tpu.memory_space<hbm>>
      tpu.enqueue_dma source(%dma_start3A_45 : memref<80x128xf32, #tpu.memory_space<hbm>>) target(%arg10 : memref<80x128xf32, #tpu.memory_space<vmem>>) target_semaphore(%arg13 : memref<!tpu.dma_semaphore, #tpu.memory_space<semaphore_mem>>)
      "tpu.region"() ({
        %run_scoped3A_65 = tpu.sem_alloc : memref<!tpu.dma_semaphore, #tpu.memory_space<semaphore_mem>>
        %dma_start3A_66 = arith.constant 0 : i32
        %dma_start3A_67 = tpu.memref_slice %arg8[%mul3A_36, %dma_start3A_66] : memref<125x80xi32, #tpu.memory_space<vmem>> -> memref<1x80xi32, #tpu.memory_space<vmem>>
        %dma_start3A_68 = tpu.memref_squeeze %dma_start3A_67 : memref<1x80xi32, #tpu.memory_space<vmem>> -> memref<80xi32, #tpu.memory_space<vmem>>
        %dma_start3A_69 = arith.constant 0 : i32
        %dma_start3A_70 = arith.constant 0 : i32
        %dma_start3A_71 = tpu.memref_slice %arg11[%dma_start3A_69, %dma_start3A_70] : memref<10240x128xf32, #tpu.memory_space<vmem_shared>> -> memref<10240x128xf32, #tpu.memory_space<vmem_shared>>
        tpu.enqueue_indirect_dma source(%arg9 : memref<80x128xf32, #tpu.memory_space<vmem>>) target(%dma_start3A_71 : memref<10240x128xf32, #tpu.memory_space<vmem_shared>>) offsets(%dma_start3A_68 : memref<80xi32, #tpu.memory_space<vmem>>) semaphore(%run_scoped3A_65 : memref<!tpu.dma_semaphore, #tpu.memory_space<semaphore_mem>>) {add = true}
        %dma_wait3A_72 = arith.constant 0 : i32
        %dma_wait3A_73 = tpu.memref_slice %arg8[%mul3A_36, %dma_wait3A_72] : memref<125x80xi32, #tpu.memory_space<vmem>> -> memref<1x80xi32, #tpu.memory_space<vmem>>
        %dma_wait3A_74 = tpu.memref_squeeze %dma_wait3A_73 : memref<1x80xi32, #tpu.memory_space<vmem>> -> memref<80xi32, #tpu.memory_space<vmem>>
        %dma_wait3A_75 = arith.constant 0 : i32
        %dma_wait3A_76 = arith.constant 0 : i32
        %dma_wait3A_77 = tpu.memref_slice %arg11[%dma_wait3A_75, %dma_wait3A_76] : memref<10240x128xf32, #tpu.memory_space<vmem_shared>> -> memref<10240x128xf32, #tpu.memory_space<vmem_shared>>
        tpu.wait_indirect_dma semaphore(%run_scoped3A_65 : memref<!tpu.dma_semaphore, #tpu.memory_space<semaphore_mem>>) src(%arg9 : memref<80x128xf32, #tpu.memory_space<vmem>>) dst(%dma_wait3A_77 : memref<10240x128xf32, #tpu.memory_space<vmem_shared>>)
        tpu.yield
      }) : () -> ()
      %dma_wait3A_46 = arith.constant 0 : i32
      %dma_wait3A_47 = tpu.memref_slice %arg2[%add3A_41, %dma_wait3A_46] : memref<320000x128xf32, #tpu.memory_space<hbm>> -> memref<80x128xf32, #tpu.memory_space<hbm>>
      %dma_wait3A_48 = arith.constant 0 : i32
      %dma_wait3A_49 = tpu.memref_slice %arg2[%add3A_41, %dma_wait3A_48] : memref<320000x128xf32, #tpu.memory_space<hbm>> -> memref<80x128xf32, #tpu.memory_space<hbm>>
      tpu.wait_dma2 semaphore(%arg13 : memref<!tpu.dma_semaphore, #tpu.memory_space<semaphore_mem>>) src(%dma_wait3A_49 : memref<80x128xf32, #tpu.memory_space<hbm>>) dst(%arg10 : memref<80x128xf32, #tpu.memory_space<vmem>>)
      %add3A_50 = arith.constant 2 : i32
      %add3A_51 = arith.addi %mul3A_36, %add3A_50 : i32
      %mul3A_52 = arith.constant 80 : i32
      %mul3A_53 = arith.muli %add3A_51, %mul3A_52 : i32
      %add3A_54 = arith.addi %mul3A_2, %mul3A_53 : i32
      %dma_start3A_55 = arith.constant 0 : i32
      %dma_start3A_56 = tpu.memref_slice %arg2[%add3A_54, %dma_start3A_55] : memref<320000x128xf32, #tpu.memory_space<hbm>> -> memref<80x128xf32, #tpu.memory_space<hbm>>
      %dma_start3A_57 = arith.constant 0 : i32
      %dma_start3A_58 = tpu.memref_slice %arg2[%add3A_54, %dma_start3A_57] : memref<320000x128xf32, #tpu.memory_space<hbm>> -> memref<80x128xf32, #tpu.memory_space<hbm>>
      tpu.enqueue_dma source(%dma_start3A_58 : memref<80x128xf32, #tpu.memory_space<hbm>>) target(%arg9 : memref<80x128xf32, #tpu.memory_space<vmem>>) target_semaphore(%arg12 : memref<!tpu.dma_semaphore, #tpu.memory_space<semaphore_mem>>)
      %add3A_59 = arith.constant 1 : i32
      %add3A_60 = arith.addi %mul3A_36, %add3A_59 : i32
      "tpu.region"() ({
        %run_scoped3A_65 = tpu.sem_alloc : memref<!tpu.dma_semaphore, #tpu.memory_space<semaphore_mem>>
        %dma_start3A_66 = arith.constant 0 : i32
        %dma_start3A_67 = tpu.memref_slice %arg8[%add3A_60, %dma_start3A_66] : memref<125x80xi32, #tpu.memory_space<vmem>> -> memref<1x80xi32, #tpu.memory_space<vmem>>
        %dma_start3A_68 = tpu.memref_squeeze %dma_start3A_67 : memref<1x80xi32, #tpu.memory_space<vmem>> -> memref<80xi32, #tpu.memory_space<vmem>>
        %dma_start3A_69 = arith.constant 0 : i32
        %dma_start3A_70 = arith.constant 0 : i32
        %dma_start3A_71 = tpu.memref_slice %arg11[%dma_start3A_69, %dma_start3A_70] : memref<10240x128xf32, #tpu.memory_space<vmem_shared>> -> memref<10240x128xf32, #tpu.memory_space<vmem_shared>>
        tpu.enqueue_indirect_dma source(%arg10 : memref<80x128xf32, #tpu.memory_space<vmem>>) target(%dma_start3A_71 : memref<10240x128xf32, #tpu.memory_space<vmem_shared>>) offsets(%dma_start3A_68 : memref<80xi32, #tpu.memory_space<vmem>>) semaphore(%run_scoped3A_65 : memref<!tpu.dma_semaphore, #tpu.memory_space<semaphore_mem>>) {add = true}
        %dma_wait3A_72 = arith.constant 0 : i32
        %dma_wait3A_73 = tpu.memref_slice %arg8[%add3A_60, %dma_wait3A_72] : memref<125x80xi32, #tpu.memory_space<vmem>> -> memref<1x80xi32, #tpu.memory_space<vmem>>
        %dma_wait3A_74 = tpu.memref_squeeze %dma_wait3A_73 : memref<1x80xi32, #tpu.memory_space<vmem>> -> memref<80xi32, #tpu.memory_space<vmem>>
        %dma_wait3A_75 = arith.constant 0 : i32
        %dma_wait3A_76 = arith.constant 0 : i32
        %dma_wait3A_77 = tpu.memref_slice %arg11[%dma_wait3A_75, %dma_wait3A_76] : memref<10240x128xf32, #tpu.memory_space<vmem_shared>> -> memref<10240x128xf32, #tpu.memory_space<vmem_shared>>
        tpu.wait_indirect_dma semaphore(%run_scoped3A_65 : memref<!tpu.dma_semaphore, #tpu.memory_space<semaphore_mem>>) src(%arg10 : memref<80x128xf32, #tpu.memory_space<vmem>>) dst(%dma_wait3A_77 : memref<10240x128xf32, #tpu.memory_space<vmem_shared>>)
        tpu.yield
      }) : () -> ()
      %dma_wait3A_61 = arith.constant 0 : i32
      %dma_wait3A_62 = tpu.memref_slice %arg2[%add3A_54, %dma_wait3A_61] : memref<320000x128xf32, #tpu.memory_space<hbm>> -> memref<80x128xf32, #tpu.memory_space<hbm>>
      %dma_wait3A_63 = arith.constant 0 : i32
      %dma_wait3A_64 = tpu.memref_slice %arg2[%add3A_54, %dma_wait3A_63] : memref<320000x128xf32, #tpu.memory_space<hbm>> -> memref<80x128xf32, #tpu.memory_space<hbm>>
      tpu.wait_dma2 semaphore(%arg12 : memref<!tpu.dma_semaphore, #tpu.memory_space<semaphore_mem>>) src(%dma_wait3A_64 : memref<80x128xf32, #tpu.memory_space<hbm>>) dst(%arg9 : memref<80x128xf32, #tpu.memory_space<vmem>>)
    }
    %scan3A_15 = arith.constant 62 : i32
    %run_scoped3A = arith.constant 124 : i32
    "tpu.region"() ({
      %run_scoped3A_34 = tpu.sem_alloc : memref<!tpu.dma_semaphore, #tpu.memory_space<semaphore_mem>>
      %dma_start3A_35 = arith.constant 0 : i32
      %dma_start3A_36 = tpu.memref_slice %arg8[%run_scoped3A, %dma_start3A_35] : memref<125x80xi32, #tpu.memory_space<vmem>> -> memref<1x80xi32, #tpu.memory_space<vmem>>
      %dma_start3A_37 = tpu.memref_squeeze %dma_start3A_36 : memref<1x80xi32, #tpu.memory_space<vmem>> -> memref<80xi32, #tpu.memory_space<vmem>>
      %dma_start3A_38 = arith.constant 0 : i32
      %dma_start3A_39 = arith.constant 0 : i32
      %dma_start3A_40 = tpu.memref_slice %arg11[%dma_start3A_38, %dma_start3A_39] : memref<10240x128xf32, #tpu.memory_space<vmem_shared>> -> memref<10240x128xf32, #tpu.memory_space<vmem_shared>>
      tpu.enqueue_indirect_dma source(%arg9 : memref<80x128xf32, #tpu.memory_space<vmem>>) target(%dma_start3A_40 : memref<10240x128xf32, #tpu.memory_space<vmem_shared>>) offsets(%dma_start3A_37 : memref<80xi32, #tpu.memory_space<vmem>>) semaphore(%run_scoped3A_34 : memref<!tpu.dma_semaphore, #tpu.memory_space<semaphore_mem>>) {add = true}
      %dma_wait3A_41 = arith.constant 0 : i32
      %dma_wait3A_42 = tpu.memref_slice %arg8[%run_scoped3A, %dma_wait3A_41] : memref<125x80xi32, #tpu.memory_space<vmem>> -> memref<1x80xi32, #tpu.memory_space<vmem>>
      %dma_wait3A_43 = tpu.memref_squeeze %dma_wait3A_42 : memref<1x80xi32, #tpu.memory_space<vmem>> -> memref<80xi32, #tpu.memory_space<vmem>>
      %dma_wait3A_44 = arith.constant 0 : i32
      %dma_wait3A_45 = arith.constant 0 : i32
      %dma_wait3A_46 = tpu.memref_slice %arg11[%dma_wait3A_44, %dma_wait3A_45] : memref<10240x128xf32, #tpu.memory_space<vmem_shared>> -> memref<10240x128xf32, #tpu.memory_space<vmem_shared>>
      tpu.wait_indirect_dma semaphore(%run_scoped3A_34 : memref<!tpu.dma_semaphore, #tpu.memory_space<semaphore_mem>>) src(%arg9 : memref<80x128xf32, #tpu.memory_space<vmem>>) dst(%dma_wait3A_46 : memref<10240x128xf32, #tpu.memory_space<vmem_shared>>)
      tpu.yield
    }) : () -> ()
    %barrier3A_16 = arith.constant 0 : index
    tpu.barrier barrier_id(%barrier3A_16)
    "tpu.region"() ({
      %run_scoped3A_34 = tpu.sem_alloc : memref<!tpu.dma_semaphore, #tpu.memory_space<semaphore_mem>>
      %dma_start3A_35 = arith.constant 0 : i32
      %dma_start3A_36 = tpu.memref_slice %arg6[%arg0, %mul3A_4, %dma_start3A_35] : memref<2x10240x128xf32, #tpu.memory_space<hbm>> -> memref<1x640x128xf32, #tpu.memory_space<hbm>>
      %dma_start3A_37 = tpu.memref_squeeze %dma_start3A_36 : memref<1x640x128xf32, #tpu.memory_space<hbm>> -> memref<640x128xf32, #tpu.memory_space<hbm>>
      %dma_start3A_38 = arith.constant 0 : i32
      %dma_start3A_39 = tpu.memref_slice %arg11[%mul3A_4, %dma_start3A_38] : memref<10240x128xf32, #tpu.memory_space<vmem_shared>> -> memref<640x128xf32, #tpu.memory_space<vmem_shared>>
      tpu.enqueue_dma source(%dma_start3A_39 : memref<640x128xf32, #tpu.memory_space<vmem_shared>>) target(%dma_start3A_37 : memref<640x128xf32, #tpu.memory_space<hbm>>) target_semaphore(%run_scoped3A_34 : memref<!tpu.dma_semaphore, #tpu.memory_space<semaphore_mem>>)
      %dma_wait3A_40 = arith.constant 0 : i32
      %dma_wait3A_41 = tpu.memref_slice %arg6[%arg0, %mul3A_4, %dma_wait3A_40] : memref<2x10240x128xf32, #tpu.memory_space<hbm>> -> memref<1x640x128xf32, #tpu.memory_space<hbm>>
      %dma_wait3A_42 = tpu.memref_squeeze %dma_wait3A_41 : memref<1x640x128xf32, #tpu.memory_space<hbm>> -> memref<640x128xf32, #tpu.memory_space<hbm>>
      %dma_wait3A_43 = arith.constant 0 : i32
      %dma_wait3A_44 = tpu.memref_slice %arg11[%mul3A_4, %dma_wait3A_43] : memref<10240x128xf32, #tpu.memory_space<vmem_shared>> -> memref<640x128xf32, #tpu.memory_space<vmem_shared>>
      tpu.wait_dma2 semaphore(%run_scoped3A_34 : memref<!tpu.dma_semaphore, #tpu.memory_space<semaphore_mem>>) src(%dma_wait3A_44 : memref<640x128xf32, #tpu.memory_space<vmem_shared>>) dst(%dma_wait3A_42 : memref<640x128xf32, #tpu.memory_space<hbm>>)
      tpu.yield
    }) : () -> ()
    "tpu.region"() ({
      %run_scoped3A_34 = tpu.sem_alloc : memref<!tpu.dma_semaphore, #tpu.memory_space<semaphore_mem>>
      %dma_start3A_35 = arith.constant 0 : i32
      %dma_start3A_36 = tpu.memref_slice %arg11[%mul3A_4, %dma_start3A_35] : memref<10240x128xf32, #tpu.memory_space<vmem_shared>> -> memref<640x128xf32, #tpu.memory_space<vmem_shared>>
      tpu.enqueue_dma source(%arg5 : memref<640x128xf32, #tpu.memory_space<hbm>>) target(%dma_start3A_36 : memref<640x128xf32, #tpu.memory_space<vmem_shared>>) target_semaphore(%run_scoped3A_34 : memref<!tpu.dma_semaphore, #tpu.memory_space<semaphore_mem>>)
      %dma_wait3A_37 = arith.constant 0 : i32
      %dma_wait3A_38 = tpu.memref_slice %arg11[%mul3A_4, %dma_wait3A_37] : memref<10240x128xf32, #tpu.memory_space<vmem_shared>> -> memref<640x128xf32, #tpu.memory_space<vmem_shared>>
      tpu.wait_dma2 semaphore(%run_scoped3A_34 : memref<!tpu.dma_semaphore, #tpu.memory_space<semaphore_mem>>) src(%arg5 : memref<640x128xf32, #tpu.memory_space<hbm>>) dst(%dma_wait3A_38 : memref<640x128xf32, #tpu.memory_space<vmem_shared>>)
      tpu.yield
    }) : () -> ()
    %barrier3A_17 = arith.constant 0 : index
    tpu.barrier barrier_id(%barrier3A_17)
    %dma_start3A_18 = arith.constant 0 : i32
    %dma_start3A_19 = tpu.memref_slice %arg3[%mul3A_2, %dma_start3A_18] : memref<320000x128xf32, #tpu.memory_space<hbm>> -> memref<80x128xf32, #tpu.memory_space<hbm>>
    %dma_start3A_20 = arith.constant 0 : i32
    %dma_start3A_21 = tpu.memref_slice %arg3[%mul3A_2, %dma_start3A_20] : memref<320000x128xf32, #tpu.memory_space<hbm>> -> memref<80x128xf32, #tpu.memory_space<hbm>>
    tpu.enqueue_dma source(%dma_start3A_21 : memref<80x128xf32, #tpu.memory_space<hbm>>) target(%arg9 : memref<80x128xf32, #tpu.memory_space<vmem>>) target_semaphore(%arg12 : memref<!tpu.dma_semaphore, #tpu.memory_space<semaphore_mem>>)
    %dma_wait3A_22 = arith.constant 0 : i32
    %dma_wait3A_23 = tpu.memref_slice %arg3[%mul3A_2, %dma_wait3A_22] : memref<320000x128xf32, #tpu.memory_space<hbm>> -> memref<80x128xf32, #tpu.memory_space<hbm>>
    %dma_wait3A_24 = arith.constant 0 : i32
    %dma_wait3A_25 = tpu.memref_slice %arg3[%mul3A_2, %dma_wait3A_24] : memref<320000x128xf32, #tpu.memory_space<hbm>> -> memref<80x128xf32, #tpu.memory_space<hbm>>
    tpu.wait_dma2 semaphore(%arg12 : memref<!tpu.dma_semaphore, #tpu.memory_space<semaphore_mem>>) src(%dma_wait3A_25 : memref<80x128xf32, #tpu.memory_space<hbm>>) dst(%arg9 : memref<80x128xf32, #tpu.memory_space<vmem>>)
    %scan3A_26 = arith.constant 0 : i32
    %scan3A_27 = arith.constant 0 : i32
    %scan3A_28 = arith.constant 62 : i32
    %scan3A_29 = arith.addi %scan3A_27, %scan3A_28 : i32
    %scan3A_30 = arith.constant 1 : i32
    scf.for %scan3A_34 = %scan3A_27 to %scan3A_29 step %scan3A_30  : i32 {
      %mul3A_35 = arith.constant 2 : i32
      %mul3A_36 = arith.muli %mul3A_35, %scan3A_34 : i32
      %add3A_37 = arith.constant 1 : i32
      %add3A_38 = arith.addi %mul3A_36, %add3A_37 : i32
      %mul3A_39 = arith.constant 80 : i32
      %mul3A_40 = arith.muli %add3A_38, %mul3A_39 : i32
      %add3A_41 = arith.addi %mul3A_2, %mul3A_40 : i32
      %dma_start3A_42 = arith.constant 0 : i32
      %dma_start3A_43 = tpu.memref_slice %arg3[%add3A_41, %dma_start3A_42] : memref<320000x128xf32, #tpu.memory_space<hbm>> -> memref<80x128xf32, #tpu.memory_space<hbm>>
      %dma_start3A_44 = arith.constant 0 : i32
      %dma_start3A_45 = tpu.memref_slice %arg3[%add3A_41, %dma_start3A_44] : memref<320000x128xf32, #tpu.memory_space<hbm>> -> memref<80x128xf32, #tpu.memory_space<hbm>>
      tpu.enqueue_dma source(%dma_start3A_45 : memref<80x128xf32, #tpu.memory_space<hbm>>) target(%arg10 : memref<80x128xf32, #tpu.memory_space<vmem>>) target_semaphore(%arg13 : memref<!tpu.dma_semaphore, #tpu.memory_space<semaphore_mem>>)
      "tpu.region"() ({
        %run_scoped3A_65 = tpu.sem_alloc : memref<!tpu.dma_semaphore, #tpu.memory_space<semaphore_mem>>
        %dma_start3A_66 = arith.constant 0 : i32
        %dma_start3A_67 = tpu.memref_slice %arg8[%mul3A_36, %dma_start3A_66] : memref<125x80xi32, #tpu.memory_space<vmem>> -> memref<1x80xi32, #tpu.memory_space<vmem>>
        %dma_start3A_68 = tpu.memref_squeeze %dma_start3A_67 : memref<1x80xi32, #tpu.memory_space<vmem>> -> memref<80xi32, #tpu.memory_space<vmem>>
        %dma_start3A_69 = arith.constant 0 : i32
        %dma_start3A_70 = arith.constant 0 : i32
        %dma_start3A_71 = tpu.memref_slice %arg11[%dma_start3A_69, %dma_start3A_70] : memref<10240x128xf32, #tpu.memory_space<vmem_shared>> -> memref<10240x128xf32, #tpu.memory_space<vmem_shared>>
        tpu.enqueue_indirect_dma source(%arg9 : memref<80x128xf32, #tpu.memory_space<vmem>>) target(%dma_start3A_71 : memref<10240x128xf32, #tpu.memory_space<vmem_shared>>) offsets(%dma_start3A_68 : memref<80xi32, #tpu.memory_space<vmem>>) semaphore(%run_scoped3A_65 : memref<!tpu.dma_semaphore, #tpu.memory_space<semaphore_mem>>) {add = true}
        %dma_wait3A_72 = arith.constant 0 : i32
        %dma_wait3A_73 = tpu.memref_slice %arg8[%mul3A_36, %dma_wait3A_72] : memref<125x80xi32, #tpu.memory_space<vmem>> -> memref<1x80xi32, #tpu.memory_space<vmem>>
        %dma_wait3A_74 = tpu.memref_squeeze %dma_wait3A_73 : memref<1x80xi32, #tpu.memory_space<vmem>> -> memref<80xi32, #tpu.memory_space<vmem>>
        %dma_wait3A_75 = arith.constant 0 : i32
        %dma_wait3A_76 = arith.constant 0 : i32
        %dma_wait3A_77 = tpu.memref_slice %arg11[%dma_wait3A_75, %dma_wait3A_76] : memref<10240x128xf32, #tpu.memory_space<vmem_shared>> -> memref<10240x128xf32, #tpu.memory_space<vmem_shared>>
        tpu.wait_indirect_dma semaphore(%run_scoped3A_65 : memref<!tpu.dma_semaphore, #tpu.memory_space<semaphore_mem>>) src(%arg9 : memref<80x128xf32, #tpu.memory_space<vmem>>) dst(%dma_wait3A_77 : memref<10240x128xf32, #tpu.memory_space<vmem_shared>>)
        tpu.yield
      }) : () -> ()
      %dma_wait3A_46 = arith.constant 0 : i32
      %dma_wait3A_47 = tpu.memref_slice %arg3[%add3A_41, %dma_wait3A_46] : memref<320000x128xf32, #tpu.memory_space<hbm>> -> memref<80x128xf32, #tpu.memory_space<hbm>>
      %dma_wait3A_48 = arith.constant 0 : i32
      %dma_wait3A_49 = tpu.memref_slice %arg3[%add3A_41, %dma_wait3A_48] : memref<320000x128xf32, #tpu.memory_space<hbm>> -> memref<80x128xf32, #tpu.memory_space<hbm>>
      tpu.wait_dma2 semaphore(%arg13 : memref<!tpu.dma_semaphore, #tpu.memory_space<semaphore_mem>>) src(%dma_wait3A_49 : memref<80x128xf32, #tpu.memory_space<hbm>>) dst(%arg10 : memref<80x128xf32, #tpu.memory_space<vmem>>)
      %add3A_50 = arith.constant 2 : i32
      %add3A_51 = arith.addi %mul3A_36, %add3A_50 : i32
      %mul3A_52 = arith.constant 80 : i32
      %mul3A_53 = arith.muli %add3A_51, %mul3A_52 : i32
      %add3A_54 = arith.addi %mul3A_2, %mul3A_53 : i32
      %dma_start3A_55 = arith.constant 0 : i32
      %dma_start3A_56 = tpu.memref_slice %arg3[%add3A_54, %dma_start3A_55] : memref<320000x128xf32, #tpu.memory_space<hbm>> -> memref<80x128xf32, #tpu.memory_space<hbm>>
      %dma_start3A_57 = arith.constant 0 : i32
      %dma_start3A_58 = tpu.memref_slice %arg3[%add3A_54, %dma_start3A_57] : memref<320000x128xf32, #tpu.memory_space<hbm>> -> memref<80x128xf32, #tpu.memory_space<hbm>>
      tpu.enqueue_dma source(%dma_start3A_58 : memref<80x128xf32, #tpu.memory_space<hbm>>) target(%arg9 : memref<80x128xf32, #tpu.memory_space<vmem>>) target_semaphore(%arg12 : memref<!tpu.dma_semaphore, #tpu.memory_space<semaphore_mem>>)
      %add3A_59 = arith.constant 1 : i32
      %add3A_60 = arith.addi %mul3A_36, %add3A_59 : i32
      "tpu.region"() ({
        %run_scoped3A_65 = tpu.sem_alloc : memref<!tpu.dma_semaphore, #tpu.memory_space<semaphore_mem>>
        %dma_start3A_66 = arith.constant 0 : i32
        %dma_start3A_67 = tpu.memref_slice %arg8[%add3A_60, %dma_start3A_66] : memref<125x80xi32, #tpu.memory_space<vmem>> -> memref<1x80xi32, #tpu.memory_space<vmem>>
        %dma_start3A_68 = tpu.memref_squeeze %dma_start3A_67 : memref<1x80xi32, #tpu.memory_space<vmem>> -> memref<80xi32, #tpu.memory_space<vmem>>
        %dma_start3A_69 = arith.constant 0 : i32
        %dma_start3A_70 = arith.constant 0 : i32
        %dma_start3A_71 = tpu.memref_slice %arg11[%dma_start3A_69, %dma_start3A_70] : memref<10240x128xf32, #tpu.memory_space<vmem_shared>> -> memref<10240x128xf32, #tpu.memory_space<vmem_shared>>
        tpu.enqueue_indirect_dma source(%arg10 : memref<80x128xf32, #tpu.memory_space<vmem>>) target(%dma_start3A_71 : memref<10240x128xf32, #tpu.memory_space<vmem_shared>>) offsets(%dma_start3A_68 : memref<80xi32, #tpu.memory_space<vmem>>) semaphore(%run_scoped3A_65 : memref<!tpu.dma_semaphore, #tpu.memory_space<semaphore_mem>>) {add = true}
        %dma_wait3A_72 = arith.constant 0 : i32
        %dma_wait3A_73 = tpu.memref_slice %arg8[%add3A_60, %dma_wait3A_72] : memref<125x80xi32, #tpu.memory_space<vmem>> -> memref<1x80xi32, #tpu.memory_space<vmem>>
        %dma_wait3A_74 = tpu.memref_squeeze %dma_wait3A_73 : memref<1x80xi32, #tpu.memory_space<vmem>> -> memref<80xi32, #tpu.memory_space<vmem>>
        %dma_wait3A_75 = arith.constant 0 : i32
        %dma_wait3A_76 = arith.constant 0 : i32
        %dma_wait3A_77 = tpu.memref_slice %arg11[%dma_wait3A_75, %dma_wait3A_76] : memref<10240x128xf32, #tpu.memory_space<vmem_shared>> -> memref<10240x128xf32, #tpu.memory_space<vmem_shared>>
        tpu.wait_indirect_dma semaphore(%run_scoped3A_65 : memref<!tpu.dma_semaphore, #tpu.memory_space<semaphore_mem>>) src(%arg10 : memref<80x128xf32, #tpu.memory_space<vmem>>) dst(%dma_wait3A_77 : memref<10240x128xf32, #tpu.memory_space<vmem_shared>>)
        tpu.yield
      }) : () -> ()
      %dma_wait3A_61 = arith.constant 0 : i32
      %dma_wait3A_62 = tpu.memref_slice %arg3[%add3A_54, %dma_wait3A_61] : memref<320000x128xf32, #tpu.memory_space<hbm>> -> memref<80x128xf32, #tpu.memory_space<hbm>>
      %dma_wait3A_63 = arith.constant 0 : i32
      %dma_wait3A_64 = tpu.memref_slice %arg3[%add3A_54, %dma_wait3A_63] : memref<320000x128xf32, #tpu.memory_space<hbm>> -> memref<80x128xf32, #tpu.memory_space<hbm>>
      tpu.wait_dma2 semaphore(%arg12 : memref<!tpu.dma_semaphore, #tpu.memory_space<semaphore_mem>>) src(%dma_wait3A_64 : memref<80x128xf32, #tpu.memory_space<hbm>>) dst(%arg9 : memref<80x128xf32, #tpu.memory_space<vmem>>)
    }
    %scan3A_31 = arith.constant 62 : i32
    %run_scoped3A_32 = arith.constant 124 : i32
    "tpu.region"() ({
      %run_scoped3A_34 = tpu.sem_alloc : memref<!tpu.dma_semaphore, #tpu.memory_space<semaphore_mem>>
      %dma_start3A_35 = arith.constant 0 : i32
      %dma_start3A_36 = tpu.memref_slice %arg8[%run_scoped3A_32, %dma_start3A_35] : memref<125x80xi32, #tpu.memory_space<vmem>> -> memref<1x80xi32, #tpu.memory_space<vmem>>
      %dma_start3A_37 = tpu.memref_squeeze %dma_start3A_36 : memref<1x80xi32, #tpu.memory_space<vmem>> -> memref<80xi32, #tpu.memory_space<vmem>>
      %dma_start3A_38 = arith.constant 0 : i32
      %dma_start3A_39 = arith.constant 0 : i32
      %dma_start3A_40 = tpu.memref_slice %arg11[%dma_start3A_38, %dma_start3A_39] : memref<10240x128xf32, #tpu.memory_space<vmem_shared>> -> memref<10240x128xf32, #tpu.memory_space<vmem_shared>>
      tpu.enqueue_indirect_dma source(%arg9 : memref<80x128xf32, #tpu.memory_space<vmem>>) target(%dma_start3A_40 : memref<10240x128xf32, #tpu.memory_space<vmem_shared>>) offsets(%dma_start3A_37 : memref<80xi32, #tpu.memory_space<vmem>>) semaphore(%run_scoped3A_34 : memref<!tpu.dma_semaphore, #tpu.memory_space<semaphore_mem>>) {add = true}
      %dma_wait3A_41 = arith.constant 0 : i32
      %dma_wait3A_42 = tpu.memref_slice %arg8[%run_scoped3A_32, %dma_wait3A_41] : memref<125x80xi32, #tpu.memory_space<vmem>> -> memref<1x80xi32, #tpu.memory_space<vmem>>
      %dma_wait3A_43 = tpu.memref_squeeze %dma_wait3A_42 : memref<1x80xi32, #tpu.memory_space<vmem>> -> memref<80xi32, #tpu.memory_space<vmem>>
      %dma_wait3A_44 = arith.constant 0 : i32
      %dma_wait3A_45 = arith.constant 0 : i32
      %dma_wait3A_46 = tpu.memref_slice %arg11[%dma_wait3A_44, %dma_wait3A_45] : memref<10240x128xf32, #tpu.memory_space<vmem_shared>> -> memref<10240x128xf32, #tpu.memory_space<vmem_shared>>
      tpu.wait_indirect_dma semaphore(%run_scoped3A_34 : memref<!tpu.dma_semaphore, #tpu.memory_space<semaphore_mem>>) src(%arg9 : memref<80x128xf32, #tpu.memory_space<vmem>>) dst(%dma_wait3A_46 : memref<10240x128xf32, #tpu.memory_space<vmem_shared>>)
      tpu.yield
    }) : () -> ()
    %barrier3A_33 = arith.constant 0 : index
    tpu.barrier barrier_id(%barrier3A_33)
    "tpu.region"() ({
      %run_scoped3A_34 = tpu.sem_alloc : memref<!tpu.dma_semaphore, #tpu.memory_space<semaphore_mem>>
      %dma_start3A_35 = arith.constant 0 : i32
      %dma_start3A_36 = tpu.memref_slice %arg7[%arg0, %mul3A_4, %dma_start3A_35] : memref<2x10240x128xf32, #tpu.memory_space<hbm>> -> memref<1x640x128xf32, #tpu.memory_space<hbm>>
      %dma_start3A_37 = tpu.memref_squeeze %dma_start3A_36 : memref<1x640x128xf32, #tpu.memory_space<hbm>> -> memref<640x128xf32, #tpu.memory_space<hbm>>
      %dma_start3A_38 = arith.constant 0 : i32
      %dma_start3A_39 = tpu.memref_slice %arg11[%mul3A_4, %dma_start3A_38] : memref<10240x128xf32, #tpu.memory_space<vmem_shared>> -> memref<640x128xf32, #tpu.memory_space<vmem_shared>>
      tpu.enqueue_dma source(%dma_start3A_39 : memref<640x128xf32, #tpu.memory_space<vmem_shared>>) target(%dma_start3A_37 : memref<640x128xf32, #tpu.memory_space<hbm>>) target_semaphore(%run_scoped3A_34 : memref<!tpu.dma_semaphore, #tpu.memory_space<semaphore_mem>>)
      %dma_wait3A_40 = arith.constant 0 : i32
      %dma_wait3A_41 = tpu.memref_slice %arg7[%arg0, %mul3A_4, %dma_wait3A_40] : memref<2x10240x128xf32, #tpu.memory_space<hbm>> -> memref<1x640x128xf32, #tpu.memory_space<hbm>>
      %dma_wait3A_42 = tpu.memref_squeeze %dma_wait3A_41 : memref<1x640x128xf32, #tpu.memory_space<hbm>> -> memref<640x128xf32, #tpu.memory_space<hbm>>
      %dma_wait3A_43 = arith.constant 0 : i32
      %dma_wait3A_44 = tpu.memref_slice %arg11[%mul3A_4, %dma_wait3A_43] : memref<10240x128xf32, #tpu.memory_space<vmem_shared>> -> memref<640x128xf32, #tpu.memory_space<vmem_shared>>
      tpu.wait_dma2 semaphore(%run_scoped3A_34 : memref<!tpu.dma_semaphore, #tpu.memory_space<semaphore_mem>>) src(%dma_wait3A_44 : memref<640x128xf32, #tpu.memory_space<vmem_shared>>) dst(%dma_wait3A_42 : memref<640x128xf32, #tpu.memory_space<hbm>>)
      tpu.yield
    }) : () -> ()
    return
  }
}

#map = affine_map<(d0, d1) -> (0, 0)>
#map1 = affine_map<(d0, d1) -> (0, 0, 0)>
module attributes {stable_mosaic.version = 14 : i64} {
  func.func @k(%arg0: i32, %arg1: i32, %arg2: memref<320000x128xf32, #tpu.memory_space<hbm>>, %arg3: memref<320000x128xf32, #tpu.memory_space<hbm>>, %arg4: memref<32x125x80xi32, #tpu.memory_space<hbm>>, %arg5: memref<640x128xf32, #tpu.memory_space<hbm>>, %arg6: memref<2x10240x128xf32, #tpu.memory_space<hbm>>, %arg7: memref<2x10240x128xf32, #tpu.memory_space<hbm>>, %arg8: memref<125x80xi32, #tpu.memory_space<vmem>>, %arg9: memref<80x128xf32, #tpu.memory_space<vmem>>, %arg10: memref<80x128xf32, #tpu.memory_space<vmem>>, %arg11: memref<10240x128xf32, #tpu.memory_space<vmem_shared>>, %arg12: memref<!tpu.dma_semaphore, #tpu.memory_space<semaphore_mem>>, %arg13: memref<!tpu.dma_semaphore, #tpu.memory_space<semaphore_mem>>) attributes {dimension_semantics = [#tpu.dimension_semantics<core_parallel>, #tpu.dimension_semantics<subcore_parallel>], iteration_bounds = array<i64: 2, 16>, scalar_prefetch = 0 : i64, scratch_operands = 6 : i64, tpu.core_type = #tpu.core_type<sc_vector_subcore>, window_params = [{transform_indices = #map}, {transform_indices = #map}, {transform_indices = #map1}, {transform_indices = #map}, {transform_indices = #map1}, {transform_indices = #map1}]} {
    %mul3A = arith.constant 2 : i32
    %mul3A_0 = arith.muli %arg1, %mul3A : i32
    %add3A = arith.addi %mul3A_0, %arg0 : i32
    %mul3A_1 = arith.constant 10000 : i32
    %mul3A_2 = arith.muli %add3A, %mul3A_1 : i32
    %mul3A_3 = arith.constant 640 : i32
    %mul3A_4 = arith.muli %arg1, %mul3A_3 : i32
    "tpu.region"() ({
      %run_scoped3A_34 = tpu.sem_alloc : memref<!tpu.dma_semaphore, #tpu.memory_space<semaphore_mem>>
      %dma_start3A_35 = arith.constant 0 : i32
      %dma_start3A_36 = arith.constant 0 : i32
      %dma_start3A_37 = tpu.memref_slice %arg4[%add3A, %dma_start3A_35, %dma_start3A_36] : memref<32x125x80xi32, #tpu.memory_space<hbm>> -> memref<1x125x80xi32, #tpu.memory_space<hbm>>
      %dma_start3A_38 = tpu.memref_squeeze %dma_start3A_37 : memref<1x125x80xi32, #tpu.memory_space<hbm>> -> memref<125x80xi32, #tpu.memory_space<hbm>>
      %dma_start3A_39 = arith.constant 0 : i32
      %dma_start3A_40 = arith.constant 0 : i32
      %dma_start3A_41 = tpu.memref_slice %arg4[%add3A, %dma_start3A_39, %dma_start3A_40] : memref<32x125x80xi32, #tpu.memory_space<hbm>> -> memref<1x125x80xi32, #tpu.memory_space<hbm>>
      %dma_start3A_42 = tpu.memref_squeeze %dma_start3A_41 : memref<1x125x80xi32, #tpu.memory_space<hbm>> -> memref<125x80xi32, #tpu.memory_space<hbm>>
      tpu.enqueue_dma source(%dma_start3A_42 : memref<125x80xi32, #tpu.memory_space<hbm>>) target(%arg8 : memref<125x80xi32, #tpu.memory_space<vmem>>) target_semaphore(%run_scoped3A_34 : memref<!tpu.dma_semaphore, #tpu.memory_space<semaphore_mem>>)
      %dma_wait3A_43 = arith.constant 0 : i32
      %dma_wait3A_44 = arith.constant 0 : i32
      %dma_wait3A_45 = tpu.memref_slice %arg4[%add3A, %dma_wait3A_43, %dma_wait3A_44] : memref<32x125x80xi32, #tpu.memory_space<hbm>> -> memref<1x125x80xi32, #tpu.memory_space<hbm>>
      %dma_wait3A_46 = tpu.memref_squeeze %dma_wait3A_45 : memref<1x125x80xi32, #tpu.memory_space<hbm>> -> memref<125x80xi32, #tpu.memory_space<hbm>>
      %dma_wait3A_47 = arith.constant 0 : i32
      %dma_wait3A_48 = arith.constant 0 : i32
      %dma_wait3A_49 = tpu.memref_slice %arg4[%add3A, %dma_wait3A_47, %dma_wait3A_48] : memref<32x125x80xi32, #tpu.memory_space<hbm>> -> memref<1x125x80xi32, #tpu.memory_space<hbm>>
      %dma_wait3A_50 = tpu.memref_squeeze %dma_wait3A_49 : memref<1x125x80xi32, #tpu.memory_space<hbm>> -> memref<125x80xi32, #tpu.memory_space<hbm>>
      tpu.wait_dma2 semaphore(%run_scoped3A_34 : memref<!tpu.dma_semaphore, #tpu.memory_space<semaphore_mem>>) src(%dma_wait3A_50 : memref<125x80xi32, #tpu.memory_space<hbm>>) dst(%arg8 : memref<125x80xi32, #tpu.memory_space<vmem>>)
      tpu.yield
    }) : () -> ()
    "tpu.region"() ({
      %run_scoped3A_34 = tpu.sem_alloc : memref<!tpu.dma_semaphore, #tpu.memory_space<semaphore_mem>>
      %dma_start3A_35 = arith.constant 0 : i32
      %dma_start3A_36 = tpu.memref_slice %arg11[%mul3A_4, %dma_start3A_35] : memref<10240x128xf32, #tpu.memory_space<vmem_shared>> -> memref<640x128xf32, #tpu.memory_space<vmem_shared>>
      tpu.enqueue_dma source(%arg5 : memref<640x128xf32, #tpu.memory_space<hbm>>) target(%dma_start3A_36 : memref<640x128xf32, #tpu.memory_space<vmem_shared>>) target_semaphore(%run_scoped3A_34 : memref<!tpu.dma_semaphore, #tpu.memory_space<semaphore_mem>>)
      %dma_wait3A_37 = arith.constant 0 : i32
      %dma_wait3A_38 = tpu.memref_slice %arg11[%mul3A_4, %dma_wait3A_37] : memref<10240x128xf32, #tpu.memory_space<vmem_shared>> -> memref<640x128xf32, #tpu.memory_space<vmem_shared>>
      tpu.wait_dma2 semaphore(%run_scoped3A_34 : memref<!tpu.dma_semaphore, #tpu.memory_space<semaphore_mem>>) src(%arg5 : memref<640x128xf32, #tpu.memory_space<hbm>>) dst(%dma_wait3A_38 : memref<640x128xf32, #tpu.memory_space<vmem_shared>>)
      tpu.yield
    }) : () -> ()
    %barrier3A = arith.constant 0 : index
    tpu.barrier barrier_id(%barrier3A)
    %dma_start3A = arith.constant 0 : i32
    %dma_start3A_5 = tpu.memref_slice %arg2[%mul3A_2, %dma_start3A] : memref<320000x128xf32, #tpu.memory_space<hbm>> -> memref<80x128xf32, #tpu.memory_space<hbm>>
    %dma_start3A_6 = arith.constant 0 : i32
    %dma_start3A_7 = tpu.memref_slice %arg2[%mul3A_2, %dma_start3A_6] : memref<320000x128xf32, #tpu.memory_space<hbm>> -> memref<80x128xf32, #tpu.memory_space<hbm>>
    tpu.enqueue_dma source(%dma_start3A_7 : memref<80x128xf32, #tpu.memory_space<hbm>>) target(%arg9 : memref<80x128xf32, #tpu.memory_space<vmem>>) target_semaphore(%arg12 : memref<!tpu.dma_semaphore, #tpu.memory_space<semaphore_mem>>)
    %dma_wait3A = arith.constant 0 : i32
    %dma_wait3A_8 = tpu.memref_slice %arg2[%mul3A_2, %dma_wait3A] : memref<320000x128xf32, #tpu.memory_space<hbm>> -> memref<80x128xf32, #tpu.memory_space<hbm>>
    %dma_wait3A_9 = arith.constant 0 : i32
    %dma_wait3A_10 = tpu.memref_slice %arg2[%mul3A_2, %dma_wait3A_9] : memref<320000x128xf32, #tpu.memory_space<hbm>> -> memref<80x128xf32, #tpu.memory_space<hbm>>
    tpu.wait_dma2 semaphore(%arg12 : memref<!tpu.dma_semaphore, #tpu.memory_space<semaphore_mem>>) src(%dma_wait3A_10 : memref<80x128xf32, #tpu.memory_space<hbm>>) dst(%arg9 : memref<80x128xf32, #tpu.memory_space<vmem>>)
    %scan3A = arith.constant 0 : i32
    %scan3A_11 = arith.constant 0 : i32
    %scan3A_12 = arith.constant 62 : i32
    %scan3A_13 = arith.addi %scan3A_11, %scan3A_12 : i32
    %scan3A_14 = arith.constant 1 : i32
    scf.for %scan3A_34 = %scan3A_11 to %scan3A_13 step %scan3A_14  : i32 {
      %mul3A_35 = arith.constant 2 : i32
      %mul3A_36 = arith.muli %mul3A_35, %scan3A_34 : i32
      %add3A_37 = arith.constant 1 : i32
      %add3A_38 = arith.addi %mul3A_36, %add3A_37 : i32
      %mul3A_39 = arith.constant 80 : i32
      %mul3A_40 = arith.muli %add3A_38, %mul3A_39 : i32
      %add3A_41 = arith.addi %mul3A_2, %mul3A_40 : i32
      %dma_start3A_42 = arith.constant 0 : i32
      %dma_start3A_43 = tpu.memref_slice %arg2[%add3A_41, %dma_start3A_42] : memref<320000x128xf32, #tpu.memory_space<hbm>> -> memref<80x128xf32, #tpu.memory_space<hbm>>
      %dma_start3A_44 = arith.constant 0 : i32
      %dma_start3A_45 = tpu.memref_slice %arg2[%add3A_41, %dma_start3A_44] : memref<320000x128xf32, #tpu.memory_space<hbm>> -> memref<80x128xf32, #tpu.memory_space<hbm>>
      tpu.enqueue_dma source(%dma_start3A_45 : memref<80x128xf32, #tpu.memory_space<hbm>>) target(%arg10 : memref<80x128xf32, #tpu.memory_space<vmem>>) target_semaphore(%arg13 : memref<!tpu.dma_semaphore, #tpu.memory_space<semaphore_mem>>)
      "tpu.region"() ({
        %run_scoped3A_65 = tpu.sem_alloc : memref<!tpu.dma_semaphore, #tpu.memory_space<semaphore_mem>>
        %dma_start3A_66 = arith.constant 0 : i32
        %dma_start3A_67 = tpu.memref_slice %arg8[%mul3A_36, %dma_start3A_66] : memref<125x80xi32, #tpu.memory_space<vmem>> -> memref<1x80xi32, #tpu.memory_space<vmem>>
        %dma_start3A_68 = tpu.memref_squeeze %dma_start3A_67 : memref<1x80xi32, #tpu.memory_space<vmem>> -> memref<80xi32, #tpu.memory_space<vmem>>
        %dma_start3A_69 = arith.constant 0 : i32
        %dma_start3A_70 = arith.constant 0 : i32
        %dma_start3A_71 = tpu.memref_slice %arg11[%dma_start3A_69, %dma_start3A_70] : memref<10240x128xf32, #tpu.memory_space<vmem_shared>> -> memref<10240x128xf32, #tpu.memory_space<vmem_shared>>
        tpu.enqueue_indirect_dma source(%arg9 : memref<80x128xf32, #tpu.memory_space<vmem>>) target(%dma_start3A_71 : memref<10240x128xf32, #tpu.memory_space<vmem_shared>>) offsets(%dma_start3A_68 : memref<80xi32, #tpu.memory_space<vmem>>) semaphore(%run_scoped3A_65 : memref<!tpu.dma_semaphore, #tpu.memory_space<semaphore_mem>>) {add = true}
        %dma_wait3A_72 = arith.constant 0 : i32
        %dma_wait3A_73 = tpu.memref_slice %arg8[%mul3A_36, %dma_wait3A_72] : memref<125x80xi32, #tpu.memory_space<vmem>> -> memref<1x80xi32, #tpu.memory_space<vmem>>
        %dma_wait3A_74 = tpu.memref_squeeze %dma_wait3A_73 : memref<1x80xi32, #tpu.memory_space<vmem>> -> memref<80xi32, #tpu.memory_space<vmem>>
        %dma_wait3A_75 = arith.constant 0 : i32
        %dma_wait3A_76 = arith.constant 0 : i32
        %dma_wait3A_77 = tpu.memref_slice %arg11[%dma_wait3A_75, %dma_wait3A_76] : memref<10240x128xf32, #tpu.memory_space<vmem_shared>> -> memref<10240x128xf32, #tpu.memory_space<vmem_shared>>
        tpu.wait_indirect_dma semaphore(%run_scoped3A_65 : memref<!tpu.dma_semaphore, #tpu.memory_space<semaphore_mem>>) src(%arg9 : memref<80x128xf32, #tpu.memory_space<vmem>>) dst(%dma_wait3A_77 : memref<10240x128xf32, #tpu.memory_space<vmem_shared>>)
        tpu.yield
      }) : () -> ()
      %dma_wait3A_46 = arith.constant 0 : i32
      %dma_wait3A_47 = tpu.memref_slice %arg2[%add3A_41, %dma_wait3A_46] : memref<320000x128xf32, #tpu.memory_space<hbm>> -> memref<80x128xf32, #tpu.memory_space<hbm>>
      %dma_wait3A_48 = arith.constant 0 : i32
      %dma_wait3A_49 = tpu.memref_slice %arg2[%add3A_41, %dma_wait3A_48] : memref<320000x128xf32, #tpu.memory_space<hbm>> -> memref<80x128xf32, #tpu.memory_space<hbm>>
      tpu.wait_dma2 semaphore(%arg13 : memref<!tpu.dma_semaphore, #tpu.memory_space<semaphore_mem>>) src(%dma_wait3A_49 : memref<80x128xf32, #tpu.memory_space<hbm>>) dst(%arg10 : memref<80x128xf32, #tpu.memory_space<vmem>>)
      %add3A_50 = arith.constant 2 : i32
      %add3A_51 = arith.addi %mul3A_36, %add3A_50 : i32
      %mul3A_52 = arith.constant 80 : i32
      %mul3A_53 = arith.muli %add3A_51, %mul3A_52 : i32
      %add3A_54 = arith.addi %mul3A_2, %mul3A_53 : i32
      %dma_start3A_55 = arith.constant 0 : i32
      %dma_start3A_56 = tpu.memref_slice %arg2[%add3A_54, %dma_start3A_55] : memref<320000x128xf32, #tpu.memory_space<hbm>> -> memref<80x128xf32, #tpu.memory_space<hbm>>
      %dma_start3A_57 = arith.constant 0 : i32
      %dma_start3A_58 = tpu.memref_slice %arg2[%add3A_54, %dma_start3A_57] : memref<320000x128xf32, #tpu.memory_space<hbm>> -> memref<80x128xf32, #tpu.memory_space<hbm>>
      tpu.enqueue_dma source(%dma_start3A_58 : memref<80x128xf32, #tpu.memory_space<hbm>>) target(%arg9 : memref<80x128xf32, #tpu.memory_space<vmem>>) target_semaphore(%arg12 : memref<!tpu.dma_semaphore, #tpu.memory_space<semaphore_mem>>)
      %add3A_59 = arith.constant 1 : i32
      %add3A_60 = arith.addi %mul3A_36, %add3A_59 : i32
      "tpu.region"() ({
        %run_scoped3A_65 = tpu.sem_alloc : memref<!tpu.dma_semaphore, #tpu.memory_space<semaphore_mem>>
        %dma_start3A_66 = arith.constant 0 : i32
        %dma_start3A_67 = tpu.memref_slice %arg8[%add3A_60, %dma_start3A_66] : memref<125x80xi32, #tpu.memory_space<vmem>> -> memref<1x80xi32, #tpu.memory_space<vmem>>
        %dma_start3A_68 = tpu.memref_squeeze %dma_start3A_67 : memref<1x80xi32, #tpu.memory_space<vmem>> -> memref<80xi32, #tpu.memory_space<vmem>>
        %dma_start3A_69 = arith.constant 0 : i32
        %dma_start3A_70 = arith.constant 0 : i32
        %dma_start3A_71 = tpu.memref_slice %arg11[%dma_start3A_69, %dma_start3A_70] : memref<10240x128xf32, #tpu.memory_space<vmem_shared>> -> memref<10240x128xf32, #tpu.memory_space<vmem_shared>>
        tpu.enqueue_indirect_dma source(%arg10 : memref<80x128xf32, #tpu.memory_space<vmem>>) target(%dma_start3A_71 : memref<10240x128xf32, #tpu.memory_space<vmem_shared>>) offsets(%dma_start3A_68 : memref<80xi32, #tpu.memory_space<vmem>>) semaphore(%run_scoped3A_65 : memref<!tpu.dma_semaphore, #tpu.memory_space<semaphore_mem>>) {add = true}
        %dma_wait3A_72 = arith.constant 0 : i32
        %dma_wait3A_73 = tpu.memref_slice %arg8[%add3A_60, %dma_wait3A_72] : memref<125x80xi32, #tpu.memory_space<vmem>> -> memref<1x80xi32, #tpu.memory_space<vmem>>
        %dma_wait3A_74 = tpu.memref_squeeze %dma_wait3A_73 : memref<1x80xi32, #tpu.memory_space<vmem>> -> memref<80xi32, #tpu.memory_space<vmem>>
        %dma_wait3A_75 = arith.constant 0 : i32
        %dma_wait3A_76 = arith.constant 0 : i32
        %dma_wait3A_77 = tpu.memref_slice %arg11[%dma_wait3A_75, %dma_wait3A_76] : memref<10240x128xf32, #tpu.memory_space<vmem_shared>> -> memref<10240x128xf32, #tpu.memory_space<vmem_shared>>
        tpu.wait_indirect_dma semaphore(%run_scoped3A_65 : memref<!tpu.dma_semaphore, #tpu.memory_space<semaphore_mem>>) src(%arg10 : memref<80x128xf32, #tpu.memory_space<vmem>>) dst(%dma_wait3A_77 : memref<10240x128xf32, #tpu.memory_space<vmem_shared>>)
        tpu.yield
      }) : () -> ()
      %dma_wait3A_61 = arith.constant 0 : i32
      %dma_wait3A_62 = tpu.memref_slice %arg2[%add3A_54, %dma_wait3A_61] : memref<320000x128xf32, #tpu.memory_space<hbm>> -> memref<80x128xf32, #tpu.memory_space<hbm>>
      %dma_wait3A_63 = arith.constant 0 : i32
      %dma_wait3A_64 = tpu.memref_slice %arg2[%add3A_54, %dma_wait3A_63] : memref<320000x128xf32, #tpu.memory_space<hbm>> -> memref<80x128xf32, #tpu.memory_space<hbm>>
      tpu.wait_dma2 semaphore(%arg12 : memref<!tpu.dma_semaphore, #tpu.memory_space<semaphore_mem>>) src(%dma_wait3A_64 : memref<80x128xf32, #tpu.memory_space<hbm>>) dst(%arg9 : memref<80x128xf32, #tpu.memory_space<vmem>>)
    }
    %scan3A_15 = arith.constant 62 : i32
    %run_scoped3A = arith.constant 124 : i32
    "tpu.region"() ({
      %run_scoped3A_34 = tpu.sem_alloc : memref<!tpu.dma_semaphore, #tpu.memory_space<semaphore_mem>>
      %dma_start3A_35 = arith.constant 0 : i32
      %dma_start3A_36 = tpu.memref_slice %arg8[%run_scoped3A, %dma_start3A_35] : memref<125x80xi32, #tpu.memory_space<vmem>> -> memref<1x80xi32, #tpu.memory_space<vmem>>
      %dma_start3A_37 = tpu.memref_squeeze %dma_start3A_36 : memref<1x80xi32, #tpu.memory_space<vmem>> -> memref<80xi32, #tpu.memory_space<vmem>>
      %dma_start3A_38 = arith.constant 0 : i32
      %dma_start3A_39 = arith.constant 0 : i32
      %dma_start3A_40 = tpu.memref_slice %arg11[%dma_start3A_38, %dma_start3A_39] : memref<10240x128xf32, #tpu.memory_space<vmem_shared>> -> memref<10240x128xf32, #tpu.memory_space<vmem_shared>>
      tpu.enqueue_indirect_dma source(%arg9 : memref<80x128xf32, #tpu.memory_space<vmem>>) target(%dma_start3A_40 : memref<10240x128xf32, #tpu.memory_space<vmem_shared>>) offsets(%dma_start3A_37 : memref<80xi32, #tpu.memory_space<vmem>>) semaphore(%run_scoped3A_34 : memref<!tpu.dma_semaphore, #tpu.memory_space<semaphore_mem>>) {add = true}
      %dma_wait3A_41 = arith.constant 0 : i32
      %dma_wait3A_42 = tpu.memref_slice %arg8[%run_scoped3A, %dma_wait3A_41] : memref<125x80xi32, #tpu.memory_space<vmem>> -> memref<1x80xi32, #tpu.memory_space<vmem>>
      %dma_wait3A_43 = tpu.memref_squeeze %dma_wait3A_42 : memref<1x80xi32, #tpu.memory_space<vmem>> -> memref<80xi32, #tpu.memory_space<vmem>>
      %dma_wait3A_44 = arith.constant 0 : i32
      %dma_wait3A_45 = arith.constant 0 : i32
      %dma_wait3A_46 = tpu.memref_slice %arg11[%dma_wait3A_44, %dma_wait3A_45] : memref<10240x128xf32, #tpu.memory_space<vmem_shared>> -> memref<10240x128xf32, #tpu.memory_space<vmem_shared>>
      tpu.wait_indirect_dma semaphore(%run_scoped3A_34 : memref<!tpu.dma_semaphore, #tpu.memory_space<semaphore_mem>>) src(%arg9 : memref<80x128xf32, #tpu.memory_space<vmem>>) dst(%dma_wait3A_46 : memref<10240x128xf32, #tpu.memory_space<vmem_shared>>)
      tpu.yield
    }) : () -> ()
    %barrier3A_16 = arith.constant 0 : index
    tpu.barrier barrier_id(%barrier3A_16)
    "tpu.region"() ({
      %run_scoped3A_34 = tpu.sem_alloc : memref<!tpu.dma_semaphore, #tpu.memory_space<semaphore_mem>>
      %dma_start3A_35 = arith.constant 0 : i32
      %dma_start3A_36 = tpu.memref_slice %arg6[%arg0, %mul3A_4, %dma_start3A_35] : memref<2x10240x128xf32, #tpu.memory_space<hbm>> -> memref<1x640x128xf32, #tpu.memory_space<hbm>>
      %dma_start3A_37 = tpu.memref_squeeze %dma_start3A_36 : memref<1x640x128xf32, #tpu.memory_space<hbm>> -> memref<640x128xf32, #tpu.memory_space<hbm>>
      %dma_start3A_38 = arith.constant 0 : i32
      %dma_start3A_39 = tpu.memref_slice %arg11[%mul3A_4, %dma_start3A_38] : memref<10240x128xf32, #tpu.memory_space<vmem_shared>> -> memref<640x128xf32, #tpu.memory_space<vmem_shared>>
      tpu.enqueue_dma source(%dma_start3A_39 : memref<640x128xf32, #tpu.memory_space<vmem_shared>>) target(%dma_start3A_37 : memref<640x128xf32, #tpu.memory_space<hbm>>) target_semaphore(%run_scoped3A_34 : memref<!tpu.dma_semaphore, #tpu.memory_space<semaphore_mem>>)
      %dma_wait3A_40 = arith.constant 0 : i32
      %dma_wait3A_41 = tpu.memref_slice %arg6[%arg0, %mul3A_4, %dma_wait3A_40] : memref<2x10240x128xf32, #tpu.memory_space<hbm>> -> memref<1x640x128xf32, #tpu.memory_space<hbm>>
      %dma_wait3A_42 = tpu.memref_squeeze %dma_wait3A_41 : memref<1x640x128xf32, #tpu.memory_space<hbm>> -> memref<640x128xf32, #tpu.memory_space<hbm>>
      %dma_wait3A_43 = arith.constant 0 : i32
      %dma_wait3A_44 = tpu.memref_slice %arg11[%mul3A_4, %dma_wait3A_43] : memref<10240x128xf32, #tpu.memory_space<vmem_shared>> -> memref<640x128xf32, #tpu.memory_space<vmem_shared>>
      tpu.wait_dma2 semaphore(%run_scoped3A_34 : memref<!tpu.dma_semaphore, #tpu.memory_space<semaphore_mem>>) src(%dma_wait3A_44 : memref<640x128xf32, #tpu.memory_space<vmem_shared>>) dst(%dma_wait3A_42 : memref<640x128xf32, #tpu.memory_space<hbm>>)
      tpu.yield
    }) : () -> ()
    "tpu.region"() ({
      %run_scoped3A_34 = tpu.sem_alloc : memref<!tpu.dma_semaphore, #tpu.memory_space<semaphore_mem>>
      %dma_start3A_35 = arith.constant 0 : i32
      %dma_start3A_36 = tpu.memref_slice %arg11[%mul3A_4, %dma_start3A_35] : memref<10240x128xf32, #tpu.memory_space<vmem_shared>> -> memref<640x128xf32, #tpu.memory_space<vmem_shared>>
      tpu.enqueue_dma source(%arg5 : memref<640x128xf32, #tpu.memory_space<hbm>>) target(%dma_start3A_36 : memref<640x128xf32, #tpu.memory_space<vmem_shared>>) target_semaphore(%run_scoped3A_34 : memref<!tpu.dma_semaphore, #tpu.memory_space<semaphore_mem>>)
      %dma_wait3A_37 = arith.constant 0 : i32
      %dma_wait3A_38 = tpu.memref_slice %arg11[%mul3A_4, %dma_wait3A_37] : memref<10240x128xf32, #tpu.memory_space<vmem_shared>> -> memref<640x128xf32, #tpu.memory_space<vmem_shared>>
      tpu.wait_dma2 semaphore(%run_scoped3A_34 : memref<!tpu.dma_semaphore, #tpu.memory_space<semaphore_mem>>) src(%arg5 : memref<640x128xf32, #tpu.memory_space<hbm>>) dst(%dma_wait3A_38 : memref<640x128xf32, #tpu.memory_space<vmem_shared>>)
      tpu.yield
    }) : () -> ()
    %barrier3A_17 = arith.constant 0 : index
    tpu.barrier barrier_id(%barrier3A_17)
    %dma_start3A_18 = arith.constant 0 : i32
    %dma_start3A_19 = tpu.memref_slice %arg3[%mul3A_2, %dma_start3A_18] : memref<320000x128xf32, #tpu.memory_space<hbm>> -> memref<80x128xf32, #tpu.memory_space<hbm>>
    %dma_start3A_20 = arith.constant 0 : i32
    %dma_start3A_21 = tpu.memref_slice %arg3[%mul3A_2, %dma_start3A_20] : memref<320000x128xf32, #tpu.memory_space<hbm>> -> memref<80x128xf32, #tpu.memory_space<hbm>>
    tpu.enqueue_dma source(%dma_start3A_21 : memref<80x128xf32, #tpu.memory_space<hbm>>) target(%arg9 : memref<80x128xf32, #tpu.memory_space<vmem>>) target_semaphore(%arg12 : memref<!tpu.dma_semaphore, #tpu.memory_space<semaphore_mem>>)
    %dma_wait3A_22 = arith.constant 0 : i32
    %dma_wait3A_23 = tpu.memref_slice %arg3[%mul3A_2, %dma_wait3A_22] : memref<320000x128xf32, #tpu.memory_space<hbm>> -> memref<80x128xf32, #tpu.memory_space<hbm>>
    %dma_wait3A_24 = arith.constant 0 : i32
    %dma_wait3A_25 = tpu.memref_slice %arg3[%mul3A_2, %dma_wait3A_24] : memref<320000x128xf32, #tpu.memory_space<hbm>> -> memref<80x128xf32, #tpu.memory_space<hbm>>
    tpu.wait_dma2 semaphore(%arg12 : memref<!tpu.dma_semaphore, #tpu.memory_space<semaphore_mem>>) src(%dma_wait3A_25 : memref<80x128xf32, #tpu.memory_space<hbm>>) dst(%arg9 : memref<80x128xf32, #tpu.memory_space<vmem>>)
    %scan3A_26 = arith.constant 0 : i32
    %scan3A_27 = arith.constant 0 : i32
    %scan3A_28 = arith.constant 62 : i32
    %scan3A_29 = arith.addi %scan3A_27, %scan3A_28 : i32
    %scan3A_30 = arith.constant 1 : i32
    scf.for %scan3A_34 = %scan3A_27 to %scan3A_29 step %scan3A_30  : i32 {
      %mul3A_35 = arith.constant 2 : i32
      %mul3A_36 = arith.muli %mul3A_35, %scan3A_34 : i32
      %add3A_37 = arith.constant 1 : i32
      %add3A_38 = arith.addi %mul3A_36, %add3A_37 : i32
      %mul3A_39 = arith.constant 80 : i32
      %mul3A_40 = arith.muli %add3A_38, %mul3A_39 : i32
      %add3A_41 = arith.addi %mul3A_2, %mul3A_40 : i32
      %dma_start3A_42 = arith.constant 0 : i32
      %dma_start3A_43 = tpu.memref_slice %arg3[%add3A_41, %dma_start3A_42] : memref<320000x128xf32, #tpu.memory_space<hbm>> -> memref<80x128xf32, #tpu.memory_space<hbm>>
      %dma_start3A_44 = arith.constant 0 : i32
      %dma_start3A_45 = tpu.memref_slice %arg3[%add3A_41, %dma_start3A_44] : memref<320000x128xf32, #tpu.memory_space<hbm>> -> memref<80x128xf32, #tpu.memory_space<hbm>>
      tpu.enqueue_dma source(%dma_start3A_45 : memref<80x128xf32, #tpu.memory_space<hbm>>) target(%arg10 : memref<80x128xf32, #tpu.memory_space<vmem>>) target_semaphore(%arg13 : memref<!tpu.dma_semaphore, #tpu.memory_space<semaphore_mem>>)
      "tpu.region"() ({
        %run_scoped3A_65 = tpu.sem_alloc : memref<!tpu.dma_semaphore, #tpu.memory_space<semaphore_mem>>
        %dma_start3A_66 = arith.constant 0 : i32
        %dma_start3A_67 = tpu.memref_slice %arg8[%mul3A_36, %dma_start3A_66] : memref<125x80xi32, #tpu.memory_space<vmem>> -> memref<1x80xi32, #tpu.memory_space<vmem>>
        %dma_start3A_68 = tpu.memref_squeeze %dma_start3A_67 : memref<1x80xi32, #tpu.memory_space<vmem>> -> memref<80xi32, #tpu.memory_space<vmem>>
        %dma_start3A_69 = arith.constant 0 : i32
        %dma_start3A_70 = arith.constant 0 : i32
        %dma_start3A_71 = tpu.memref_slice %arg11[%dma_start3A_69, %dma_start3A_70] : memref<10240x128xf32, #tpu.memory_space<vmem_shared>> -> memref<10240x128xf32, #tpu.memory_space<vmem_shared>>
        tpu.enqueue_indirect_dma source(%arg9 : memref<80x128xf32, #tpu.memory_space<vmem>>) target(%dma_start3A_71 : memref<10240x128xf32, #tpu.memory_space<vmem_shared>>) offsets(%dma_start3A_68 : memref<80xi32, #tpu.memory_space<vmem>>) semaphore(%run_scoped3A_65 : memref<!tpu.dma_semaphore, #tpu.memory_space<semaphore_mem>>) {add = true}
        %dma_wait3A_72 = arith.constant 0 : i32
        %dma_wait3A_73 = tpu.memref_slice %arg8[%mul3A_36, %dma_wait3A_72] : memref<125x80xi32, #tpu.memory_space<vmem>> -> memref<1x80xi32, #tpu.memory_space<vmem>>
        %dma_wait3A_74 = tpu.memref_squeeze %dma_wait3A_73 : memref<1x80xi32, #tpu.memory_space<vmem>> -> memref<80xi32, #tpu.memory_space<vmem>>
        %dma_wait3A_75 = arith.constant 0 : i32
        %dma_wait3A_76 = arith.constant 0 : i32
        %dma_wait3A_77 = tpu.memref_slice %arg11[%dma_wait3A_75, %dma_wait3A_76] : memref<10240x128xf32, #tpu.memory_space<vmem_shared>> -> memref<10240x128xf32, #tpu.memory_space<vmem_shared>>
        tpu.wait_indirect_dma semaphore(%run_scoped3A_65 : memref<!tpu.dma_semaphore, #tpu.memory_space<semaphore_mem>>) src(%arg9 : memref<80x128xf32, #tpu.memory_space<vmem>>) dst(%dma_wait3A_77 : memref<10240x128xf32, #tpu.memory_space<vmem_shared>>)
        tpu.yield
      }) : () -> ()
      %dma_wait3A_46 = arith.constant 0 : i32
      %dma_wait3A_47 = tpu.memref_slice %arg3[%add3A_41, %dma_wait3A_46] : memref<320000x128xf32, #tpu.memory_space<hbm>> -> memref<80x128xf32, #tpu.memory_space<hbm>>
      %dma_wait3A_48 = arith.constant 0 : i32
      %dma_wait3A_49 = tpu.memref_slice %arg3[%add3A_41, %dma_wait3A_48] : memref<320000x128xf32, #tpu.memory_space<hbm>> -> memref<80x128xf32, #tpu.memory_space<hbm>>
      tpu.wait_dma2 semaphore(%arg13 : memref<!tpu.dma_semaphore, #tpu.memory_space<semaphore_mem>>) src(%dma_wait3A_49 : memref<80x128xf32, #tpu.memory_space<hbm>>) dst(%arg10 : memref<80x128xf32, #tpu.memory_space<vmem>>)
      %add3A_50 = arith.constant 2 : i32
      %add3A_51 = arith.addi %mul3A_36, %add3A_50 : i32
      %mul3A_52 = arith.constant 80 : i32
      %mul3A_53 = arith.muli %add3A_51, %mul3A_52 : i32
      %add3A_54 = arith.addi %mul3A_2, %mul3A_53 : i32
      %dma_start3A_55 = arith.constant 0 : i32
      %dma_start3A_56 = tpu.memref_slice %arg3[%add3A_54, %dma_start3A_55] : memref<320000x128xf32, #tpu.memory_space<hbm>> -> memref<80x128xf32, #tpu.memory_space<hbm>>
      %dma_start3A_57 = arith.constant 0 : i32
      %dma_start3A_58 = tpu.memref_slice %arg3[%add3A_54, %dma_start3A_57] : memref<320000x128xf32, #tpu.memory_space<hbm>> -> memref<80x128xf32, #tpu.memory_space<hbm>>
      tpu.enqueue_dma source(%dma_start3A_58 : memref<80x128xf32, #tpu.memory_space<hbm>>) target(%arg9 : memref<80x128xf32, #tpu.memory_space<vmem>>) target_semaphore(%arg12 : memref<!tpu.dma_semaphore, #tpu.memory_space<semaphore_mem>>)
      %add3A_59 = arith.constant 1 : i32
      %add3A_60 = arith.addi %mul3A_36, %add3A_59 : i32
      "tpu.region"() ({
        %run_scoped3A_65 = tpu.sem_alloc : memref<!tpu.dma_semaphore, #tpu.memory_space<semaphore_mem>>
        %dma_start3A_66 = arith.constant 0 : i32
        %dma_start3A_67 = tpu.memref_slice %arg8[%add3A_60, %dma_start3A_66] : memref<125x80xi32, #tpu.memory_space<vmem>> -> memref<1x80xi32, #tpu.memory_space<vmem>>
        %dma_start3A_68 = tpu.memref_squeeze %dma_start3A_67 : memref<1x80xi32, #tpu.memory_space<vmem>> -> memref<80xi32, #tpu.memory_space<vmem>>
        %dma_start3A_69 = arith.constant 0 : i32
        %dma_start3A_70 = arith.constant 0 : i32
        %dma_start3A_71 = tpu.memref_slice %arg11[%dma_start3A_69, %dma_start3A_70] : memref<10240x128xf32, #tpu.memory_space<vmem_shared>> -> memref<10240x128xf32, #tpu.memory_space<vmem_shared>>
        tpu.enqueue_indirect_dma source(%arg10 : memref<80x128xf32, #tpu.memory_space<vmem>>) target(%dma_start3A_71 : memref<10240x128xf32, #tpu.memory_space<vmem_shared>>) offsets(%dma_start3A_68 : memref<80xi32, #tpu.memory_space<vmem>>) semaphore(%run_scoped3A_65 : memref<!tpu.dma_semaphore, #tpu.memory_space<semaphore_mem>>) {add = true}
        %dma_wait3A_72 = arith.constant 0 : i32
        %dma_wait3A_73 = tpu.memref_slice %arg8[%add3A_60, %dma_wait3A_72] : memref<125x80xi32, #tpu.memory_space<vmem>> -> memref<1x80xi32, #tpu.memory_space<vmem>>
        %dma_wait3A_74 = tpu.memref_squeeze %dma_wait3A_73 : memref<1x80xi32, #tpu.memory_space<vmem>> -> memref<80xi32, #tpu.memory_space<vmem>>
        %dma_wait3A_75 = arith.constant 0 : i32
        %dma_wait3A_76 = arith.constant 0 : i32
        %dma_wait3A_77 = tpu.memref_slice %arg11[%dma_wait3A_75, %dma_wait3A_76] : memref<10240x128xf32, #tpu.memory_space<vmem_shared>> -> memref<10240x128xf32, #tpu.memory_space<vmem_shared>>
        tpu.wait_indirect_dma semaphore(%run_scoped3A_65 : memref<!tpu.dma_semaphore, #tpu.memory_space<semaphore_mem>>) src(%arg10 : memref<80x128xf32, #tpu.memory_space<vmem>>) dst(%dma_wait3A_77 : memref<10240x128xf32, #tpu.memory_space<vmem_shared>>)
        tpu.yield
      }) : () -> ()
      %dma_wait3A_61 = arith.constant 0 : i32
      %dma_wait3A_62 = tpu.memref_slice %arg3[%add3A_54, %dma_wait3A_61] : memref<320000x128xf32, #tpu.memory_space<hbm>> -> memref<80x128xf32, #tpu.memory_space<hbm>>
      %dma_wait3A_63 = arith.constant 0 : i32
      %dma_wait3A_64 = tpu.memref_slice %arg3[%add3A_54, %dma_wait3A_63] : memref<320000x128xf32, #tpu.memory_space<hbm>> -> memref<80x128xf32, #tpu.memory_space<hbm>>
      tpu.wait_dma2 semaphore(%arg12 : memref<!tpu.dma_semaphore, #tpu.memory_space<semaphore_mem>>) src(%dma_wait3A_64 : memref<80x128xf32, #tpu.memory_space<hbm>>) dst(%arg9 : memref<80x128xf32, #tpu.memory_space<vmem>>)
    }
    %scan3A_31 = arith.constant 62 : i32
    %run_scoped3A_32 = arith.constant 124 : i32
    "tpu.region"() ({
      %run_scoped3A_34 = tpu.sem_alloc : memref<!tpu.dma_semaphore, #tpu.memory_space<semaphore_mem>>
      %dma_start3A_35 = arith.constant 0 : i32
      %dma_start3A_36 = tpu.memref_slice %arg8[%run_scoped3A_32, %dma_start3A_35] : memref<125x80xi32, #tpu.memory_space<vmem>> -> memref<1x80xi32, #tpu.memory_space<vmem>>
      %dma_start3A_37 = tpu.memref_squeeze %dma_start3A_36 : memref<1x80xi32, #tpu.memory_space<vmem>> -> memref<80xi32, #tpu.memory_space<vmem>>
      %dma_start3A_38 = arith.constant 0 : i32
      %dma_start3A_39 = arith.constant 0 : i32
      %dma_start3A_40 = tpu.memref_slice %arg11[%dma_start3A_38, %dma_start3A_39] : memref<10240x128xf32, #tpu.memory_space<vmem_shared>> -> memref<10240x128xf32, #tpu.memory_space<vmem_shared>>
      tpu.enqueue_indirect_dma source(%arg9 : memref<80x128xf32, #tpu.memory_space<vmem>>) target(%dma_start3A_40 : memref<10240x128xf32, #tpu.memory_space<vmem_shared>>) offsets(%dma_start3A_37 : memref<80xi32, #tpu.memory_space<vmem>>) semaphore(%run_scoped3A_34 : memref<!tpu.dma_semaphore, #tpu.memory_space<semaphore_mem>>) {add = true}
      %dma_wait3A_41 = arith.constant 0 : i32
      %dma_wait3A_42 = tpu.memref_slice %arg8[%run_scoped3A_32, %dma_wait3A_41] : memref<125x80xi32, #tpu.memory_space<vmem>> -> memref<1x80xi32, #tpu.memory_space<vmem>>
      %dma_wait3A_43 = tpu.memref_squeeze %dma_wait3A_42 : memref<1x80xi32, #tpu.memory_space<vmem>> -> memref<80xi32, #tpu.memory_space<vmem>>
      %dma_wait3A_44 = arith.constant 0 : i32
      %dma_wait3A_45 = arith.constant 0 : i32
      %dma_wait3A_46 = tpu.memref_slice %arg11[%dma_wait3A_44, %dma_wait3A_45] : memref<10240x128xf32, #tpu.memory_space<vmem_shared>> -> memref<10240x128xf32, #tpu.memory_space<vmem_shared>>
      tpu.wait_indirect_dma semaphore(%run_scoped3A_34 : memref<!tpu.dma_semaphore, #tpu.memory_space<semaphore_mem>>) src(%arg9 : memref<80x128xf32, #tpu.memory_space<vmem>>) dst(%dma_wait3A_46 : memref<10240x128xf32, #tpu.memory_space<vmem_shared>>)
      tpu.yield
    }) : () -> ()
    %barrier3A_33 = arith.constant 0 : index
    tpu.barrier barrier_id(%barrier3A_33)
    "tpu.region"() ({
      %run_scoped3A_34 = tpu.sem_alloc : memref<!tpu.dma_semaphore, #tpu.memory_space<semaphore_mem>>
      %dma_start3A_35 = arith.constant 0 : i32
      %dma_start3A_36 = tpu.memref_slice %arg7[%arg0, %mul3A_4, %dma_start3A_35] : memref<2x10240x128xf32, #tpu.memory_space<hbm>> -> memref<1x640x128xf32, #tpu.memory_space<hbm>>
      %dma_start3A_37 = tpu.memref_squeeze %dma_start3A_36 : memref<1x640x128xf32, #tpu.memory_space<hbm>> -> memref<640x128xf32, #tpu.memory_space<hbm>>
      %dma_start3A_38 = arith.constant 0 : i32
      %dma_start3A_39 = tpu.memref_slice %arg11[%mul3A_4, %dma_start3A_38] : memref<10240x128xf32, #tpu.memory_space<vmem_shared>> -> memref<640x128xf32, #tpu.memory_space<vmem_shared>>
      tpu.enqueue_dma source(%dma_start3A_39 : memref<640x128xf32, #tpu.memory_space<vmem_shared>>) target(%dma_start3A_37 : memref<640x128xf32, #tpu.memory_space<hbm>>) target_semaphore(%run_scoped3A_34 : memref<!tpu.dma_semaphore, #tpu.memory_space<semaphore_mem>>)
      %dma_wait3A_40 = arith.constant 0 : i32
      %dma_wait3A_41 = tpu.memref_slice %arg7[%arg0, %mul3A_4, %dma_wait3A_40] : memref<2x10240x128xf32, #tpu.memory_space<hbm>> -> memref<1x640x128xf32, #tpu.memory_space<hbm>>
      %dma_wait3A_42 = tpu.memref_squeeze %dma_wait3A_41 : memref<1x640x128xf32, #tpu.memory_space<hbm>> -> memref<640x128xf32, #tpu.memory_space<hbm>>
      %dma_wait3A_43 = arith.constant 0 : i32
      %dma_wait3A_44 = tpu.memref_slice %arg11[%mul3A_4, %dma_wait3A_43] : memref<10240x128xf32, #tpu.memory_space<vmem_shared>> -> memref<640x128xf32, #tpu.memory_space<vmem_shared>>
      tpu.wait_dma2 semaphore(%run_scoped3A_34 : memref<!tpu.dma_semaphore, #tpu.memory_space<semaphore_mem>>) src(%dma_wait3A_44 : memref<640x128xf32, #tpu.memory_space<vmem_shared>>) dst(%dma_wait3A_42 : memref<640x128xf32, #tpu.memory_space<hbm>>)
      tpu.yield
    }) : () -> ()
    return
  }
}

module attributes {stable_mosaic.version = 14 : i64} {
  func.func @_ln_kernel(%arg0: i32, %arg1: memref<512x128xf32, #tpu.memory_space<vmem>>, %arg2: memref<1x128xf32, #tpu.memory_space<vmem>>, %arg3: memref<1x128xf32, #tpu.memory_space<vmem>>, %arg4: memref<512x128xf32, #tpu.memory_space<vmem>>) attributes {dimension_semantics = [#tpu.dimension_semantics<arbitrary>], iteration_bounds = array<i64: 20>, scalar_prefetch = 0 : i64, scratch_operands = 0 : i64, tpu.core_type = #tpu.core_type<tc>, window_params = [{transform_indices = @transform_0, window_bounds = array<i64: 512, 128>}, {pipeline_mode = #tpu.pipeline_mode<synchronous>, transform_indices = @transform_1, window_bounds = array<i64: 1, 128>}, {pipeline_mode = #tpu.pipeline_mode<synchronous>, transform_indices = @transform_2, window_bounds = array<i64: 1, 128>}, {transform_indices = @transform_3, window_bounds = array<i64: 512, 128>}]} {
    %get3A = arith.constant 0 : index
    %get3A_0 = arith.constant 0 : index
    %get3A_1 = vector.load %arg1[%get3A, %get3A_0] : memref<512x128xf32, #tpu.memory_space<vmem>>, vector<512x128xf32>
    %reduce_sum3A = arith.constant dense<0.000000e+00> : vector<512xf32>
    %reduce_sum3A_2 = vector.multi_reduction <add>, %get3A_1, %reduce_sum3A [1] : vector<512x128xf32> to vector<512xf32>
    %broadcast_in_dim3A = vector.shape_cast %reduce_sum3A_2 : vector<512xf32> to vector<512x1xf32>
    %div3A = arith.constant 1.280000e+02 : f32
    %div3A_3 = vector.broadcast %div3A : f32 to vector<512x1xf32>
    %div3A_4 = arith.divf %broadcast_in_dim3A, %div3A_3 : vector<512x1xf32>
    %sub3A = vector.broadcast %div3A_4 : vector<512x1xf32> to vector<512x128xf32>
    %sub3A_5 = arith.subf %get3A_1, %sub3A : vector<512x128xf32>
    %integer_pow3A = arith.mulf %sub3A_5, %sub3A_5 : vector<512x128xf32>
    %reduce_sum3A_6 = arith.constant dense<0.000000e+00> : vector<512xf32>
    %reduce_sum3A_7 = vector.multi_reduction <add>, %integer_pow3A, %reduce_sum3A_6 [1] : vector<512x128xf32> to vector<512xf32>
    %broadcast_in_dim3A_8 = vector.shape_cast %reduce_sum3A_7 : vector<512xf32> to vector<512x1xf32>
    %div3A_9 = arith.constant 1.280000e+02 : f32
    %div3A_10 = vector.broadcast %div3A_9 : f32 to vector<512x1xf32>
    %div3A_11 = arith.divf %broadcast_in_dim3A_8, %div3A_10 : vector<512x1xf32>
    %sub3A_12 = vector.broadcast %div3A_4 : vector<512x1xf32> to vector<512x128xf32>
    %sub3A_13 = arith.subf %get3A_1, %sub3A_12 : vector<512x128xf32>
    %add3A = arith.constant 9.99999974E-6 : f32
    %add3A_14 = vector.broadcast %add3A : f32 to vector<512x1xf32>
    %add3A_15 = arith.addf %div3A_11, %add3A_14 : vector<512x1xf32>
    %sqrt3A = math.sqrt %add3A_15 : vector<512x1xf32>
    %div3A_16 = vector.broadcast %sqrt3A : vector<512x1xf32> to vector<512x128xf32>
    %div3A_17 = arith.divf %sub3A_13, %div3A_16 : vector<512x128xf32>
    %get3A_18 = arith.constant 0 : index
    %get3A_19 = arith.constant 0 : index
    %get3A_20 = vector.load %arg2[%get3A_18, %get3A_19] : memref<1x128xf32, #tpu.memory_space<vmem>>, vector<1x128xf32>
    %mul3A = vector.broadcast %get3A_20 : vector<1x128xf32> to vector<512x128xf32>
    %mul3A_21 = arith.mulf %div3A_17, %mul3A : vector<512x128xf32>
    %get3A_22 = arith.constant 0 : index
    %get3A_23 = arith.constant 0 : index
    %get3A_24 = vector.load %arg3[%get3A_22, %get3A_23] : memref<1x128xf32, #tpu.memory_space<vmem>>, vector<1x128xf32>
    %add3A_25 = vector.broadcast %get3A_24 : vector<1x128xf32> to vector<512x128xf32>
    %add3A_26 = arith.addf %mul3A_21, %add3A_25 : vector<512x128xf32>
    %swap3A = arith.constant 0 : index
    %swap3A_27 = arith.constant 0 : index
    %swap3A_28 = vector.load %arg4[%swap3A, %swap3A_27] : memref<512x128xf32, #tpu.memory_space<vmem>>, vector<512x128xf32>
    tpu.vector_store %arg4[%swap3A, %swap3A_27], %add3A_26 {strides = array<i32>} : memref<512x128xf32, #tpu.memory_space<vmem>>, vector<512x128xf32>,
    return
  }
  func.func @transform_0(%arg0: i32) -> (i32, i32) {
    %c0_i32 = arith.constant 0 : i32
    %c0_i32_0 = arith.constant 0 : i32
    return %arg0, %c0_i32 : i32, i32
  }
  func.func @transform_1(%arg0: i32) -> (i32, i32) {
    %c0_i32 = arith.constant 0 : i32
    %c0_i32_0 = arith.constant 0 : i32
    %c0_i32_1 = arith.constant 0 : i32
    return %c0_i32, %c0_i32_0 : i32, i32
  }
  func.func @transform_2(%arg0: i32) -> (i32, i32) {
    %c0_i32 = arith.constant 0 : i32
    %c0_i32_0 = arith.constant 0 : i32
    %c0_i32_1 = arith.constant 0 : i32
    return %c0_i32, %c0_i32_0 : i32, i32
  }
  func.func @transform_3(%arg0: i32) -> (i32, i32) {
    %c0_i32 = arith.constant 0 : i32
    %c0_i32_0 = arith.constant 0 : i32
    return %arg0, %c0_i32 : i32, i32
  }
}

module attributes {stable_mosaic.version = 14 : i64} {
  func.func @_ln_kernel(%arg0: i32, %arg1: memref<400x128xf32, #tpu.memory_space<vmem>>, %arg2: memref<1x128xf32, #tpu.memory_space<vmem>>, %arg3: memref<1x128xf32, #tpu.memory_space<vmem>>, %arg4: memref<400x128xf32, #tpu.memory_space<vmem>>) attributes {dimension_semantics = [#tpu.dimension_semantics<arbitrary>], iteration_bounds = array<i64: 5>, scalar_prefetch = 0 : i64, scratch_operands = 0 : i64, tpu.core_type = #tpu.core_type<tc>, window_params = [{transform_indices = @transform_0, window_bounds = array<i64: 400, 128>}, {pipeline_mode = #tpu.pipeline_mode<synchronous>, transform_indices = @transform_1, window_bounds = array<i64: 1, 128>}, {pipeline_mode = #tpu.pipeline_mode<synchronous>, transform_indices = @transform_2, window_bounds = array<i64: 1, 128>}, {transform_indices = @transform_3, window_bounds = array<i64: 400, 128>}]} {
    %get3A = arith.constant 0 : index
    %get3A_0 = arith.constant 0 : index
    %get3A_1 = vector.load %arg1[%get3A, %get3A_0] : memref<400x128xf32, #tpu.memory_space<vmem>>, vector<400x128xf32>
    %reduce_sum3A = arith.constant dense<0.000000e+00> : vector<400xf32>
    %reduce_sum3A_2 = vector.multi_reduction <add>, %get3A_1, %reduce_sum3A [1] : vector<400x128xf32> to vector<400xf32>
    %broadcast_in_dim3A = vector.shape_cast %reduce_sum3A_2 : vector<400xf32> to vector<400x1xf32>
    %div3A = arith.constant 1.280000e+02 : f32
    %div3A_3 = vector.broadcast %div3A : f32 to vector<400x1xf32>
    %div3A_4 = arith.divf %broadcast_in_dim3A, %div3A_3 : vector<400x1xf32>
    %sub3A = vector.broadcast %div3A_4 : vector<400x1xf32> to vector<400x128xf32>
    %sub3A_5 = arith.subf %get3A_1, %sub3A : vector<400x128xf32>
    %integer_pow3A = arith.mulf %sub3A_5, %sub3A_5 : vector<400x128xf32>
    %reduce_sum3A_6 = arith.constant dense<0.000000e+00> : vector<400xf32>
    %reduce_sum3A_7 = vector.multi_reduction <add>, %integer_pow3A, %reduce_sum3A_6 [1] : vector<400x128xf32> to vector<400xf32>
    %broadcast_in_dim3A_8 = vector.shape_cast %reduce_sum3A_7 : vector<400xf32> to vector<400x1xf32>
    %div3A_9 = arith.constant 1.280000e+02 : f32
    %div3A_10 = vector.broadcast %div3A_9 : f32 to vector<400x1xf32>
    %div3A_11 = arith.divf %broadcast_in_dim3A_8, %div3A_10 : vector<400x1xf32>
    %sub3A_12 = vector.broadcast %div3A_4 : vector<400x1xf32> to vector<400x128xf32>
    %sub3A_13 = arith.subf %get3A_1, %sub3A_12 : vector<400x128xf32>
    %add3A = arith.constant 9.99999974E-6 : f32
    %add3A_14 = vector.broadcast %add3A : f32 to vector<400x1xf32>
    %add3A_15 = arith.addf %div3A_11, %add3A_14 : vector<400x1xf32>
    %sqrt3A = math.sqrt %add3A_15 : vector<400x1xf32>
    %div3A_16 = vector.broadcast %sqrt3A : vector<400x1xf32> to vector<400x128xf32>
    %div3A_17 = arith.divf %sub3A_13, %div3A_16 : vector<400x128xf32>
    %get3A_18 = arith.constant 0 : index
    %get3A_19 = arith.constant 0 : index
    %get3A_20 = vector.load %arg2[%get3A_18, %get3A_19] : memref<1x128xf32, #tpu.memory_space<vmem>>, vector<1x128xf32>
    %mul3A = vector.broadcast %get3A_20 : vector<1x128xf32> to vector<400x128xf32>
    %mul3A_21 = arith.mulf %div3A_17, %mul3A : vector<400x128xf32>
    %get3A_22 = arith.constant 0 : index
    %get3A_23 = arith.constant 0 : index
    %get3A_24 = vector.load %arg3[%get3A_22, %get3A_23] : memref<1x128xf32, #tpu.memory_space<vmem>>, vector<1x128xf32>
    %add3A_25 = vector.broadcast %get3A_24 : vector<1x128xf32> to vector<400x128xf32>
    %add3A_26 = arith.addf %mul3A_21, %add3A_25 : vector<400x128xf32>
    %swap3A = arith.constant 0 : index
    %swap3A_27 = arith.constant 0 : index
    %swap3A_28 = vector.load %arg4[%swap3A, %swap3A_27] : memref<400x128xf32, #tpu.memory_space<vmem>>, vector<400x128xf32>
    tpu.vector_store %arg4[%swap3A, %swap3A_27], %add3A_26 {strides = array<i32>} : memref<400x128xf32, #tpu.memory_space<vmem>>, vector<400x128xf32>,
    return
  }
  func.func @transform_0(%arg0: i32) -> (i32, i32) {
    %c0_i32 = arith.constant 0 : i32
    %c0_i32_0 = arith.constant 0 : i32
    return %arg0, %c0_i32 : i32, i32
  }
  func.func @transform_1(%arg0: i32) -> (i32, i32) {
    %c0_i32 = arith.constant 0 : i32
    %c0_i32_0 = arith.constant 0 : i32
    %c0_i32_1 = arith.constant 0 : i32
    return %c0_i32, %c0_i32_0 : i32, i32
  }
  func.func @transform_2(%arg0: i32) -> (i32, i32) {
    %c0_i32 = arith.constant 0 : i32
    %c0_i32_0 = arith.constant 0 : i32
    %c0_i32_1 = arith.constant 0 : i32
    return %c0_i32, %c0_i32_0 : i32, i32
  }
  func.func @transform_3(%arg0: i32) -> (i32, i32) {
    %c0_i32 = arith.constant 0 : i32
    %c0_i32_0 = arith.constant 0 : i32
    return %arg0, %c0_i32 : i32, i32
  }
}

module attributes {stable_mosaic.version = 14 : i64} {
  func.func @_intra_edge_kernel(%arg0: i32, %arg1: memref<512x128xf32, #tpu.memory_space<vmem>>, %arg2: memref<512x128xf32, #tpu.memory_space<vmem>>, %arg3: memref<512x128xf32, #tpu.memory_space<vmem>>, %arg4: memref<128x512xbf16, #tpu.memory_space<vmem>>, %arg5: memref<128x512xbf16, #tpu.memory_space<vmem>>, %arg6: memref<128x512xbf16, #tpu.memory_space<vmem>>, %arg7: memref<1x512xf32, #tpu.memory_space<vmem>>, %arg8: memref<1x512xf32, #tpu.memory_space<vmem>>, %arg9: memref<512x8xf32, #tpu.memory_space<vmem>>, %arg10: memref<128x128xbf16, #tpu.memory_space<vmem>>, %arg11: memref<128x128xbf16, #tpu.memory_space<vmem>>, %arg12: memref<1x128xf32, #tpu.memory_space<vmem>>, %arg13: memref<4x128xf32, #tpu.memory_space<vmem>>, %arg14: memref<8x128xf32, #tpu.memory_space<vmem>>, %arg15: memref<512x128xf32, #tpu.memory_space<vmem>>, %arg16: memref<512x128xf32, #tpu.memory_space<vmem>>) attributes {dimension_semantics = [#tpu.dimension_semantics<arbitrary>], iteration_bounds = array<i64: 625>, scalar_prefetch = 0 : i64, scratch_operands = 0 : i64, tpu.core_type = #tpu.core_type<tc>, window_params = [{transform_indices = @transform_0, window_bounds = array<i64: 512, 128>}, {transform_indices = @transform_1, window_bounds = array<i64: 512, 128>}, {transform_indices = @transform_2, window_bounds = array<i64: 512, 128>}, {pipeline_mode = #tpu.pipeline_mode<synchronous>, transform_indices = @transform_3, window_bounds = array<i64: 128, 512>}, {pipeline_mode = #tpu.pipeline_mode<synchronous>, transform_indices = @transform_4, window_bounds = array<i64: 128, 512>}, {pipeline_mode = #tpu.pipeline_mode<synchronous>, transform_indices = @transform_5, window_bounds = array<i64: 128, 512>}, {pipeline_mode = #tpu.pipeline_mode<synchronous>, transform_indices = @transform_6, window_bounds = array<i64: 1, 512>}, {pipeline_mode = #tpu.pipeline_mode<synchronous>, transform_indices = @transform_7, window_bounds = array<i64: 1, 512>}, {pipeline_mode = #tpu.pipeline_mode<synchronous>, transform_indices = @transform_8, window_bounds = array<i64: 512, 8>}, {pipeline_mode = #tpu.pipeline_mode<synchronous>, transform_indices = @transform_9, window_bounds = array<i64: 128, 128>}, {pipeline_mode = #tpu.pipeline_mode<synchronous>, transform_indices = @transform_10, window_bounds = array<i64: 128, 128>}, {pipeline_mode = #tpu.pipeline_mode<synchronous>, transform_indices = @transform_11, window_bounds = array<i64: 1, 128>}, {pipeline_mode = #tpu.pipeline_mode<synchronous>, transform_indices = @transform_12, window_bounds = array<i64: 4, 128>}, {pipeline_mode = #tpu.pipeline_mode<synchronous>, transform_indices = @transform_13, window_bounds = array<i64: 8, 128>}, {transform_indices = @transform_14, window_bounds = array<i64: 512, 128>}, {transform_indices = @transform_15, window_bounds = array<i64: 512, 128>}]} {
    %get3A = arith.constant 0 : index
    %get3A_0 = arith.constant 0 : index
    %get3A_1 = vector.load %arg1[%get3A, %get3A_0] : memref<512x128xf32, #tpu.memory_space<vmem>>, vector<512x128xf32>
    %convert_element_type3A = arith.truncf %get3A_1 : vector<512x128xf32> to vector<512x128xbf16>
    %get3A_2 = arith.constant 0 : index
    %get3A_3 = arith.constant 0 : index
    %get3A_4 = vector.load %arg3[%get3A_2, %get3A_3] : memref<512x128xf32, #tpu.memory_space<vmem>>, vector<512x128xf32>
    %convert_element_type3A_5 = arith.truncf %get3A_4 : vector<512x128xf32> to vector<512x128xbf16>
    %get3A_6 = arith.constant 0 : index
    %get3A_7 = arith.constant 0 : index
    %get3A_8 = vector.load %arg4[%get3A_6, %get3A_7] : memref<128x512xbf16, #tpu.memory_space<vmem>>, vector<128x512xbf16>
    %dot_general3A = arith.constant dense<0.000000e+00> : vector<512x512xf32>
    %dot_general3A_9 = tpu.matmul %convert_element_type3A, %get3A_8, %dot_general3A {dimension_numbers = #tpu.dot_dimension_numbers<[1], [0], [0], [1], [0, 0, 1, 1], [], []>, transpose_lhs_hint = false} : vector<512x128xbf16>, vector<128x512xbf16>, vector<512x512xf32> -> vector<512x512xf32>
    %get3A_10 = arith.constant 0 : index
    %get3A_11 = arith.constant 0 : index
    %get3A_12 = vector.load %arg2[%get3A_10, %get3A_11] : memref<512x128xf32, #tpu.memory_space<vmem>>, vector<512x128xf32>
    %convert_element_type3A_13 = arith.truncf %get3A_12 : vector<512x128xf32> to vector<512x128xbf16>
    %get3A_14 = arith.constant 0 : index
    %get3A_15 = arith.constant 0 : index
    %get3A_16 = vector.load %arg5[%get3A_14, %get3A_15] : memref<128x512xbf16, #tpu.memory_space<vmem>>, vector<128x512xbf16>
    %dot_general3A_17 = arith.constant dense<0.000000e+00> : vector<512x512xf32>
    %dot_general3A_18 = tpu.matmul %convert_element_type3A_13, %get3A_16, %dot_general3A_17 {dimension_numbers = #tpu.dot_dimension_numbers<[1], [0], [0], [1], [0, 0, 1, 1], [], []>, transpose_lhs_hint = false} : vector<512x128xbf16>, vector<128x512xbf16>, vector<512x512xf32> -> vector<512x512xf32>
    %add3A = arith.addf %dot_general3A_9, %dot_general3A_18 : vector<512x512xf32>
    %get3A_19 = arith.constant 0 : index
    %get3A_20 = arith.constant 0 : index
    %get3A_21 = vector.load %arg6[%get3A_19, %get3A_20] : memref<128x512xbf16, #tpu.memory_space<vmem>>, vector<128x512xbf16>
    %dot_general3A_22 = arith.constant dense<0.000000e+00> : vector<512x512xf32>
    %dot_general3A_23 = tpu.matmul %convert_element_type3A_5, %get3A_21, %dot_general3A_22 {dimension_numbers = #tpu.dot_dimension_numbers<[1], [0], [0], [1], [0, 0, 1, 1], [], []>, transpose_lhs_hint = false} : vector<512x128xbf16>, vector<128x512xbf16>, vector<512x512xf32> -> vector<512x512xf32>
    %add3A_24 = arith.addf %add3A, %dot_general3A_23 : vector<512x512xf32>
    %get3A_25 = arith.constant 0 : index
    %get3A_26 = arith.constant 0 : index
    %get3A_27 = vector.load %arg7[%get3A_25, %get3A_26] : memref<1x512xf32, #tpu.memory_space<vmem>>, vector<1x512xf32>
    %add3A_28 = vector.broadcast %get3A_27 : vector<1x512xf32> to vector<512x512xf32>
    %add3A_29 = arith.addf %add3A_24, %add3A_28 : vector<512x512xf32>
    %mul3A = arith.constant 5.000000e-01 : f32
    %mul3A_30 = vector.broadcast %mul3A : f32 to vector<512x512xf32>
    %mul3A_31 = arith.mulf %mul3A_30, %add3A_29 : vector<512x512xf32>
    %mul3A_32 = arith.constant 0.707106769 : f32
    %mul3A_33 = vector.broadcast %mul3A_32 : f32 to vector<512x512xf32>
    %mul3A_34 = arith.mulf %add3A_29, %mul3A_33 : vector<512x512xf32>
    %erf3A = math.erf %mul3A_34 : vector<512x512xf32>
    %add3A_35 = arith.constant 1.000000e+00 : f32
    %add3A_36 = vector.broadcast %add3A_35 : f32 to vector<512x512xf32>
    %add3A_37 = arith.addf %add3A_36, %erf3A : vector<512x512xf32>
    %mul3A_38 = arith.mulf %mul3A_31, %add3A_37 : vector<512x512xf32>
    %get3A_39 = arith.constant 0 : index
    %get3A_40 = arith.constant 0 : index
    %get3A_41 = vector.load %arg8[%get3A_39, %get3A_40] : memref<1x512xf32, #tpu.memory_space<vmem>>, vector<1x512xf32>
    %mul3A_42 = vector.broadcast %get3A_41 : vector<1x512xf32> to vector<512x512xf32>
    %mul3A_43 = arith.mulf %mul3A_38, %mul3A_42 : vector<512x512xf32>
    %get3A_44 = arith.constant 0 : index
    %get3A_45 = arith.constant 0 : index
    %get3A_46 = vector.load %arg9[%get3A_44, %get3A_45] : memref<512x8xf32, #tpu.memory_space<vmem>>, vector<512x8xf32>
    %dot_general3A_47 = arith.constant dense<0.000000e+00> : vector<512x8xf32>
    %dot_general3A_48 = tpu.matmul %mul3A_43, %get3A_46, %dot_general3A_47 {dimension_numbers = #tpu.dot_dimension_numbers<[1], [0], [0], [1], [0, 0, 1, 1], [], []>, transpose_lhs_hint = false} : vector<512x512xf32>, vector<512x8xf32>, vector<512x8xf32> -> vector<512x8xf32>
    %exp3A = math.exp %dot_general3A_48 : vector<512x8xf32>
    %get3A_49 = arith.constant 0 : index
    %get3A_50 = arith.constant 0 : index
    %get3A_51 = vector.load %arg10[%get3A_49, %get3A_50] : memref<128x128xbf16, #tpu.memory_space<vmem>>, vector<128x128xbf16>
    %dot_general3A_52 = arith.constant dense<0.000000e+00> : vector<512x128xf32>
    %dot_general3A_53 = tpu.matmul %convert_element_type3A, %get3A_51, %dot_general3A_52 {dimension_numbers = #tpu.dot_dimension_numbers<[1], [0], [0], [1], [0, 0, 1, 1], [], []>, transpose_lhs_hint = false} : vector<512x128xbf16>, vector<128x128xbf16>, vector<512x128xf32> -> vector<512x128xf32>
    %get3A_54 = arith.constant 0 : index
    %get3A_55 = arith.constant 0 : index
    %get3A_56 = vector.load %arg11[%get3A_54, %get3A_55] : memref<128x128xbf16, #tpu.memory_space<vmem>>, vector<128x128xbf16>
    %dot_general3A_57 = arith.constant dense<0.000000e+00> : vector<512x128xf32>
    %dot_general3A_58 = tpu.matmul %convert_element_type3A_5, %get3A_56, %dot_general3A_57 {dimension_numbers = #tpu.dot_dimension_numbers<[1], [0], [0], [1], [0, 0, 1, 1], [], []>, transpose_lhs_hint = false} : vector<512x128xbf16>, vector<128x128xbf16>, vector<512x128xf32> -> vector<512x128xf32>
    %add3A_59 = arith.addf %dot_general3A_53, %dot_general3A_58 : vector<512x128xf32>
    %get3A_60 = arith.constant 0 : index
    %get3A_61 = arith.constant 0 : index
    %get3A_62 = vector.load %arg12[%get3A_60, %get3A_61] : memref<1x128xf32, #tpu.memory_space<vmem>>, vector<1x128xf32>
    %add3A_63 = vector.broadcast %get3A_62 : vector<1x128xf32> to vector<512x128xf32>
    %add3A_64 = arith.addf %add3A_59, %add3A_63 : vector<512x128xf32>
    %slice3A = vector.extract_strided_slice %exp3A {offsets = [0, 0], sizes = [512, 4], strides = [1, 1]} : vector<512x8xf32> to vector<512x4xf32>
    %get3A_65 = arith.constant 0 : index
    %get3A_66 = arith.constant 0 : index
    %get3A_67 = vector.load %arg13[%get3A_65, %get3A_66] : memref<4x128xf32, #tpu.memory_space<vmem>>, vector<4x128xf32>
    %dot_general3A_68 = arith.constant dense<0.000000e+00> : vector<512x128xf32>
    %dot_general3A_69 = tpu.matmul %slice3A, %get3A_67, %dot_general3A_68 {dimension_numbers = #tpu.dot_dimension_numbers<[1], [0], [0], [1], [0, 0, 1, 1], [], []>, transpose_lhs_hint = false} : vector<512x4xf32>, vector<4x128xf32>, vector<512x128xf32> -> vector<512x128xf32>
    %mul3A_70 = arith.mulf %add3A_64, %dot_general3A_69 : vector<512x128xf32>
    %swap3A = arith.constant 0 : index
    %swap3A_71 = arith.constant 0 : index
    %swap3A_72 = vector.load %arg15[%swap3A, %swap3A_71] : memref<512x128xf32, #tpu.memory_space<vmem>>, vector<512x128xf32>
    tpu.vector_store %arg15[%swap3A, %swap3A_71], %mul3A_70 {strides = array<i32>} : memref<512x128xf32, #tpu.memory_space<vmem>>, vector<512x128xf32>,
    %get3A_73 = arith.constant 0 : index
    %get3A_74 = arith.constant 0 : index
    %get3A_75 = vector.load %arg14[%get3A_73, %get3A_74] : memref<8x128xf32, #tpu.memory_space<vmem>>, vector<8x128xf32>
    %dot_general3A_76 = arith.constant dense<0.000000e+00> : vector<512x128xf32>
    %dot_general3A_77 = tpu.matmul %exp3A, %get3A_75, %dot_general3A_76 {dimension_numbers = #tpu.dot_dimension_numbers<[1], [0], [0], [1], [0, 0, 1, 1], [], []>, transpose_lhs_hint = false} : vector<512x8xf32>, vector<8x128xf32>, vector<512x128xf32> -> vector<512x128xf32>
    %swap3A_78 = arith.constant 0 : index
    %swap3A_79 = arith.constant 0 : index
    %swap3A_80 = vector.load %arg16[%swap3A_78, %swap3A_79] : memref<512x128xf32, #tpu.memory_space<vmem>>, vector<512x128xf32>
    tpu.vector_store %arg16[%swap3A_78, %swap3A_79], %dot_general3A_77 {strides = array<i32>} : memref<512x128xf32, #tpu.memory_space<vmem>>, vector<512x128xf32>,
    return
  }
  func.func @transform_0(%arg0: i32) -> (i32, i32) {
    %c0_i32 = arith.constant 0 : i32
    %c0_i32_0 = arith.constant 0 : i32
    return %arg0, %c0_i32 : i32, i32
  }
  func.func @transform_1(%arg0: i32) -> (i32, i32) {
    %c0_i32 = arith.constant 0 : i32
    %c0_i32_0 = arith.constant 0 : i32
    return %arg0, %c0_i32 : i32, i32
  }
  func.func @transform_2(%arg0: i32) -> (i32, i32) {
    %c0_i32 = arith.constant 0 : i32
    %c0_i32_0 = arith.constant 0 : i32
    return %arg0, %c0_i32 : i32, i32
  }
  func.func @transform_3(%arg0: i32) -> (i32, i32) {
    %c0_i32 = arith.constant 0 : i32
    %c0_i32_0 = arith.constant 0 : i32
    %c0_i32_1 = arith.constant 0 : i32
    return %c0_i32, %c0_i32_0 : i32, i32
  }
  func.func @transform_4(%arg0: i32) -> (i32, i32) {
    %c0_i32 = arith.constant 0 : i32
    %c0_i32_0 = arith.constant 0 : i32
    %c0_i32_1 = arith.constant 0 : i32
    return %c0_i32, %c0_i32_0 : i32, i32
  }
  func.func @transform_5(%arg0: i32) -> (i32, i32) {
    %c0_i32 = arith.constant 0 : i32
    %c0_i32_0 = arith.constant 0 : i32
    %c0_i32_1 = arith.constant 0 : i32
    return %c0_i32, %c0_i32_0 : i32, i32
  }
  func.func @transform_6(%arg0: i32) -> (i32, i32) {
    %c0_i32 = arith.constant 0 : i32
    %c0_i32_0 = arith.constant 0 : i32
    %c0_i32_1 = arith.constant 0 : i32
    return %c0_i32, %c0_i32_0 : i32, i32
  }
  func.func @transform_7(%arg0: i32) -> (i32, i32) {
    %c0_i32 = arith.constant 0 : i32
    %c0_i32_0 = arith.constant 0 : i32
    %c0_i32_1 = arith.constant 0 : i32
    return %c0_i32, %c0_i32_0 : i32, i32
  }
  func.func @transform_8(%arg0: i32) -> (i32, i32) {
    %c0_i32 = arith.constant 0 : i32
    %c0_i32_0 = arith.constant 0 : i32
    %c0_i32_1 = arith.constant 0 : i32
    return %c0_i32, %c0_i32_0 : i32, i32
  }
  func.func @transform_9(%arg0: i32) -> (i32, i32) {
    %c0_i32 = arith.constant 0 : i32
    %c0_i32_0 = arith.constant 0 : i32
    %c0_i32_1 = arith.constant 0 : i32
    return %c0_i32, %c0_i32_0 : i32, i32
  }
  func.func @transform_10(%arg0: i32) -> (i32, i32) {
    %c0_i32 = arith.constant 0 : i32
    %c0_i32_0 = arith.constant 0 : i32
    %c0_i32_1 = arith.constant 0 : i32
    return %c0_i32, %c0_i32_0 : i32, i32
  }
  func.func @transform_11(%arg0: i32) -> (i32, i32) {
    %c0_i32 = arith.constant 0 : i32
    %c0_i32_0 = arith.constant 0 : i32
    %c0_i32_1 = arith.constant 0 : i32
    return %c0_i32, %c0_i32_0 : i32, i32
  }
  func.func @transform_12(%arg0: i32) -> (i32, i32) {
    %c0_i32 = arith.constant 0 : i32
    %c0_i32_0 = arith.constant 0 : i32
    %c0_i32_1 = arith.constant 0 : i32
    return %c0_i32, %c0_i32_0 : i32, i32
  }
  func.func @transform_13(%arg0: i32) -> (i32, i32) {
    %c0_i32 = arith.constant 0 : i32
    %c0_i32_0 = arith.constant 0 : i32
    %c0_i32_1 = arith.constant 0 : i32
    return %c0_i32, %c0_i32_0 : i32, i32
  }
  func.func @transform_14(%arg0: i32) -> (i32, i32) {
    %c0_i32 = arith.constant 0 : i32
    %c0_i32_0 = arith.constant 0 : i32
    return %arg0, %c0_i32 : i32, i32
  }
  func.func @transform_15(%arg0: i32) -> (i32, i32) {
    %c0_i32 = arith.constant 0 : i32
    %c0_i32_0 = arith.constant 0 : i32
    return %arg0, %c0_i32 : i32, i32
  }
}

module attributes {stable_mosaic.version = 14 : i64} {
  func.func @_final_kernel(%arg0: i32, %arg1: memref<512x128xf32, #tpu.memory_space<vmem>>, %arg2: memref<2x512x128xf32, #tpu.memory_space<vmem>>, %arg3: memref<2x512x128xf32, #tpu.memory_space<vmem>>, %arg4: memref<2x512x128xf32, #tpu.memory_space<vmem>>, %arg5: memref<2x512x128xf32, #tpu.memory_space<vmem>>, %arg6: memref<128x128xf32, #tpu.memory_space<vmem>>, %arg7: memref<1x128xf32, #tpu.memory_space<vmem>>, %arg8: memref<128x128xf32, #tpu.memory_space<vmem>>, %arg9: memref<1x128xf32, #tpu.memory_space<vmem>>, %arg10: memref<128x128xf32, #tpu.memory_space<vmem>>, %arg11: memref<1x128xf32, #tpu.memory_space<vmem>>, %arg12: memref<4x128xf32, #tpu.memory_space<vmem>>, %arg13: memref<512x128xf32, #tpu.memory_space<vmem>>) attributes {dimension_semantics = [#tpu.dimension_semantics<arbitrary>], iteration_bounds = array<i64: 20>, scalar_prefetch = 0 : i64, scratch_operands = 0 : i64, tpu.core_type = #tpu.core_type<tc>, window_params = [{transform_indices = @transform_0, window_bounds = array<i64: 512, 128>}, {transform_indices = @transform_1, window_bounds = array<i64: 2, 512, 128>}, {transform_indices = @transform_2, window_bounds = array<i64: 2, 512, 128>}, {transform_indices = @transform_3, window_bounds = array<i64: 2, 512, 128>}, {transform_indices = @transform_4, window_bounds = array<i64: 2, 512, 128>}, {pipeline_mode = #tpu.pipeline_mode<synchronous>, transform_indices = @transform_5, window_bounds = array<i64: 128, 128>}, {pipeline_mode = #tpu.pipeline_mode<synchronous>, transform_indices = @transform_6, window_bounds = array<i64: 1, 128>}, {pipeline_mode = #tpu.pipeline_mode<synchronous>, transform_indices = @transform_7, window_bounds = array<i64: 128, 128>}, {pipeline_mode = #tpu.pipeline_mode<synchronous>, transform_indices = @transform_8, window_bounds = array<i64: 1, 128>}, {pipeline_mode = #tpu.pipeline_mode<synchronous>, transform_indices = @transform_9, window_bounds = array<i64: 128, 128>}, {pipeline_mode = #tpu.pipeline_mode<synchronous>, transform_indices = @transform_10, window_bounds = array<i64: 1, 128>}, {pipeline_mode = #tpu.pipeline_mode<synchronous>, transform_indices = @transform_11, window_bounds = array<i64: 4, 128>}, {transform_indices = @transform_12, window_bounds = array<i64: 512, 128>}]} {
    %get3A = arith.constant 0 : index
    %get3A_0 = arith.constant 0 : index
    %get3A_1 = vector.load %arg12[%get3A, %get3A_0] : memref<4x128xf32, #tpu.memory_space<vmem>>, vector<4x128xf32>
    %get3A_2 = arith.constant 0 : index
    %get3A_3 = arith.constant 0 : index
    %get3A_4 = arith.constant 0 : index
    %get3A_5 = vector.load %arg3[%get3A_2, %get3A_3, %get3A_4] : memref<2x512x128xf32, #tpu.memory_space<vmem>>, vector<1x512x128xf32>
    %get3A_6 = vector.shape_cast %get3A_5 : vector<1x512x128xf32> to vector<512x128xf32>
    %get3A_7 = arith.constant 1 : index
    %get3A_8 = arith.constant 0 : index
    %get3A_9 = arith.constant 0 : index
    %get3A_10 = vector.load %arg3[%get3A_7, %get3A_8, %get3A_9] : memref<2x512x128xf32, #tpu.memory_space<vmem>>, vector<1x512x128xf32>
    %get3A_11 = vector.shape_cast %get3A_10 : vector<1x512x128xf32> to vector<512x128xf32>
    %add3A = arith.addf %get3A_6, %get3A_11 : vector<512x128xf32>
    %slice3A = vector.extract_strided_slice %add3A {offsets = [0, 0], sizes = [512, 4], strides = [1, 1]} : vector<512x128xf32> to vector<512x4xf32>
    %get3A_12 = arith.constant 0 : index
    %get3A_13 = arith.constant 0 : index
    %get3A_14 = arith.constant 0 : index
    %get3A_15 = vector.load %arg5[%get3A_12, %get3A_13, %get3A_14] : memref<2x512x128xf32, #tpu.memory_space<vmem>>, vector<1x512x128xf32>
    %get3A_16 = vector.shape_cast %get3A_15 : vector<1x512x128xf32> to vector<512x128xf32>
    %get3A_17 = arith.constant 1 : index
    %get3A_18 = arith.constant 0 : index
    %get3A_19 = arith.constant 0 : index
    %get3A_20 = vector.load %arg5[%get3A_17, %get3A_18, %get3A_19] : memref<2x512x128xf32, #tpu.memory_space<vmem>>, vector<1x512x128xf32>
    %get3A_21 = vector.shape_cast %get3A_20 : vector<1x512x128xf32> to vector<512x128xf32>
    %add3A_22 = arith.addf %get3A_16, %get3A_21 : vector<512x128xf32>
    %slice3A_23 = vector.extract_strided_slice %add3A_22 {offsets = [0, 0], sizes = [512, 4], strides = [1, 1]} : vector<512x128xf32> to vector<512x4xf32>
    %dot_general3A = arith.constant dense<0.000000e+00> : vector<512x128xf32>
    %dot_general3A_24 = tpu.matmul %slice3A, %get3A_1, %dot_general3A {dimension_numbers = #tpu.dot_dimension_numbers<[1], [0], [0], [1], [0, 0, 1, 1], [], []>, transpose_lhs_hint = false} : vector<512x4xf32>, vector<4x128xf32>, vector<512x128xf32> -> vector<512x128xf32>
    %add3A_25 = arith.constant 1.000000e-16 : f32
    %add3A_26 = vector.broadcast %add3A_25 : f32 to vector<512x128xf32>
    %add3A_27 = arith.addf %dot_general3A_24, %add3A_26 : vector<512x128xf32>
    %dot_general3A_28 = arith.constant dense<0.000000e+00> : vector<512x128xf32>
    %dot_general3A_29 = tpu.matmul %slice3A_23, %get3A_1, %dot_general3A_28 {dimension_numbers = #tpu.dot_dimension_numbers<[1], [0], [0], [1], [0, 0, 1, 1], [], []>, transpose_lhs_hint = false} : vector<512x4xf32>, vector<4x128xf32>, vector<512x128xf32> -> vector<512x128xf32>
    %add3A_30 = arith.constant 1.000000e-16 : f32
    %add3A_31 = vector.broadcast %add3A_30 : f32 to vector<512x128xf32>
    %add3A_32 = arith.addf %dot_general3A_29, %add3A_31 : vector<512x128xf32>
    %get3A_33 = arith.constant 0 : index
    %get3A_34 = arith.constant 0 : index
    %get3A_35 = arith.constant 0 : index
    %get3A_36 = vector.load %arg2[%get3A_33, %get3A_34, %get3A_35] : memref<2x512x128xf32, #tpu.memory_space<vmem>>, vector<1x512x128xf32>
    %get3A_37 = vector.shape_cast %get3A_36 : vector<1x512x128xf32> to vector<512x128xf32>
    %get3A_38 = arith.constant 1 : index
    %get3A_39 = arith.constant 0 : index
    %get3A_40 = arith.constant 0 : index
    %get3A_41 = vector.load %arg2[%get3A_38, %get3A_39, %get3A_40] : memref<2x512x128xf32, #tpu.memory_space<vmem>>, vector<1x512x128xf32>
    %get3A_42 = vector.shape_cast %get3A_41 : vector<1x512x128xf32> to vector<512x128xf32>
    %add3A_43 = arith.addf %get3A_37, %get3A_42 : vector<512x128xf32>
    %div3A = arith.divf %add3A_43, %add3A_27 : vector<512x128xf32>
    %get3A_44 = arith.constant 0 : index
    %get3A_45 = arith.constant 0 : index
    %get3A_46 = arith.constant 0 : index
    %get3A_47 = vector.load %arg4[%get3A_44, %get3A_45, %get3A_46] : memref<2x512x128xf32, #tpu.memory_space<vmem>>, vector<1x512x128xf32>
    %get3A_48 = vector.shape_cast %get3A_47 : vector<1x512x128xf32> to vector<512x128xf32>
    %get3A_49 = arith.constant 1 : index
    %get3A_50 = arith.constant 0 : index
    %get3A_51 = arith.constant 0 : index
    %get3A_52 = vector.load %arg4[%get3A_49, %get3A_50, %get3A_51] : memref<2x512x128xf32, #tpu.memory_space<vmem>>, vector<1x512x128xf32>
    %get3A_53 = vector.shape_cast %get3A_52 : vector<1x512x128xf32> to vector<512x128xf32>
    %add3A_54 = arith.addf %get3A_48, %get3A_53 : vector<512x128xf32>
    %div3A_55 = arith.divf %add3A_54, %add3A_32 : vector<512x128xf32>
    %get3A_56 = arith.constant 0 : index
    %get3A_57 = arith.constant 0 : index
    %get3A_58 = vector.load %arg1[%get3A_56, %get3A_57] : memref<512x128xf32, #tpu.memory_space<vmem>>, vector<512x128xf32>
    %get3A_59 = arith.constant 0 : index
    %get3A_60 = arith.constant 0 : index
    %get3A_61 = vector.load %arg6[%get3A_59, %get3A_60] : memref<128x128xf32, #tpu.memory_space<vmem>>, vector<128x128xf32>
    %dot_general3A_62 = arith.constant dense<0.000000e+00> : vector<512x128xf32>
    %dot_general3A_63 = tpu.matmul %get3A_58, %get3A_61, %dot_general3A_62 {dimension_numbers = #tpu.dot_dimension_numbers<[1], [0], [0], [1], [0, 0, 1, 1], [], []>, transpose_lhs_hint = false} : vector<512x128xf32>, vector<128x128xf32>, vector<512x128xf32> -> vector<512x128xf32>
    %get3A_64 = arith.constant 0 : index
    %get3A_65 = arith.constant 0 : index
    %get3A_66 = vector.load %arg7[%get3A_64, %get3A_65] : memref<1x128xf32, #tpu.memory_space<vmem>>, vector<1x128xf32>
    %add3A_67 = vector.broadcast %get3A_66 : vector<1x128xf32> to vector<512x128xf32>
    %add3A_68 = arith.addf %dot_general3A_63, %add3A_67 : vector<512x128xf32>
    %get3A_69 = arith.constant 0 : index
    %get3A_70 = arith.constant 0 : index
    %get3A_71 = vector.load %arg8[%get3A_69, %get3A_70] : memref<128x128xf32, #tpu.memory_space<vmem>>, vector<128x128xf32>
    %dot_general3A_72 = arith.constant dense<0.000000e+00> : vector<512x128xf32>
    %dot_general3A_73 = tpu.matmul %div3A, %get3A_71, %dot_general3A_72 {dimension_numbers = #tpu.dot_dimension_numbers<[1], [0], [0], [1], [0, 0, 1, 1], [], []>, transpose_lhs_hint = false} : vector<512x128xf32>, vector<128x128xf32>, vector<512x128xf32> -> vector<512x128xf32>
    %add3A_74 = arith.addf %add3A_68, %dot_general3A_73 : vector<512x128xf32>
    %get3A_75 = arith.constant 0 : index
    %get3A_76 = arith.constant 0 : index
    %get3A_77 = vector.load %arg9[%get3A_75, %get3A_76] : memref<1x128xf32, #tpu.memory_space<vmem>>, vector<1x128xf32>
    %add3A_78 = vector.broadcast %get3A_77 : vector<1x128xf32> to vector<512x128xf32>
    %add3A_79 = arith.addf %add3A_74, %add3A_78 : vector<512x128xf32>
    %get3A_80 = arith.constant 0 : index
    %get3A_81 = arith.constant 0 : index
    %get3A_82 = vector.load %arg10[%get3A_80, %get3A_81] : memref<128x128xf32, #tpu.memory_space<vmem>>, vector<128x128xf32>
    %dot_general3A_83 = arith.constant dense<0.000000e+00> : vector<512x128xf32>
    %dot_general3A_84 = tpu.matmul %div3A_55, %get3A_82, %dot_general3A_83 {dimension_numbers = #tpu.dot_dimension_numbers<[1], [0], [0], [1], [0, 0, 1, 1], [], []>, transpose_lhs_hint = false} : vector<512x128xf32>, vector<128x128xf32>, vector<512x128xf32> -> vector<512x128xf32>
    %add3A_85 = arith.addf %add3A_79, %dot_general3A_84 : vector<512x128xf32>
    %get3A_86 = arith.constant 0 : index
    %get3A_87 = arith.constant 0 : index
    %get3A_88 = vector.load %arg11[%get3A_86, %get3A_87] : memref<1x128xf32, #tpu.memory_space<vmem>>, vector<1x128xf32>
    %add3A_89 = vector.broadcast %get3A_88 : vector<1x128xf32> to vector<512x128xf32>
    %add3A_90 = arith.addf %add3A_85, %add3A_89 : vector<512x128xf32>
    %swap3A = arith.constant 0 : index
    %swap3A_91 = arith.constant 0 : index
    %swap3A_92 = vector.load %arg13[%swap3A, %swap3A_91] : memref<512x128xf32, #tpu.memory_space<vmem>>, vector<512x128xf32>
    tpu.vector_store %arg13[%swap3A, %swap3A_91], %add3A_90 {strides = array<i32>} : memref<512x128xf32, #tpu.memory_space<vmem>>, vector<512x128xf32>,
    return
  }
  func.func @transform_0(%arg0: i32) -> (i32, i32) {
    %c0_i32 = arith.constant 0 : i32
    %c0_i32_0 = arith.constant 0 : i32
    return %arg0, %c0_i32 : i32, i32
  }
  func.func @transform_1(%arg0: i32) -> (i32, i32, i32) {
    %c0_i32 = arith.constant 0 : i32
    %c0_i32_0 = arith.constant 0 : i32
    %c0_i32_1 = arith.constant 0 : i32
    return %c0_i32, %arg0, %c0_i32_0 : i32, i32, i32
  }
  func.func @transform_2(%arg0: i32) -> (i32, i32, i32) {
    %c0_i32 = arith.constant 0 : i32
    %c0_i32_0 = arith.constant 0 : i32
    %c0_i32_1 = arith.constant 0 : i32
    return %c0_i32, %arg0, %c0_i32_0 : i32, i32, i32
  }
  func.func @transform_3(%arg0: i32) -> (i32, i32, i32) {
    %c0_i32 = arith.constant 0 : i32
    %c0_i32_0 = arith.constant 0 : i32
    %c0_i32_1 = arith.constant 0 : i32
    return %c0_i32, %arg0, %c0_i32_0 : i32, i32, i32
  }
  func.func @transform_4(%arg0: i32) -> (i32, i32, i32) {
    %c0_i32 = arith.constant 0 : i32
    %c0_i32_0 = arith.constant 0 : i32
    %c0_i32_1 = arith.constant 0 : i32
    return %c0_i32, %arg0, %c0_i32_0 : i32, i32, i32
  }
  func.func @transform_5(%arg0: i32) -> (i32, i32) {
    %c0_i32 = arith.constant 0 : i32
    %c0_i32_0 = arith.constant 0 : i32
    %c0_i32_1 = arith.constant 0 : i32
    return %c0_i32, %c0_i32_0 : i32, i32
  }
  func.func @transform_6(%arg0: i32) -> (i32, i32) {
    %c0_i32 = arith.constant 0 : i32
    %c0_i32_0 = arith.constant 0 : i32
    %c0_i32_1 = arith.constant 0 : i32
    return %c0_i32, %c0_i32_0 : i32, i32
  }
  func.func @transform_7(%arg0: i32) -> (i32, i32) {
    %c0_i32 = arith.constant 0 : i32
    %c0_i32_0 = arith.constant 0 : i32
    %c0_i32_1 = arith.constant 0 : i32
    return %c0_i32, %c0_i32_0 : i32, i32
  }
  func.func @transform_8(%arg0: i32) -> (i32, i32) {
    %c0_i32 = arith.constant 0 : i32
    %c0_i32_0 = arith.constant 0 : i32
    %c0_i32_1 = arith.constant 0 : i32
    return %c0_i32, %c0_i32_0 : i32, i32
  }
  func.func @transform_9(%arg0: i32) -> (i32, i32) {
    %c0_i32 = arith.constant 0 : i32
    %c0_i32_0 = arith.constant 0 : i32
    %c0_i32_1 = arith.constant 0 : i32
    return %c0_i32, %c0_i32_0 : i32, i32
  }
  func.func @transform_10(%arg0: i32) -> (i32, i32) {
    %c0_i32 = arith.constant 0 : i32
    %c0_i32_0 = arith.constant 0 : i32
    %c0_i32_1 = arith.constant 0 : i32
    return %c0_i32, %c0_i32_0 : i32, i32
  }
  func.func @transform_11(%arg0: i32) -> (i32, i32) {
    %c0_i32 = arith.constant 0 : i32
    %c0_i32_0 = arith.constant 0 : i32
    %c0_i32_1 = arith.constant 0 : i32
    return %c0_i32, %c0_i32_0 : i32, i32
  }
  func.func @transform_12(%arg0: i32) -> (i32, i32) {
    %c0_i32 = arith.constant 0 : i32
    %c0_i32_0 = arith.constant 0 : i32
    return %arg0, %c0_i32 : i32, i32
  }
}

module attributes {stable_mosaic.version = 14 : i64} {
  func.func @_inter_edge_kernel(%arg0: i32, %arg1: memref<512x128xf32, #tpu.memory_space<vmem>>, %arg2: memref<512x128xf32, #tpu.memory_space<vmem>>, %arg3: memref<128x512xbf16, #tpu.memory_space<vmem>>, %arg4: memref<128x512xbf16, #tpu.memory_space<vmem>>, %arg5: memref<1x512xf32, #tpu.memory_space<vmem>>, %arg6: memref<1x512xf32, #tpu.memory_space<vmem>>, %arg7: memref<512x8xf32, #tpu.memory_space<vmem>>, %arg8: memref<128x128xbf16, #tpu.memory_space<vmem>>, %arg9: memref<1x128xf32, #tpu.memory_space<vmem>>, %arg10: memref<4x128xf32, #tpu.memory_space<vmem>>, %arg11: memref<8x128xf32, #tpu.memory_space<vmem>>, %arg12: memref<512x128xf32, #tpu.memory_space<vmem>>, %arg13: memref<512x128xf32, #tpu.memory_space<vmem>>) attributes {dimension_semantics = [#tpu.dimension_semantics<arbitrary>], iteration_bounds = array<i64: 625>, scalar_prefetch = 0 : i64, scratch_operands = 0 : i64, tpu.core_type = #tpu.core_type<tc>, window_params = [{transform_indices = @transform_0, window_bounds = array<i64: 512, 128>}, {transform_indices = @transform_1, window_bounds = array<i64: 512, 128>}, {pipeline_mode = #tpu.pipeline_mode<synchronous>, transform_indices = @transform_2, window_bounds = array<i64: 128, 512>}, {pipeline_mode = #tpu.pipeline_mode<synchronous>, transform_indices = @transform_3, window_bounds = array<i64: 128, 512>}, {pipeline_mode = #tpu.pipeline_mode<synchronous>, transform_indices = @transform_4, window_bounds = array<i64: 1, 512>}, {pipeline_mode = #tpu.pipeline_mode<synchronous>, transform_indices = @transform_5, window_bounds = array<i64: 1, 512>}, {pipeline_mode = #tpu.pipeline_mode<synchronous>, transform_indices = @transform_6, window_bounds = array<i64: 512, 8>}, {pipeline_mode = #tpu.pipeline_mode<synchronous>, transform_indices = @transform_7, window_bounds = array<i64: 128, 128>}, {pipeline_mode = #tpu.pipeline_mode<synchronous>, transform_indices = @transform_8, window_bounds = array<i64: 1, 128>}, {pipeline_mode = #tpu.pipeline_mode<synchronous>, transform_indices = @transform_9, window_bounds = array<i64: 4, 128>}, {pipeline_mode = #tpu.pipeline_mode<synchronous>, transform_indices = @transform_10, window_bounds = array<i64: 8, 128>}, {transform_indices = @transform_11, window_bounds = array<i64: 512, 128>}, {transform_indices = @transform_12, window_bounds = array<i64: 512, 128>}]} {
    %get3A = arith.constant 0 : index
    %get3A_0 = arith.constant 0 : index
    %get3A_1 = vector.load %arg1[%get3A, %get3A_0] : memref<512x128xf32, #tpu.memory_space<vmem>>, vector<512x128xf32>
    %convert_element_type3A = arith.truncf %get3A_1 : vector<512x128xf32> to vector<512x128xbf16>
    %get3A_2 = arith.constant 0 : index
    %get3A_3 = arith.constant 0 : index
    %get3A_4 = vector.load %arg2[%get3A_2, %get3A_3] : memref<512x128xf32, #tpu.memory_space<vmem>>, vector<512x128xf32>
    %convert_element_type3A_5 = arith.truncf %get3A_4 : vector<512x128xf32> to vector<512x128xbf16>
    %get3A_6 = arith.constant 0 : index
    %get3A_7 = arith.constant 0 : index
    %get3A_8 = vector.load %arg3[%get3A_6, %get3A_7] : memref<128x512xbf16, #tpu.memory_space<vmem>>, vector<128x512xbf16>
    %dot_general3A = arith.constant dense<0.000000e+00> : vector<512x512xf32>
    %dot_general3A_9 = tpu.matmul %convert_element_type3A, %get3A_8, %dot_general3A {dimension_numbers = #tpu.dot_dimension_numbers<[1], [0], [0], [1], [0, 0, 1, 1], [], []>, transpose_lhs_hint = false} : vector<512x128xbf16>, vector<128x512xbf16>, vector<512x512xf32> -> vector<512x512xf32>
    %get3A_10 = arith.constant 0 : index
    %get3A_11 = arith.constant 0 : index
    %get3A_12 = vector.load %arg4[%get3A_10, %get3A_11] : memref<128x512xbf16, #tpu.memory_space<vmem>>, vector<128x512xbf16>
    %dot_general3A_13 = arith.constant dense<0.000000e+00> : vector<512x512xf32>
    %dot_general3A_14 = tpu.matmul %convert_element_type3A_5, %get3A_12, %dot_general3A_13 {dimension_numbers = #tpu.dot_dimension_numbers<[1], [0], [0], [1], [0, 0, 1, 1], [], []>, transpose_lhs_hint = false} : vector<512x128xbf16>, vector<128x512xbf16>, vector<512x512xf32> -> vector<512x512xf32>
    %add3A = arith.addf %dot_general3A_9, %dot_general3A_14 : vector<512x512xf32>
    %get3A_15 = arith.constant 0 : index
    %get3A_16 = arith.constant 0 : index
    %get3A_17 = vector.load %arg5[%get3A_15, %get3A_16] : memref<1x512xf32, #tpu.memory_space<vmem>>, vector<1x512xf32>
    %add3A_18 = vector.broadcast %get3A_17 : vector<1x512xf32> to vector<512x512xf32>
    %add3A_19 = arith.addf %add3A, %add3A_18 : vector<512x512xf32>
    %mul3A = arith.constant 5.000000e-01 : f32
    %mul3A_20 = vector.broadcast %mul3A : f32 to vector<512x512xf32>
    %mul3A_21 = arith.mulf %mul3A_20, %add3A_19 : vector<512x512xf32>
    %mul3A_22 = arith.constant 0.707106769 : f32
    %mul3A_23 = vector.broadcast %mul3A_22 : f32 to vector<512x512xf32>
    %mul3A_24 = arith.mulf %add3A_19, %mul3A_23 : vector<512x512xf32>
    %erf3A = math.erf %mul3A_24 : vector<512x512xf32>
    %add3A_25 = arith.constant 1.000000e+00 : f32
    %add3A_26 = vector.broadcast %add3A_25 : f32 to vector<512x512xf32>
    %add3A_27 = arith.addf %add3A_26, %erf3A : vector<512x512xf32>
    %mul3A_28 = arith.mulf %mul3A_21, %add3A_27 : vector<512x512xf32>
    %get3A_29 = arith.constant 0 : index
    %get3A_30 = arith.constant 0 : index
    %get3A_31 = vector.load %arg6[%get3A_29, %get3A_30] : memref<1x512xf32, #tpu.memory_space<vmem>>, vector<1x512xf32>
    %mul3A_32 = vector.broadcast %get3A_31 : vector<1x512xf32> to vector<512x512xf32>
    %mul3A_33 = arith.mulf %mul3A_28, %mul3A_32 : vector<512x512xf32>
    %get3A_34 = arith.constant 0 : index
    %get3A_35 = arith.constant 0 : index
    %get3A_36 = vector.load %arg7[%get3A_34, %get3A_35] : memref<512x8xf32, #tpu.memory_space<vmem>>, vector<512x8xf32>
    %dot_general3A_37 = arith.constant dense<0.000000e+00> : vector<512x8xf32>
    %dot_general3A_38 = tpu.matmul %mul3A_33, %get3A_36, %dot_general3A_37 {dimension_numbers = #tpu.dot_dimension_numbers<[1], [0], [0], [1], [0, 0, 1, 1], [], []>, transpose_lhs_hint = false} : vector<512x512xf32>, vector<512x8xf32>, vector<512x8xf32> -> vector<512x8xf32>
    %exp3A = math.exp %dot_general3A_38 : vector<512x8xf32>
    %get3A_39 = arith.constant 0 : index
    %get3A_40 = arith.constant 0 : index
    %get3A_41 = vector.load %arg8[%get3A_39, %get3A_40] : memref<128x128xbf16, #tpu.memory_space<vmem>>, vector<128x128xbf16>
    %dot_general3A_42 = arith.constant dense<0.000000e+00> : vector<512x128xf32>
    %dot_general3A_43 = tpu.matmul %convert_element_type3A, %get3A_41, %dot_general3A_42 {dimension_numbers = #tpu.dot_dimension_numbers<[1], [0], [0], [1], [0, 0, 1, 1], [], []>, transpose_lhs_hint = false} : vector<512x128xbf16>, vector<128x128xbf16>, vector<512x128xf32> -> vector<512x128xf32>
    %get3A_44 = arith.constant 0 : index
    %get3A_45 = arith.constant 0 : index
    %get3A_46 = vector.load %arg9[%get3A_44, %get3A_45] : memref<1x128xf32, #tpu.memory_space<vmem>>, vector<1x128xf32>
    %add3A_47 = vector.broadcast %get3A_46 : vector<1x128xf32> to vector<512x128xf32>
    %add3A_48 = arith.addf %dot_general3A_43, %add3A_47 : vector<512x128xf32>
    %slice3A = vector.extract_strided_slice %exp3A {offsets = [0, 0], sizes = [512, 4], strides = [1, 1]} : vector<512x8xf32> to vector<512x4xf32>
    %get3A_49 = arith.constant 0 : index
    %get3A_50 = arith.constant 0 : index
    %get3A_51 = vector.load %arg10[%get3A_49, %get3A_50] : memref<4x128xf32, #tpu.memory_space<vmem>>, vector<4x128xf32>
    %dot_general3A_52 = arith.constant dense<0.000000e+00> : vector<512x128xf32>
    %dot_general3A_53 = tpu.matmul %slice3A, %get3A_51, %dot_general3A_52 {dimension_numbers = #tpu.dot_dimension_numbers<[1], [0], [0], [1], [0, 0, 1, 1], [], []>, transpose_lhs_hint = false} : vector<512x4xf32>, vector<4x128xf32>, vector<512x128xf32> -> vector<512x128xf32>
    %mul3A_54 = arith.mulf %add3A_48, %dot_general3A_53 : vector<512x128xf32>
    %swap3A = arith.constant 0 : index
    %swap3A_55 = arith.constant 0 : index
    %swap3A_56 = vector.load %arg12[%swap3A, %swap3A_55] : memref<512x128xf32, #tpu.memory_space<vmem>>, vector<512x128xf32>
    tpu.vector_store %arg12[%swap3A, %swap3A_55], %mul3A_54 {strides = array<i32>} : memref<512x128xf32, #tpu.memory_space<vmem>>, vector<512x128xf32>,
    %get3A_57 = arith.constant 0 : index
    %get3A_58 = arith.constant 0 : index
    %get3A_59 = vector.load %arg11[%get3A_57, %get3A_58] : memref<8x128xf32, #tpu.memory_space<vmem>>, vector<8x128xf32>
    %dot_general3A_60 = arith.constant dense<0.000000e+00> : vector<512x128xf32>
    %dot_general3A_61 = tpu.matmul %exp3A, %get3A_59, %dot_general3A_60 {dimension_numbers = #tpu.dot_dimension_numbers<[1], [0], [0], [1], [0, 0, 1, 1], [], []>, transpose_lhs_hint = false} : vector<512x8xf32>, vector<8x128xf32>, vector<512x128xf32> -> vector<512x128xf32>
    %swap3A_62 = arith.constant 0 : index
    %swap3A_63 = arith.constant 0 : index
    %swap3A_64 = vector.load %arg13[%swap3A_62, %swap3A_63] : memref<512x128xf32, #tpu.memory_space<vmem>>, vector<512x128xf32>
    tpu.vector_store %arg13[%swap3A_62, %swap3A_63], %dot_general3A_61 {strides = array<i32>} : memref<512x128xf32, #tpu.memory_space<vmem>>, vector<512x128xf32>,
    return
  }
  func.func @transform_0(%arg0: i32) -> (i32, i32) {
    %c0_i32 = arith.constant 0 : i32
    %c0_i32_0 = arith.constant 0 : i32
    return %arg0, %c0_i32 : i32, i32
  }
  func.func @transform_1(%arg0: i32) -> (i32, i32) {
    %c0_i32 = arith.constant 0 : i32
    %c0_i32_0 = arith.constant 0 : i32
    return %arg0, %c0_i32 : i32, i32
  }
  func.func @transform_2(%arg0: i32) -> (i32, i32) {
    %c0_i32 = arith.constant 0 : i32
    %c0_i32_0 = arith.constant 0 : i32
    %c0_i32_1 = arith.constant 0 : i32
    return %c0_i32, %c0_i32_0 : i32, i32
  }
  func.func @transform_3(%arg0: i32) -> (i32, i32) {
    %c0_i32 = arith.constant 0 : i32
    %c0_i32_0 = arith.constant 0 : i32
    %c0_i32_1 = arith.constant 0 : i32
    return %c0_i32, %c0_i32_0 : i32, i32
  }
  func.func @transform_4(%arg0: i32) -> (i32, i32) {
    %c0_i32 = arith.constant 0 : i32
    %c0_i32_0 = arith.constant 0 : i32
    %c0_i32_1 = arith.constant 0 : i32
    return %c0_i32, %c0_i32_0 : i32, i32
  }
  func.func @transform_5(%arg0: i32) -> (i32, i32) {
    %c0_i32 = arith.constant 0 : i32
    %c0_i32_0 = arith.constant 0 : i32
    %c0_i32_1 = arith.constant 0 : i32
    return %c0_i32, %c0_i32_0 : i32, i32
  }
  func.func @transform_6(%arg0: i32) -> (i32, i32) {
    %c0_i32 = arith.constant 0 : i32
    %c0_i32_0 = arith.constant 0 : i32
    %c0_i32_1 = arith.constant 0 : i32
    return %c0_i32, %c0_i32_0 : i32, i32
  }
  func.func @transform_7(%arg0: i32) -> (i32, i32) {
    %c0_i32 = arith.constant 0 : i32
    %c0_i32_0 = arith.constant 0 : i32
    %c0_i32_1 = arith.constant 0 : i32
    return %c0_i32, %c0_i32_0 : i32, i32
  }
  func.func @transform_8(%arg0: i32) -> (i32, i32) {
    %c0_i32 = arith.constant 0 : i32
    %c0_i32_0 = arith.constant 0 : i32
    %c0_i32_1 = arith.constant 0 : i32
    return %c0_i32, %c0_i32_0 : i32, i32
  }
  func.func @transform_9(%arg0: i32) -> (i32, i32) {
    %c0_i32 = arith.constant 0 : i32
    %c0_i32_0 = arith.constant 0 : i32
    %c0_i32_1 = arith.constant 0 : i32
    return %c0_i32, %c0_i32_0 : i32, i32
  }
  func.func @transform_10(%arg0: i32) -> (i32, i32) {
    %c0_i32 = arith.constant 0 : i32
    %c0_i32_0 = arith.constant 0 : i32
    %c0_i32_1 = arith.constant 0 : i32
    return %c0_i32, %c0_i32_0 : i32, i32
  }
  func.func @transform_11(%arg0: i32) -> (i32, i32) {
    %c0_i32 = arith.constant 0 : i32
    %c0_i32_0 = arith.constant 0 : i32
    return %arg0, %c0_i32 : i32, i32
  }
  func.func @transform_12(%arg0: i32) -> (i32, i32) {
    %c0_i32 = arith.constant 0 : i32
    %c0_i32_0 = arith.constant 0 : i32
    return %arg0, %c0_i32 : i32, i32
  }
}

</mosaic_0001>

<sc_bundles>
// kernel: kernel.13.cloned.1.call-start
scs
__scs_entry_jumppad:
0x0: {  	(pc) =	sbr.rel $0x88, $3  }
0x1: {  	(tag) =	ssettag $0x0;
	lr =	simm.s32 $0x1  }
0x2: {  	[smem:$0x3F80] =	sst lr;
	_ =	strace $0xD0000000  }
0x3: {  	_ = 	snop  }
0x4: {  	_ = 	snop  }
0x5: {  	_ = 	snop  }
0x6: {  	_ = 	snop  }
0x7: {  	_ = 	snop  }
__scs_overlays_trampoline_lowered:
0x8: {  	[smem:$0x3F8F] =	sst s0  }
0x9: {  	[smem:$0x3F90] =	sst s1  }
0xa: {  	[smem:$0x3F91] =	sst s2  }
0xb: {  	[smem:$0x3F92] =	sst s3  }
0xc: {  	[smem:$0x3F93] =	sst s4  }
0xd: {  	[smem:$0x3F94] =	sst s5  }
0xe: {  	[smem:$0x3F95] =	sst s6  }
0xf: {  	[smem:$0x3F96] =	sst s7  }
0x10: {  	[smem:$0x3F97] =	sst s8  }
0x11: {  	[smem:$0x3F98] =	sst s9;
	s0 =	simm.s32 @!p0 $0x0  }
0x12: {  	s1 =	sld [smem:$0x3F7E];
	s0 =	simm.s32 @p0 $0x1  }
0x13: {  	[smem:$0x3F99] =	sst s0;
	s0 =	simm.s32 @!p1 $0x0  }
0x14: {  	s2 =	sld [smem:$0x3F7D];
	s0 =	simm.s32 @p1 $0x1  }
0x15: {  	[smem:$0x3F9A] =	sst s0;
	s0 =	simm.s32 @!p2 $0x0  }
0x16: {  	s3 =	sld [smem:$0x3FDB];
	s0 =	simm.s32 @p2 $0x1  }
0x17: {  	s4 =	simm.s32 $0x1BF5;
	[smem:$0x3F9C] =	sst s0  }
0x18: {  	s0 =	sld [smem:$0x3F7F];
	_ =	swait.ge [sflag:s4], $0x0  }
0x19: {  	s7 =	sld [smem:$0x3F80]  }
0x1a: {  	s8 =	sadd.s32 $0xFFFFE003, lr  }
0x1b: {  	s9 =	sadd.s32 $0xFFFFFEF7, lr;
	s5 =	simm.s32 $0xFFFFFFFF;
	p2 =	slt.u32 s8, $0xFFFFF086  }
0x1c: {  	p1 =	slt.u32 s9, $0xF7A;
	s5 =	simm.s32 @!p2 $0x0  }
0x1d: {  	s5 =	simm.s32 @p1 $0x1;
	p0 =	seq.s32 s7, s2  }
0x1e: {  	s7 =	smul.u32 @!p0 $0xF7A, s2;
	p2 =	seq.s32 @!p0 s5, $0x0  }
0x1f: {  	s9 =	smul.u32 $0xF7A, s1;
	s8 =	simm.s32 @!p0 $0x1BF5;
	p2 =	por !p2, p0  }
0x20: {  	[sflag:s8] =	ssyncset.s32 @!p0 $0xFFFFF086;
	s6 =	sadd.s32 @!p0 s3, s7;
	s7 =	simm.s32 @!p0 $0x108  }
0x21: {  	s3 =	sadd.s32 s3, s9;
	s6 =	sadd.s32 @!p0 $0x88, s6;
	s7 =	simm.s32 @p2 $0x1082  }
0x22: {  	[simem:s7], [sflag:s8] =	dma.local @!p0 [hbm:s6], $0xF7A  }
0x23: {  	s9 =	sor.u32 $0xD0000000, s2;
	s6 =	simm.s32 $0x108;
	_ =	swait.ge @!p0 [sflag:s8], $0x0  }
0x24: {  	s3 =	sadd.s32 $0x88, s3;
	s6 =	simm.s32 @!p1 $0x1082;
	[sflag:s4] =	ssyncset.s32 $0xFFFFF086  }
0x25: {  	[simem:s6], [sflag:s4] =	dma.local [hbm:s3], $0xF7A  }
0x26: {  	[smem:$0x3F80] =	sst s1;
	(tag) =	ssettag s2;
	_ =	strace s9  }
0x27: {  	s1 =	sld [smem:$0x3F90]  }
0x28: {  	s2 =	sld [smem:$0x3F91]  }
0x29: {  	s4 =	sld [smem:$0x3F93]  }
0x2a: {  	p0 =	seq.s32 s5, $0x0;
	s5 =	sld [smem:$0x3F94]  }
0x2b: {  	s6 =	sld [smem:$0x3F95]  }
0x2c: {  	s7 =	sld [smem:$0x3F96]  }
0x2d: {  	s3 =	simm.s32 $0x108;
	s8 =	sld [smem:$0x3F97]  }
0x2e: {  	s3 =	simm.s32 @!p0 $0x1082;
	s9 =	sld [smem:$0x3F98]  }
0x2f: {  	lr =	sadd.s32 s0, s3;
	s0 =	sld [smem:$0x3F8F]  }
0x30: {  	s3 =	sld [smem:$0x3F92]  }
0x31: {  	[smem:$0x3F9B] =	sst s10  }
0x32: {  	s10 =	sld [smem:$0x3F99];
	_ =	sdelay $0x3  }
0x33: {  	p0 =	seq.s32 s10, $0x1;
	s10 =	sld [smem:$0x3F9B];
	_ =	sdelay $0x3  }
0x34: {  	[smem:$0x3F9B] =	sst s10  }
0x35: {  	s10 =	sld [smem:$0x3F9A];
	_ =	sdelay $0x3  }
0x36: {  	p1 =	seq.s32 s10, $0x1;
	s10 =	sld [smem:$0x3F9B];
	_ =	sdelay $0x3  }
0x37: {  	[smem:$0x3F9B] =	sst s10  }
0x38: {  	s10 =	sld [smem:$0x3F9C]  }
0x39: {  	_ = 	snop;
	(pc) =	sbr.ind lr, $3  }
0x3a: {  	_ = 	snop  }
0x3b: {  	_ = 	snop  }
0x3c: {  	p2 =	seq.s32 s10, $0x1;
	s10 =	sld [smem:$0x3F9B]  }
0x3d: {  	_ =	shalt  }
0x3e: {  	_ =	shalt  }
0x3f: {  	_ =	shalt  }
0x40: {  	_ =	shalt  }
0x41: {  	_ =	shalt  }
0x42: {  	_ =	shalt  }
0x43: {  	_ =	shalt  }
0x44: {  	_ =	shalt  }
0x45: {  	_ =	shalt  }
0x46: {  	_ =	shalt  }
0x47: {  	_ =	shalt  }
0x48: {  	_ =	shalt  }
0x49: {  	_ =	shalt  }
0x4a: {  	_ =	shalt  }
0x4b: {  	_ =	shalt  }
0x4c: {  	_ =	shalt  }
0x4d: {  	_ =	shalt  }
0x4e: {  	_ =	shalt  }
0x4f: {  	_ =	shalt  }
0x50: {  	_ =	shalt  }
0x51: {  	_ =	shalt  }
0x52: {  	_ =	shalt  }
0x53: {  	_ =	shalt  }
0x54: {  	_ =	shalt  }
0x55: {  	_ =	shalt  }
0x56: {  	_ =	shalt  }
0x57: {  	_ =	shalt  }
0x58: {  	_ =	shalt  }
0x59: {  	_ =	shalt  }
0x5a: {  	_ =	shalt  }
0x5b: {  	_ =	shalt  }
0x5c: {  	_ =	shalt  }
0x5d: {  	_ =	shalt  }
0x5e: {  	_ =	shalt  }
0x5f: {  	_ =	shalt  }
0x60: {  	_ =	shalt  }
0x61: {  	_ =	shalt  }
0x62: {  	_ =	shalt  }
0x63: {  	_ =	shalt  }
0x64: {  	_ =	shalt  }
0x65: {  	_ =	shalt  }
0x66: {  	_ =	shalt  }
0x67: {  	_ =	shalt  }
0x68: {  	_ =	shalt  }
0x69: {  	_ =	shalt  }
0x6a: {  	_ =	shalt  }
0x6b: {  	_ =	shalt  }
0x6c: {  	_ =	shalt  }
0x6d: {  	_ =	shalt  }
0x6e: {  	_ =	shalt  }
0x6f: {  	_ =	shalt  }
0x70: {  	_ =	shalt  }
0x71: {  	_ =	shalt  }
0x72: {  	_ =	shalt  }
0x73: {  	_ =	shalt  }
0x74: {  	_ =	shalt  }
0x75: {  	_ =	shalt  }
0x76: {  	_ =	shalt  }
0x77: {  	_ =	shalt  }
0x78: {  	_ =	shalt  }
0x79: {  	_ =	shalt  }
0x7a: {  	_ =	shalt  }
0x7b: {  	_ =	shalt  }
0x7c: {  	_ =	shalt  }
0x7d: {  	_ =	shalt  }
0x7e: {  	_ =	shalt  }
0x7f: {  	_ =	shalt  }
0x80: {  	_ =	shalt  }
0x81: {  	_ =	shalt  }
0x82: {  	_ =	shalt  }
0x83: {  	_ =	shalt  }
0x84: {  	_ =	shalt  }
0x85: {  	_ =	shalt  }
0x86: {  	_ =	shalt  }
0x87: {  	_ =	shalt  }
.Lfunc_end0:
.L_simem_size_0:
called_computation_lowered:
.L_overlay_start_0:
0x88: {  	s2 =	sld [smem:$0x3FD9]  }
0x89: {  	s3 =	sld [smem:$0x3FFE];
	_ =	sdelay $0x1  }
0x8a: {  	s1 =	srdreg.scid  }
0x8b: {  	s0 =	sand.u32 $0x1, s1  }
0x8c: {  	s17 =	sshll.u32 s0, $0xA;
	s2 =	sadd.s32 s3, s2  }
0x8d: {  	s2 =	sadd.s32 s2, s17  }
0x8e: {  	[smem:$0x3FA7] =	sst s2  }
0x8f: {  	_ = 	snop  }
0x90: {  	s18 =	sld [smem:$0x3FAB];
	(tm) =	ssettm $0x1  }
0x91: {  	s19 =	sld [smem:$0x3FFB];
	_ =	sdelay $0x3  }
0x92: {  	_ =	strace s19  }
0x93: {  	s2 =	sld [smem:$0x3FFC];
	_ =	sdelay $0x3  }
0x94: {  	_ =	strace s2  }
0x95: {  	s2 =	sld [smem:$0x3FFD];
	_ =	sdelay $0x3  }
0x96: {  	_ =	strace s2  }
0x97: {  	_ =	strace $0x8FFFFFFF  }
0x98: {  	s20 =	sld [smem:$0x3FDB];
	_ =	sdelay $0x1  }
0x99: {  	s4 =	simm.s32 $_scs_section_size  }
0x9a: {  	s5 =	simm.s32 $_size__tile_overlayer_lowered;
	s6 =	simm.s32 $_tile_overlayer_lowered  }
0x9b: {  	s7 =	simm.s32 $0x1BFF;
	s21 =	sshll.u32 s6, $0x1;
	s4 =	sadd.s32 s4, s20  }
0x9c: {  	s22 =	simm.s32 $0x0;
	s5 =	sshll.u32 s5, $0x1;
	s6 =	sadd.s32 s21, s4  }
0x9d: {  	[timem:s22], [sflag:s7] =	dma.local [hbm:s6], s5  }
0x9e: {  	_ =	swait.ge [sflag:s7], s5  }
0x9f: {  	s5 =	ssub.s32 $0x0, s5;
	[sflag:s7] =	ssyncset.done $0x0  }
0xa0: {  	[sflag:s7] =	ssyncadd.s32 s5;
	_ =	sdelay $0x1  }
0xa1: {  	s23 =	simm.s32 $0x1B8B  }
0xa2: {  	_ =	swait.ge [sflag:s23], $0x1  }
0xa3: {  	[sflag:s23] =	ssyncset.done $0x0  }
0xa4: {  	[sflag:s23] =	ssyncadd.s32 $0xFFFFFFFF  }
0xa5: {  	s5 =	sld [smem:$0x0]  }
0xa6: {  	s6 =	sand.u32 $0xFFFFFFFE, s1  }
0xa7: {  	p0 =	sne.s32 s1, s6  }
0xa8: {  	s6 =	sshll.u32 @p0 s6, $0xE  }
0xa9: {  	s6 =	sadd.s32 @p0 $0x11B8D, s6;
	s7 =	sshll.u32 @p0 s5, $0x11  }
0xaa: {  	s6 =	sor.u32 @p0 s7, s6  }
0xab: {  	[sflag:s6] =	ssyncadd.remote.s32 @p0 $0x1;
	_ =	sdelay $0x1  }
0xac: {  	s6 =	simm.s32 @p0 $0x1B8D  }
0xad: {  	_ =	swait.eq @p0 [sflag:s6], $0x1  }
0xae: {  	[sflag:s6] =	ssyncadd.s32 @p0 $0xFFFFFFFF  }
0xaf: {  	s7 =	sshll.u32 @!p0 s1, $0xE  }
0xb0: {  	s7 =	sor.u32 @!p0 $0x4000, s7;
	s6 =	simm.s32 @!p0 $0x1B8D  }
0xb1: {  	s5 =	sshll.u32 @!p0 s5, $0x11;
	s7 =	sadd.s32 @!p0 $0x11B8D, s7;
	_ =	swait.eq @!p0 [sflag:s6], $0x1  }
0xb2: {  	s5 =	sor.u32 @!p0 s5, s7;
	[sflag:s6] =	ssyncadd.s32 @!p0 $0xFFFFFFFF  }
0xb3: {  	s25 =	simm.s32 $0x1B8E;
	s24 =	sld [smem:$0x3FFE];
	[sflag:s5] =	ssyncadd.remote.s32 @!p0 $0x1  }
0xb4: {  	s26 =	simm.s32 $execute0_lowered;
	[smem:$0x3FD2] =	sst s25  }
0xb5: {  	s6 =	sshll.u32 s26, $0x1;
	_ =	strace $0x8000004F;
	[dreg:$0x1] =	wrdreg $0xFFFFFFFF  }
0xb6: {  	s28 =	simm.s32 $_size_execute0_lowered;
	s4 =	sadd.s32 s4, s6;
	[dreg:$0x0] =	wrdreg $0x0  }
0xb7: {  	s6 =	sshll.u32 s28, $0x1;
	[dreg:$0x2] =	wrdreg s4  }
0xb8: {  	[dreg:$0x3] =	wrdreg s6  }
0xb9: {  	[dreg:$0x4] =	wrdreg $0xC0  }
0xba: {  	_ =	task [dreg:s22], $0x5FFFF  }
0xbb: {  	[dreg:$0x1] =	wrdreg $0xFFFFFFFF  }
0xbc: {  	[dreg:$0x0] =	wrdreg $0x60  }
0xbd: {  	[dreg:$0x2] =	wrdreg s24  }
0xbe: {  	[dreg:$0x3] =	wrdreg s18  }
0xbf: {  	[dreg:$0x4] =	wrdreg $0x9  }
0xc0: {  	_ =	task.clear_ibuf [dreg:s22], $0x5FFFF;
	_ =	strace $0x9000004F  }
0xc1: {  	s29 =	simm.s32 $0x9;
	_ =	strace $0x80000051  }
0xc2: {  	_ =	swait.ge [sflag:s29], $0x1  }
0xc3: {  	[sflag:s29] =	ssyncadd.s32 $0xFFFFFFFF  }
0xc4: {  	_ =	strace $0x90000051  }
0xc5: {  	_ =	sfence  }
0xc6: {  	s30 =	sld [smem:$0x0];
	_ =	sdelay $0x2  }
0xc7: {  	s31 =	sshll.u32 s1, $0xD;
	s1 =	sshrl.u32 s1, $0x2  }
0xc8: {  	s4 =	sand.u32 $0x4000, s31;
	s1 =	sadd.s32 s1, s30  }
0xc9: {  	s0 =	sor.u32 s4, s0;
	s1 =	sshll.u32 s1, $0x11  }
0xca: {  	s0 =	sor.u32 s1, s0  }
0xcb: {  	s0 =	sadd.s32 $0x8F2B, s0  }
0xcc: {  	[sflag:s0] =	ssyncadd.remote.s32 $0x1  }
0xcd: {  	_ =	sfence.sel $0xFFFF  }
0xce: {  	[dreg:$0x0] =	wrdreg $0xFFFFFFFF;
	(pc) =	sbr.abs _section_cstart, $3  }
0xcf: {  	[dreg:$0x1] =	wrdreg $0xFFFFFFFF  }
0xd0: {  	_ =	task.clear_ibuf [dreg:s22], $0x2FFFF;
	_ =	strace $0x9FFFFFFF  }
0xd1: {  	(tm) =	ssettm $0x7FFFFFFF  }
tec
execute0_lowered:
.L_overlay_start_1:
0x0: {  	(tag) =	ssettag $0x1  }
0x1: {  	s4 =	rddreg [dreg:$0x0]  }
0x2: {  	s5 =	rddreg [dreg:$0x1]  }
0x3: {  	s0 =	rddreg [dreg:$0x2];
	s2 =	simm.s32 $0x0;
	s3 =	srdreg.scid  }
0x4: {  	s1 =	stileid.u32;
	s13 =	simm.s32 $0x2;
	s14 =	simm.s32 $0x0  }
0x5: {  	[smem:$0x7FF] =	sst s2;
	s6 =	sand.u32 $0x1, s3;
	s26 =	sshll.u32 s1, $0x1  }
0x6: {  	s3 =	sadd.s32 $0xED5600, s4;
	s30 =	smul.u32 $0x4E200, s1;
	s7 =	sor.u32 s6, s26  }
0x7: {  	s10 =	sadd.s32 $0xEDD400, s4;
	s8 =	ssub.s32 $0x2, s6;
	s9 =	smul.u32 $0x138800, s7  }
0x8: {  	_ =	strace $0x80000050;
	s28 =	sshrl.u32 s8, $0x1;
	s7 =	smul.u32 $0x2710, s7  }
0x9: {  	s12 =	smul.u32 $0x27100, s6;
	s31 =	sadd.s32 s30, s10;
	s8 =	ssub.s32 s8, s28  }
0xa: {  	s29 =	sshrl.u32 s9, $0x3;
	s7 =	sshrl.u32 s7, $0x3;
	s6 =	smax.u32 s8, $0x1  }
0xb: {  	s8 =	simm.s32 $0x3;
	s9 =	simm.s32 $0x190;
	s11 =	sadd.s32 s10, s29  }
0xc: {  	s4 =	sadd.s32 s5, s7;
	s7 =	sadd.s32 s12, s31;
	s10 =	simm.s32 $0x2780  }
0xd: {  	s12 =	simm.s32 $0xEF80;
	s5 =	sadd.s32 $0x25800, s11;
	s11 =	simm.s32 $0x1  }
.LBB2_1:
0xe: {  	[tilespmem:s2], [sflag:$0x3] =	stream.linear.gather [hbm4b:s4+s2], $0x2710, $0x38;
	[tilespmem:$0x1B780] =	vst v63  }
0xf: {  	_ =	swait.ge [sflag:s8], $0x2710  }
0x10: {  	[sflag:s8] =	ssyncset.done $0x0  }
0x11: {  	[sflag:s8] =	ssyncadd.s32 $0xFFFFD8F0  }
0x12: {  	[tilespmem:s10], [sflag:$0x1] =	stream.indirect.gather [hbm4b:s3+s9], $0x80, s2, s9, $0xb8;
	[tilespmem:$0x1B780] =	vst v63  }
0x13: {  	_ =	swait.ge [sflag:s11], $0xC800  }
0x14: {  	[sflag:s11] =	ssyncset.done $0x0  }
0x15: {  	s15 =	simm.s32 $0x190;
	[sflag:s11] =	ssyncadd.s32 $0xFFFF3800  }
0x16: {  	[tilespmem:s12], [sflag:$0x2] =	stream.indirect.gather [hbm4b:s3+s9], $0x80, s15, s9, $0xb8;
	[tilespmem:$0x1B780] =	vst v63  }
0x17: {  	s31 =	sadd.s32 $0x0, s7  }
0x18: {  	[hbm4b:s31+s2] =	stream.linear.scatter [tilespmem:s10], [sflag:$0x3], $0xC800, $0x38;
	[tilespmem:$0x1B780] =	vst v63  }
0x19: {  	_ =	swait.ge [sflag:s8], $0xC800  }
0x1a: {  	[sflag:s8] =	ssyncset.done $0x0  }
0x1b: {  	[sflag:s8] =	ssyncadd.s32 $0xFFFF3800  }
0x1c: {  	_ =	swait.ge [sflag:s13], $0xC800  }
0x1d: {  	[sflag:s13] =	ssyncset.done $0x0  }
0x1e: {  	s16 =	simm.s32 $0x320;
	[sflag:s13] =	ssyncadd.s32 $0xFFFF3800  }
0x1f: {  	[tilespmem:s10], [sflag:$0x1] =	stream.indirect.gather [hbm4b:s3+s9], $0x80, s16, s9, $0xb8;
	[tilespmem:$0x1B780] =	vst v63  }
0x20: {  	s15 =	sadd.s32 $0x1900, s31  }
0x21: {  	[hbm4b:s15+s2] =	stream.linear.scatter [tilespmem:s12], [sflag:$0x3], $0xC800, $0x38;
	[tilespmem:$0x1B780] =	vst v63  }
0x22: {  	_ =	swait.ge [sflag:s8], $0xC800  }
0x23: {  	[sflag:s8] =	ssyncset.done $0x0  }
0x24: {  	[sflag:s8] =	ssyncadd.s32 $0xFFFF3800  }
0x25: {  	s17 =	simm.s32 $0x6400;
	_ =	swait.ge [sflag:s11], $0xC800  }
0x26: {  	s16 =	simm.s32 $0x3200;
	s15 =	simm.s32 $0x640;
	[sflag:s11] =	ssyncset.done $0x0  }
.LBB2_2:
0x27: {  	p0 =	sne.s32 s17, $0x22600;
	s18 =	sadd.s32 $0xFFFFFE70, s15;
	[sflag:s11] =	ssyncadd.s32 $0xFFFF3800  }
0x28: {  	[tilespmem:s12], [sflag:$0x2] =	stream.indirect.gather [hbm4b:s3+s9], $0x80, s18, s9, $0xb8;
	[tilespmem:$0x1B780] =	vst v63  }
0x29: {  	s18 =	sadd.s32 s16, s7;
	s16 =	smov.u32 s17;
	s17 =	sadd.s32 $0x3200, s17  }
0x2a: {  	[hbm4b:s18+s2] =	stream.linear.scatter [tilespmem:s10], [sflag:$0x3], $0xC800, $0x38;
	[tilespmem:$0x1B780] =	vst v63  }
0x2b: {  	_ =	swait.ge [sflag:s8], $0xC800  }
0x2c: {  	[sflag:s8] =	ssyncset.done $0x0  }
0x2d: {  	[sflag:s8] =	ssyncadd.s32 $0xFFFF3800  }
0x2e: {  	_ =	swait.ge [sflag:s13], $0xC800  }
0x2f: {  	[sflag:s13] =	ssyncset.done $0x0  }
0x30: {  	[sflag:s13] =	ssyncadd.s32 $0xFFFF3800  }
0x31: {  	[tilespmem:s10], [sflag:$0x1] =	stream.indirect.gather [hbm4b:s3+s9], $0x80, s15, s9, $0xb8;
	[tilespmem:$0x1B780] =	vst v63  }
0x32: {  	s18 =	sadd.s32 $0x1900, s18  }
0x33: {  	[hbm4b:s18+s2] =	stream.linear.scatter [tilespmem:s12], [sflag:$0x3], $0xC800, $0x38;
	[tilespmem:$0x1B780] =	vst v63  }
.Ltmp0:
0x34: {  	_ =	swait.ge [sflag:s8], $0xC800;
	(pc) =	sbr.rel @p0 .LBB2_2-.Ltmp0, $4  }
0x35: {  	[sflag:s8] =	ssyncset.done $0x0  }
0x36: {  	[sflag:s8] =	ssyncadd.s32 $0xFFFF3800  }
0x37: {  	_ =	swait.ge [sflag:s11], $0xC800  }
0x38: {  	s15 =	sadd.s32 $0x320, s15;
	[sflag:s11] =	ssyncset.done $0x0  }
0x39: {  	s17 =	sadd.s32 $0xFFFFFE70, s15;
	[sflag:s11] =	ssyncadd.s32 $0xFFFF3800  }
0x3a: {  	[tilespmem:s12], [sflag:$0x2] =	stream.indirect.gather [hbm4b:s3+s9], $0x80, s17, s9, $0xb8;
	[tilespmem:$0x1B780] =	vst v63  }
0x3b: {  	s16 =	sadd.s32 s16, s7  }
0x3c: {  	[hbm4b:s16+s2] =	stream.linear.scatter [tilespmem:s10], [sflag:$0x3], $0xC800, $0x38;
	[tilespmem:$0x1B780] =	vst v63  }
0x3d: {  	_ =	swait.ge [sflag:s8], $0xC800  }
0x3e: {  	[sflag:s8] =	ssyncset.done $0x0  }
0x3f: {  	[sflag:s8] =	ssyncadd.s32 $0xFFFF3800  }
0x40: {  	_ =	swait.ge [sflag:s13], $0xC800  }
0x41: {  	[sflag:s13] =	ssyncset.done $0x0  }
0x42: {  	[sflag:s13] =	ssyncadd.s32 $0xFFFF3800  }
0x43: {  	[tilespmem:s10], [sflag:$0x1] =	stream.indirect.gather [hbm4b:s3+s9], $0x80, s15, s9, $0xb8;
	[tilespmem:$0x1B780] =	vst v63  }
0x44: {  	s31 =	sadd.s32 $0x1900, s16  }
0x45: {  	[hbm4b:s31+s2] =	stream.linear.scatter [tilespmem:s12], [sflag:$0x3], $0xC800, $0x38;
	[tilespmem:$0x1B780] =	vst v63  }
0x46: {  	_ =	swait.ge [sflag:s8], $0xC800  }
0x47: {  	[sflag:s8] =	ssyncset.done $0x0  }
0x48: {  	[sflag:s8] =	ssyncadd.s32 $0xFFFF3800  }
0x49: {  	s14 =	sadd.s32 $0x1, s14;
	_ =	swait.ge [sflag:s11], $0xC800  }
0x4a: {  	p0 =	sne.s32 s14, s6;
	[sflag:s11] =	ssyncset.done $0x0  }
.Ltmp1:
0x4b: {  	[sflag:s11] =	ssyncadd.s32 $0xFFFF3800;
	(pc) =	sbr.rel @p0 .LBB2_1-.Ltmp1, $4  }
0x4c: {  	[hbm4b:s5+s2] =	stream.linear.scatter [tilespmem:s10], [sflag:$0x3], $0xC800, $0x38;
	[tilespmem:$0x1B780] =	vst v63  }
0x4d: {  	_ =	swait.ge [sflag:s8], $0xC800  }
0x4e: {  	[sflag:s8] =	ssyncset.done $0x0  }
0x4f: {  	[sflag:s8] =	ssyncadd.s32 $0xFFFF3800  }
0x50: {  	_ =	sfence.sel $0x180000  }
0x51: {  	[bflag:$0x0] =	sbarrier.arrive $0xFFFF  }
0x52: {  	p0 =	sne.s32 s1, $0x0;
	_ =	strace $0x90000050  }
0x53: {  	s0 =	sadd.s32 @!p0 $0x100000, s0;
	[bflag:$0x2] =	sbarrier.arrive $0xFFFF  }
0x54: {  	[sflag:s0] =	ssyncadd.tile.s32 @!p0 $0x1;
	_ =	shalt  }
.Lfunc_end2:
_tile_overlayer_lowered:
.L_overlay_start_2:
0x55: {  	(tag) =	ssettag $0x2  }
0x56: {  	s0 =	rddreg [dreg:$0x0];
	s2 =	stileid.u32  }
0x57: {  	s1 =	rddreg [dreg:$0x1];
	p0 =	sne.s32 s2, $0x0  }
0x58: {  	s3 =	rddreg [dreg:$0x2];
	[bflag:$0x3] =	sbarrier.arrive $0xFFFF;
	s2 =	simm.s32 @!p0 $0x1C03  }
0x59: {  	[timem:s3], [sflag:s2] =	dma.local @!p0 [hbm:s0], s1  }
0x5a: {  	s0 =	simm.s32 @!p0 $0x3  }
0x5b: {  	_ =	swait.ge @!p0 [sflag:s0], s1  }
0x5c: {  	s1 =	ssub.s32 @!p0 $0x0, s1;
	[sflag:s0] =	ssyncset.done @!p0 $0x0  }
0x5d: {  	[sflag:s0] =	ssyncadd.s32 @!p0 s1  }
0x5e: {  	[bflag:$0x3] =	sbarrier.arrive $0xFFFF  }
0x5f: {  	_ =	shalt  }

// kernel: kernel.16.cloned.1.call-start
scs
__scs_entry_jumppad:
0x0: {  	(pc) =	sbr.rel $0x88, $3  }
0x1: {  	(tag) =	ssettag $0x0;
	lr =	simm.s32 $0x1  }
0x2: {  	[smem:$0x3F80] =	sst lr;
	_ =	strace $0xD0000000  }
0x3: {  	_ = 	snop  }
0x4: {  	_ = 	snop  }
0x5: {  	_ = 	snop  }
0x6: {  	_ = 	snop  }
0x7: {  	_ = 	snop  }
__scs_overlays_trampoline_lowered:
0x8: {  	[smem:$0x3F8F] =	sst s0  }
0x9: {  	[smem:$0x3F90] =	sst s1  }
0xa: {  	[smem:$0x3F91] =	sst s2  }
0xb: {  	[smem:$0x3F92] =	sst s3  }
0xc: {  	[smem:$0x3F93] =	sst s4  }
0xd: {  	[smem:$0x3F94] =	sst s5  }
0xe: {  	[smem:$0x3F95] =	sst s6  }
0xf: {  	[smem:$0x3F96] =	sst s7  }
0x10: {  	[smem:$0x3F97] =	sst s8  }
0x11: {  	[smem:$0x3F98] =	sst s9;
	s0 =	simm.s32 @!p0 $0x0  }
0x12: {  	s1 =	sld [smem:$0x3F7E];
	s0 =	simm.s32 @p0 $0x1  }
0x13: {  	[smem:$0x3F99] =	sst s0;
	s0 =	simm.s32 @!p1 $0x0  }
0x14: {  	s2 =	sld [smem:$0x3F7D];
	s0 =	simm.s32 @p1 $0x1  }
0x15: {  	[smem:$0x3F9A] =	sst s0;
	s0 =	simm.s32 @!p2 $0x0  }
0x16: {  	s3 =	sld [smem:$0x3FDB];
	s0 =	simm.s32 @p2 $0x1  }
0x17: {  	s4 =	simm.s32 $0x1BF5;
	[smem:$0x3F9C] =	sst s0  }
0x18: {  	s0 =	sld [smem:$0x3F7F];
	_ =	swait.ge [sflag:s4], $0x0  }
0x19: {  	s7 =	sld [smem:$0x3F80]  }
0x1a: {  	s8 =	sadd.s32 $0xFFFFE003, lr  }
0x1b: {  	s9 =	sadd.s32 $0xFFFFFEF7, lr;
	s5 =	simm.s32 $0xFFFFFFFF;
	p2 =	slt.u32 s8, $0xFFFFF086  }
0x1c: {  	p1 =	slt.u32 s9, $0xF7A;
	s5 =	simm.s32 @!p2 $0x0  }
0x1d: {  	s5 =	simm.s32 @p1 $0x1;
	p0 =	seq.s32 s7, s2  }
0x1e: {  	s7 =	smul.u32 @!p0 $0xF7A, s2;
	p2 =	seq.s32 @!p0 s5, $0x0  }
0x1f: {  	s9 =	smul.u32 $0xF7A, s1;
	s8 =	simm.s32 @!p0 $0x1BF5;
	p2 =	por !p2, p0  }
0x20: {  	[sflag:s8] =	ssyncset.s32 @!p0 $0xFFFFF086;
	s6 =	sadd.s32 @!p0 s3, s7;
	s7 =	simm.s32 @!p0 $0x108  }
0x21: {  	s3 =	sadd.s32 s3, s9;
	s6 =	sadd.s32 @!p0 $0x88, s6;
	s7 =	simm.s32 @p2 $0x1082  }
0x22: {  	[simem:s7], [sflag:s8] =	dma.local @!p0 [hbm:s6], $0xF7A  }
0x23: {  	s9 =	sor.u32 $0xD0000000, s2;
	s6 =	simm.s32 $0x108;
	_ =	swait.ge @!p0 [sflag:s8], $0x0  }
0x24: {  	s3 =	sadd.s32 $0x88, s3;
	s6 =	simm.s32 @!p1 $0x1082;
	[sflag:s4] =	ssyncset.s32 $0xFFFFF086  }
0x25: {  	[simem:s6], [sflag:s4] =	dma.local [hbm:s3], $0xF7A  }
0x26: {  	[smem:$0x3F80] =	sst s1;
	(tag) =	ssettag s2;
	_ =	strace s9  }
0x27: {  	s1 =	sld [smem:$0x3F90]  }
0x28: {  	s2 =	sld [smem:$0x3F91]  }
0x29: {  	s4 =	sld [smem:$0x3F93]  }
0x2a: {  	p0 =	seq.s32 s5, $0x0;
	s5 =	sld [smem:$0x3F94]  }
0x2b: {  	s6 =	sld [smem:$0x3F95]  }
0x2c: {  	s7 =	sld [smem:$0x3F96]  }
0x2d: {  	s3 =	simm.s32 $0x108;
	s8 =	sld [smem:$0x3F97]  }
0x2e: {  	s3 =	simm.s32 @!p0 $0x1082;
	s9 =	sld [smem:$0x3F98]  }
0x2f: {  	lr =	sadd.s32 s0, s3;
	s0 =	sld [smem:$0x3F8F]  }
0x30: {  	s3 =	sld [smem:$0x3F92]  }
0x31: {  	[smem:$0x3F9B] =	sst s10  }
0x32: {  	s10 =	sld [smem:$0x3F99];
	_ =	sdelay $0x3  }
0x33: {  	p0 =	seq.s32 s10, $0x1;
	s10 =	sld [smem:$0x3F9B];
	_ =	sdelay $0x3  }
0x34: {  	[smem:$0x3F9B] =	sst s10  }
0x35: {  	s10 =	sld [smem:$0x3F9A];
	_ =	sdelay $0x3  }
0x36: {  	p1 =	seq.s32 s10, $0x1;
	s10 =	sld [smem:$0x3F9B];
	_ =	sdelay $0x3  }
0x37: {  	[smem:$0x3F9B] =	sst s10  }
0x38: {  	s10 =	sld [smem:$0x3F9C]  }
0x39: {  	_ = 	snop;
	(pc) =	sbr.ind lr, $3  }
0x3a: {  	_ = 	snop  }
0x3b: {  	_ = 	snop  }
0x3c: {  	p2 =	seq.s32 s10, $0x1;
	s10 =	sld [smem:$0x3F9B]  }
0x3d: {  	_ =	shalt  }
0x3e: {  	_ =	shalt  }
0x3f: {  	_ =	shalt  }
0x40: {  	_ =	shalt  }
0x41: {  	_ =	shalt  }
0x42: {  	_ =	shalt  }
0x43: {  	_ =	shalt  }
0x44: {  	_ =	shalt  }
0x45: {  	_ =	shalt  }
0x46: {  	_ =	shalt  }
0x47: {  	_ =	shalt  }
0x48: {  	_ =	shalt  }
0x49: {  	_ =	shalt  }
0x4a: {  	_ =	shalt  }
0x4b: {  	_ =	shalt  }
0x4c: {  	_ =	shalt  }
0x4d: {  	_ =	shalt  }
0x4e: {  	_ =	shalt  }
0x4f: {  	_ =	shalt  }
0x50: {  	_ =	shalt  }
0x51: {  	_ =	shalt  }
0x52: {  	_ =	shalt  }
0x53: {  	_ =	shalt  }
0x54: {  	_ =	shalt  }
0x55: {  	_ =	shalt  }
0x56: {  	_ =	shalt  }
0x57: {  	_ =	shalt  }
0x58: {  	_ =	shalt  }
0x59: {  	_ =	shalt  }
0x5a: {  	_ =	shalt  }
0x5b: {  	_ =	shalt  }
0x5c: {  	_ =	shalt  }
0x5d: {  	_ =	shalt  }
0x5e: {  	_ =	shalt  }
0x5f: {  	_ =	shalt  }
0x60: {  	_ =	shalt  }
0x61: {  	_ =	shalt  }
0x62: {  	_ =	shalt  }
0x63: {  	_ =	shalt  }
0x64: {  	_ =	shalt  }
0x65: {  	_ =	shalt  }
0x66: {  	_ =	shalt  }
0x67: {  	_ =	shalt  }
0x68: {  	_ =	shalt  }
0x69: {  	_ =	shalt  }
0x6a: {  	_ =	shalt  }
0x6b: {  	_ =	shalt  }
0x6c: {  	_ =	shalt  }
0x6d: {  	_ =	shalt  }
0x6e: {  	_ =	shalt  }
0x6f: {  	_ =	shalt  }
0x70: {  	_ =	shalt  }
0x71: {  	_ =	shalt  }
0x72: {  	_ =	shalt  }
0x73: {  	_ =	shalt  }
0x74: {  	_ =	shalt  }
0x75: {  	_ =	shalt  }
0x76: {  	_ =	shalt  }
0x77: {  	_ =	shalt  }
0x78: {  	_ =	shalt  }
0x79: {  	_ =	shalt  }
0x7a: {  	_ =	shalt  }
0x7b: {  	_ =	shalt  }
0x7c: {  	_ =	shalt  }
0x7d: {  	_ =	shalt  }
0x7e: {  	_ =	shalt  }
0x7f: {  	_ =	shalt  }
0x80: {  	_ =	shalt  }
0x81: {  	_ =	shalt  }
0x82: {  	_ =	shalt  }
0x83: {  	_ =	shalt  }
0x84: {  	_ =	shalt  }
0x85: {  	_ =	shalt  }
0x86: {  	_ =	shalt  }
0x87: {  	_ =	shalt  }
.Lfunc_end0:
.L_simem_size_0:
called_computation.1_lowered:
.L_overlay_start_0:
0x88: {  	s2 =	sld [smem:$0x3FD9]  }
0x89: {  	s3 =	sld [smem:$0x3FFE];
	_ =	sdelay $0x1  }
0x8a: {  	s1 =	srdreg.scid  }
0x8b: {  	s0 =	sand.u32 $0x1, s1  }
0x8c: {  	s17 =	sshll.u32 s0, $0xA;
	s2 =	sadd.s32 s3, s2  }
0x8d: {  	s2 =	sadd.s32 s2, s17  }
0x8e: {  	[smem:$0x3FA7] =	sst s2  }
0x8f: {  	_ = 	snop  }
0x90: {  	s18 =	sld [smem:$0x3FAC]  }
0x91: {  	s4 =	sld [smem:$0x3FD0];
	(tm) =	ssettm $0x1  }
0x92: {  	s19 =	sld [smem:$0x3FFB];
	_ =	sdelay $0x3  }
0x93: {  	_ =	strace s19  }
0x94: {  	s2 =	sld [smem:$0x3FFC];
	_ =	sdelay $0x3  }
0x95: {  	_ =	strace s2  }
0x96: {  	s2 =	sld [smem:$0x3FFD];
	_ =	sdelay $0x3  }
0x97: {  	_ =	strace s2  }
0x98: {  	_ =	strace $0x8FFFFFFF  }
0x99: {  	s20 =	sld [smem:$0x3FDB];
	_ =	sdelay $0x1  }
0x9a: {  	s5 =	simm.s32 $_scs_section_size  }
0x9b: {  	s6 =	simm.s32 $_size__tile_overlayer_lowered;
	s7 =	simm.s32 $_tile_overlayer_lowered  }
0x9c: {  	s8 =	simm.s32 $0x1BFF;
	s21 =	sshll.u32 s7, $0x1;
	s5 =	sadd.s32 s5, s20  }
0x9d: {  	s22 =	simm.s32 $0x0;
	s6 =	sshll.u32 s6, $0x1;
	s7 =	sadd.s32 s21, s5  }
0x9e: {  	[timem:s22], [sflag:s8] =	dma.local [hbm:s7], s6  }
0x9f: {  	_ =	swait.ge [sflag:s8], s6  }
0xa0: {  	s6 =	ssub.s32 $0x0, s6;
	[sflag:s8] =	ssyncset.done $0x0  }
0xa1: {  	[sflag:s8] =	ssyncadd.s32 s6;
	_ =	sdelay $0x1  }
0xa2: {  	s23 =	simm.s32 $0x1B8B  }
0xa3: {  	_ =	swait.ge [sflag:s23], $0x1  }
0xa4: {  	[sflag:s23] =	ssyncset.done $0x0  }
0xa5: {  	[sflag:s23] =	ssyncadd.s32 $0xFFFFFFFF  }
0xa6: {  	s6 =	sld [smem:$0x0]  }
0xa7: {  	s7 =	sand.u32 $0xFFFFFFFE, s1  }
0xa8: {  	p0 =	sne.s32 s1, s7  }
0xa9: {  	s7 =	sshll.u32 @p0 s7, $0xE  }
0xaa: {  	s7 =	sadd.s32 @p0 $0x11B8D, s7;
	s8 =	sshll.u32 @p0 s6, $0x11  }
0xab: {  	s7 =	sor.u32 @p0 s8, s7  }
0xac: {  	[sflag:s7] =	ssyncadd.remote.s32 @p0 $0x1;
	_ =	sdelay $0x1  }
0xad: {  	s7 =	simm.s32 @p0 $0x1B8D  }
0xae: {  	_ =	swait.eq @p0 [sflag:s7], $0x1  }
0xaf: {  	[sflag:s7] =	ssyncadd.s32 @p0 $0xFFFFFFFF  }
0xb0: {  	s8 =	sshll.u32 @!p0 s1, $0xE  }
0xb1: {  	s8 =	sor.u32 @!p0 $0x4000, s8;
	s7 =	simm.s32 @!p0 $0x1B8D  }
0xb2: {  	s6 =	sshll.u32 @!p0 s6, $0x11;
	s8 =	sadd.s32 @!p0 $0x11B8D, s8;
	_ =	swait.eq @!p0 [sflag:s7], $0x1  }
0xb3: {  	s6 =	sor.u32 @!p0 s6, s8;
	[sflag:s7] =	ssyncadd.s32 @!p0 $0xFFFFFFFF  }
0xb4: {  	s25 =	simm.s32 $0x1B8E;
	s24 =	sld [smem:$0x3FFE];
	[sflag:s6] =	ssyncadd.remote.s32 @!p0 $0x1  }
0xb5: {  	s26 =	simm.s32 $execute0_lowered;
	[smem:$0x3FD2] =	sst s25  }
0xb6: {  	s7 =	sshll.u32 s26, $0x1;
	_ =	strace $0x8000004C;
	[dreg:$0x1] =	wrdreg $0xFFFFFFFF  }
0xb7: {  	s28 =	simm.s32 $_size_execute0_lowered;
	s5 =	sadd.s32 s5, s7;
	[dreg:$0x0] =	wrdreg $0x0  }
0xb8: {  	s7 =	sshll.u32 s28, $0x1;
	[dreg:$0x2] =	wrdreg s5  }
0xb9: {  	[dreg:$0x3] =	wrdreg s7  }
0xba: {  	[dreg:$0x4] =	wrdreg $0xC0  }
0xbb: {  	_ =	task [dreg:s22], $0x5FFFF  }
0xbc: {  	[dreg:$0x1] =	wrdreg $0xFFFFFFFF  }
0xbd: {  	[dreg:$0x0] =	wrdreg $0x60  }
0xbe: {  	[dreg:$0x2] =	wrdreg s4  }
0xbf: {  	[dreg:$0x3] =	wrdreg s18  }
0xc0: {  	[dreg:$0x4] =	wrdreg s24  }
0xc1: {  	[dreg:$0x5] =	wrdreg $0xA  }
0xc2: {  	_ =	task.clear_ibuf [dreg:s22], $0x6FFFF;
	_ =	strace $0x9000004C  }
0xc3: {  	s29 =	simm.s32 $0xA;
	_ =	strace $0x8000004E  }
0xc4: {  	_ =	swait.ge [sflag:s29], $0x1  }
0xc5: {  	[sflag:s29] =	ssyncadd.s32 $0xFFFFFFFF  }
0xc6: {  	_ =	strace $0x9000004E  }
0xc7: {  	_ =	sfence  }
0xc8: {  	s30 =	sld [smem:$0x0];
	_ =	sdelay $0x2  }
0xc9: {  	s31 =	sshll.u32 s1, $0xD;
	s1 =	sshrl.u32 s1, $0x2  }
0xca: {  	s4 =	sand.u32 $0x4000, s31;
	s1 =	sadd.s32 s1, s30  }
0xcb: {  	s0 =	sor.u32 s4, s0;
	s1 =	sshll.u32 s1, $0x11  }
0xcc: {  	s0 =	sor.u32 s1, s0  }
0xcd: {  	s0 =	sadd.s32 $0x8F2B, s0  }
0xce: {  	[sflag:s0] =	ssyncadd.remote.s32 $0x1  }
0xcf: {  	_ =	sfence.sel $0xFFFF  }
0xd0: {  	[dreg:$0x0] =	wrdreg $0xFFFFFFFF;
	(pc) =	sbr.abs _section_cstart, $3  }
0xd1: {  	[dreg:$0x1] =	wrdreg $0xFFFFFFFF  }
0xd2: {  	_ =	task.clear_ibuf [dreg:s22], $0x2FFFF;
	_ =	strace $0x9FFFFFFF  }
0xd3: {  	(tm) =	ssettm $0x7FFFFFFF  }
tec
execute0_lowered:
.L_overlay_start_1:
0x0: {  	(tag) =	ssettag $0x1  }
0x1: {  	s1 =	rddreg [dreg:$0x0]  }
0x2: {  	s4 =	rddreg [dreg:$0x1]  }
0x3: {  	s5 =	rddreg [dreg:$0x2]  }
0x4: {  	s0 =	rddreg [dreg:$0x3];
	s6 =	srdreg.scid  }
0x5: {  	s2 =	stileid.u32;
	s3 =	simm.s32 $0x0;
	s12 =	simm.s32 $0xEF80  }
0x6: {  	s13 =	simm.s32 $0x2;
	s6 =	sand.u32 $0x1, s6;
	s7 =	sshll.u32 s2, $0x1  }
0x7: {  	[smem:$0x7FF] =	sst s3;
	s30 =	smul.u32 $0x4E200, s2;
	s7 =	sor.u32 s6, s7  }
0x8: {  	s14 =	simm.s32 $0x0;
	s10 =	sadd.s32 $0x9F3600, s5;
	s9 =	smul.u32 $0x138800, s7  }
0x9: {  	_ =	strace $0x8000004D;
	s8 =	ssub.s32 $0x2, s6;
	s7 =	smul.u32 $0x2710, s7  }
0xa: {  	s11 =	smul.u32 $0x27100, s6;
	s28 =	sshrl.u32 s8, $0x1;
	s31 =	sadd.s32 s30, s10  }
0xb: {  	s8 =	ssub.s32 s8, s28;
	s29 =	sshrl.u32 s9, $0x3;
	s7 =	sshrl.u32 s7, $0x3  }
0xc: {  	s6 =	smax.u32 s8, $0x1;
	s8 =	simm.s32 $0x3;
	s9 =	simm.s32 $0x190  }
0xd: {  	s5 =	sadd.s32 s10, s29;
	s4 =	sadd.s32 s4, s7;
	s7 =	sadd.s32 s11, s31  }
0xe: {  	s10 =	simm.s32 $0x2780;
	s11 =	simm.s32 $0x1;
	s5 =	sadd.s32 $0x25800, s5  }
.LBB2_1:
0xf: {  	[tilespmem:s3], [sflag:$0x3] =	stream.linear.gather [hbm4b:s4+s3], $0x2710, $0x38;
	[tilespmem:$0x1B780] =	vst v63  }
0x10: {  	_ =	swait.ge [sflag:s8], $0x2710  }
0x11: {  	[sflag:s8] =	ssyncset.done $0x0  }
0x12: {  	[sflag:s8] =	ssyncadd.s32 $0xFFFFD8F0  }
0x13: {  	[tilespmem:s10], [sflag:$0x1] =	stream.indirect.gather [hbm4b:s1+s9], $0x80, s3, s9, $0xb8;
	[tilespmem:$0x1B780] =	vst v63  }
0x14: {  	_ =	swait.ge [sflag:s11], $0xC800  }
0x15: {  	[sflag:s11] =	ssyncset.done $0x0  }
0x16: {  	s15 =	simm.s32 $0x190;
	[sflag:s11] =	ssyncadd.s32 $0xFFFF3800  }
0x17: {  	[tilespmem:s12], [sflag:$0x2] =	stream.indirect.gather [hbm4b:s1+s9], $0x80, s15, s9, $0xb8;
	[tilespmem:$0x1B780] =	vst v63  }
0x18: {  	s31 =	sadd.s32 $0x0, s7  }
0x19: {  	[hbm4b:s31+s3] =	stream.linear.scatter [tilespmem:s10], [sflag:$0x3], $0xC800, $0x38;
	[tilespmem:$0x1B780] =	vst v63  }
0x1a: {  	_ =	swait.ge [sflag:s8], $0xC800  }
0x1b: {  	[sflag:s8] =	ssyncset.done $0x0  }
0x1c: {  	[sflag:s8] =	ssyncadd.s32 $0xFFFF3800  }
0x1d: {  	_ =	swait.ge [sflag:s13], $0xC800  }
0x1e: {  	[sflag:s13] =	ssyncset.done $0x0  }
0x1f: {  	s16 =	simm.s32 $0x320;
	[sflag:s13] =	ssyncadd.s32 $0xFFFF3800  }
0x20: {  	[tilespmem:s10], [sflag:$0x1] =	stream.indirect.gather [hbm4b:s1+s9], $0x80, s16, s9, $0xb8;
	[tilespmem:$0x1B780] =	vst v63  }
0x21: {  	s15 =	sadd.s32 $0x1900, s31  }
0x22: {  	[hbm4b:s15+s3] =	stream.linear.scatter [tilespmem:s12], [sflag:$0x3], $0xC800, $0x38;
	[tilespmem:$0x1B780] =	vst v63  }
0x23: {  	_ =	swait.ge [sflag:s8], $0xC800  }
0x24: {  	[sflag:s8] =	ssyncset.done $0x0  }
0x25: {  	[sflag:s8] =	ssyncadd.s32 $0xFFFF3800  }
0x26: {  	s17 =	simm.s32 $0x6400;
	_ =	swait.ge [sflag:s11], $0xC800  }
0x27: {  	s16 =	simm.s32 $0x3200;
	s15 =	simm.s32 $0x640;
	[sflag:s11] =	ssyncset.done $0x0  }
.LBB2_2:
0x28: {  	p0 =	sne.s32 s17, $0x22600;
	s18 =	sadd.s32 $0xFFFFFE70, s15;
	[sflag:s11] =	ssyncadd.s32 $0xFFFF3800  }
0x29: {  	[tilespmem:s12], [sflag:$0x2] =	stream.indirect.gather [hbm4b:s1+s9], $0x80, s18, s9, $0xb8;
	[tilespmem:$0x1B780] =	vst v63  }
0x2a: {  	s18 =	sadd.s32 s16, s7;
	s16 =	smov.u32 s17;
	s17 =	sadd.s32 $0x3200, s17  }
0x2b: {  	[hbm4b:s18+s3] =	stream.linear.scatter [tilespmem:s10], [sflag:$0x3], $0xC800, $0x38;
	[tilespmem:$0x1B780] =	vst v63  }
0x2c: {  	_ =	swait.ge [sflag:s8], $0xC800  }
0x2d: {  	[sflag:s8] =	ssyncset.done $0x0  }
0x2e: {  	[sflag:s8] =	ssyncadd.s32 $0xFFFF3800  }
0x2f: {  	_ =	swait.ge [sflag:s13], $0xC800  }
0x30: {  	[sflag:s13] =	ssyncset.done $0x0  }
0x31: {  	[sflag:s13] =	ssyncadd.s32 $0xFFFF3800  }
0x32: {  	[tilespmem:s10], [sflag:$0x1] =	stream.indirect.gather [hbm4b:s1+s9], $0x80, s15, s9, $0xb8;
	[tilespmem:$0x1B780] =	vst v63  }
0x33: {  	s18 =	sadd.s32 $0x1900, s18  }
0x34: {  	[hbm4b:s18+s3] =	stream.linear.scatter [tilespmem:s12], [sflag:$0x3], $0xC800, $0x38;
	[tilespmem:$0x1B780] =	vst v63  }
.Ltmp0:
0x35: {  	_ =	swait.ge [sflag:s8], $0xC800;
	(pc) =	sbr.rel @p0 .LBB2_2-.Ltmp0, $4  }
0x36: {  	[sflag:s8] =	ssyncset.done $0x0  }
0x37: {  	[sflag:s8] =	ssyncadd.s32 $0xFFFF3800  }
0x38: {  	_ =	swait.ge [sflag:s11], $0xC800  }
0x39: {  	s15 =	sadd.s32 $0x320, s15;
	[sflag:s11] =	ssyncset.done $0x0  }
0x3a: {  	s17 =	sadd.s32 $0xFFFFFE70, s15;
	[sflag:s11] =	ssyncadd.s32 $0xFFFF3800  }
0x3b: {  	[tilespmem:s12], [sflag:$0x2] =	stream.indirect.gather [hbm4b:s1+s9], $0x80, s17, s9, $0xb8;
	[tilespmem:$0x1B780] =	vst v63  }
0x3c: {  	s16 =	sadd.s32 s16, s7  }
0x3d: {  	[hbm4b:s16+s3] =	stream.linear.scatter [tilespmem:s10], [sflag:$0x3], $0xC800, $0x38;
	[tilespmem:$0x1B780] =	vst v63  }
0x3e: {  	_ =	swait.ge [sflag:s8], $0xC800  }
0x3f: {  	[sflag:s8] =	ssyncset.done $0x0  }
0x40: {  	[sflag:s8] =	ssyncadd.s32 $0xFFFF3800  }
0x41: {  	_ =	swait.ge [sflag:s13], $0xC800  }
0x42: {  	[sflag:s13] =	ssyncset.done $0x0  }
0x43: {  	[sflag:s13] =	ssyncadd.s32 $0xFFFF3800  }
0x44: {  	[tilespmem:s10], [sflag:$0x1] =	stream.indirect.gather [hbm4b:s1+s9], $0x80, s15, s9, $0xb8;
	[tilespmem:$0x1B780] =	vst v63  }
0x45: {  	s31 =	sadd.s32 $0x1900, s16  }
0x46: {  	[hbm4b:s31+s3] =	stream.linear.scatter [tilespmem:s12], [sflag:$0x3], $0xC800, $0x38;
	[tilespmem:$0x1B780] =	vst v63  }
0x47: {  	_ =	swait.ge [sflag:s8], $0xC800  }
0x48: {  	[sflag:s8] =	ssyncset.done $0x0  }
0x49: {  	[sflag:s8] =	ssyncadd.s32 $0xFFFF3800  }
0x4a: {  	s14 =	sadd.s32 $0x1, s14;
	_ =	swait.ge [sflag:s11], $0xC800  }
0x4b: {  	p0 =	sne.s32 s14, s6;
	[sflag:s11] =	ssyncset.done $0x0  }
.Ltmp1:
0x4c: {  	[sflag:s11] =	ssyncadd.s32 $0xFFFF3800;
	(pc) =	sbr.rel @p0 .LBB2_1-.Ltmp1, $4  }
0x4d: {  	[hbm4b:s5+s3] =	stream.linear.scatter [tilespmem:s10], [sflag:$0x3], $0xC800, $0x38;
	[tilespmem:$0x1B780] =	vst v63  }
0x4e: {  	_ =	swait.ge [sflag:s8], $0xC800  }
0x4f: {  	[sflag:s8] =	ssyncset.done $0x0  }
0x50: {  	[sflag:s8] =	ssyncadd.s32 $0xFFFF3800  }
0x51: {  	_ =	sfence.sel $0x180000  }
0x52: {  	[bflag:$0x0] =	sbarrier.arrive $0xFFFF  }
0x53: {  	p0 =	sne.s32 s2, $0x0;
	_ =	strace $0x9000004D  }
0x54: {  	s0 =	sadd.s32 @!p0 $0x100000, s0;
	[bflag:$0x2] =	sbarrier.arrive $0xFFFF  }
0x55: {  	[sflag:s0] =	ssyncadd.tile.s32 @!p0 $0x1;
	_ =	shalt  }
.Lfunc_end2:
_tile_overlayer_lowered:
.L_overlay_start_2:
0x56: {  	(tag) =	ssettag $0x2  }
0x57: {  	s0 =	rddreg [dreg:$0x0];
	s2 =	stileid.u32  }
0x58: {  	s1 =	rddreg [dreg:$0x1];
	p0 =	sne.s32 s2, $0x0  }
0x59: {  	s3 =	rddreg [dreg:$0x2];
	[bflag:$0x3] =	sbarrier.arrive $0xFFFF;
	s2 =	simm.s32 @!p0 $0x1C03  }
0x5a: {  	[timem:s3], [sflag:s2] =	dma.local @!p0 [hbm:s0], s1  }
0x5b: {  	s0 =	simm.s32 @!p0 $0x3  }
0x5c: {  	_ =	swait.ge @!p0 [sflag:s0], s1  }
0x5d: {  	s1 =	ssub.s32 @!p0 $0x0, s1;
	[sflag:s0] =	ssyncset.done @!p0 $0x0  }
0x5e: {  	[sflag:s0] =	ssyncadd.s32 @!p0 s1  }
0x5f: {  	[bflag:$0x3] =	sbarrier.arrive $0xFFFF  }
0x60: {  	_ =	shalt  }

// kernel: kernel.19.cloned.1.call-start
scs
__scs_entry_jumppad:
0x0: {  	(pc) =	sbr.rel $0x88, $3  }
0x1: {  	(tag) =	ssettag $0x0;
	lr =	simm.s32 $0x1  }
0x2: {  	[smem:$0x3F80] =	sst lr;
	_ =	strace $0xD0000000  }
0x3: {  	_ = 	snop  }
0x4: {  	_ = 	snop  }
0x5: {  	_ = 	snop  }
0x6: {  	_ = 	snop  }
0x7: {  	_ = 	snop  }
__scs_overlays_trampoline_lowered:
0x8: {  	[smem:$0x3F8F] =	sst s0  }
0x9: {  	[smem:$0x3F90] =	sst s1  }
0xa: {  	[smem:$0x3F91] =	sst s2  }
0xb: {  	[smem:$0x3F92] =	sst s3  }
0xc: {  	[smem:$0x3F93] =	sst s4  }
0xd: {  	[smem:$0x3F94] =	sst s5  }
0xe: {  	[smem:$0x3F95] =	sst s6  }
0xf: {  	[smem:$0x3F96] =	sst s7  }
0x10: {  	[smem:$0x3F97] =	sst s8  }
0x11: {  	[smem:$0x3F98] =	sst s9;
	s0 =	simm.s32 @!p0 $0x0  }
0x12: {  	s1 =	sld [smem:$0x3F7E];
	s0 =	simm.s32 @p0 $0x1  }
0x13: {  	[smem:$0x3F99] =	sst s0;
	s0 =	simm.s32 @!p1 $0x0  }
0x14: {  	s2 =	sld [smem:$0x3F7D];
	s0 =	simm.s32 @p1 $0x1  }
0x15: {  	[smem:$0x3F9A] =	sst s0;
	s0 =	simm.s32 @!p2 $0x0  }
0x16: {  	s3 =	sld [smem:$0x3FDB];
	s0 =	simm.s32 @p2 $0x1  }
0x17: {  	s4 =	simm.s32 $0x1BF5;
	[smem:$0x3F9C] =	sst s0  }
0x18: {  	s0 =	sld [smem:$0x3F7F];
	_ =	swait.ge [sflag:s4], $0x0  }
0x19: {  	s7 =	sld [smem:$0x3F80]  }
0x1a: {  	s8 =	sadd.s32 $0xFFFFE003, lr  }
0x1b: {  	s9 =	sadd.s32 $0xFFFFFEF7, lr;
	s5 =	simm.s32 $0xFFFFFFFF;
	p2 =	slt.u32 s8, $0xFFFFF086  }
0x1c: {  	p1 =	slt.u32 s9, $0xF7A;
	s5 =	simm.s32 @!p2 $0x0  }
0x1d: {  	s5 =	simm.s32 @p1 $0x1;
	p0 =	seq.s32 s7, s2  }
0x1e: {  	s7 =	smul.u32 @!p0 $0xF7A, s2;
	p2 =	seq.s32 @!p0 s5, $0x0  }
0x1f: {  	s9 =	smul.u32 $0xF7A, s1;
	s8 =	simm.s32 @!p0 $0x1BF5;
	p2 =	por !p2, p0  }
0x20: {  	[sflag:s8] =	ssyncset.s32 @!p0 $0xFFFFF086;
	s6 =	sadd.s32 @!p0 s3, s7;
	s7 =	simm.s32 @!p0 $0x108  }
0x21: {  	s3 =	sadd.s32 s3, s9;
	s6 =	sadd.s32 @!p0 $0x88, s6;
	s7 =	simm.s32 @p2 $0x1082  }
0x22: {  	[simem:s7], [sflag:s8] =	dma.local @!p0 [hbm:s6], $0xF7A  }
0x23: {  	s9 =	sor.u32 $0xD0000000, s2;
	s6 =	simm.s32 $0x108;
	_ =	swait.ge @!p0 [sflag:s8], $0x0  }
0x24: {  	s3 =	sadd.s32 $0x88, s3;
	s6 =	simm.s32 @!p1 $0x1082;
	[sflag:s4] =	ssyncset.s32 $0xFFFFF086  }
0x25: {  	[simem:s6], [sflag:s4] =	dma.local [hbm:s3], $0xF7A  }
0x26: {  	[smem:$0x3F80] =	sst s1;
	(tag) =	ssettag s2;
	_ =	strace s9  }
0x27: {  	s1 =	sld [smem:$0x3F90]  }
0x28: {  	s2 =	sld [smem:$0x3F91]  }
0x29: {  	s4 =	sld [smem:$0x3F93]  }
0x2a: {  	p0 =	seq.s32 s5, $0x0;
	s5 =	sld [smem:$0x3F94]  }
0x2b: {  	s6 =	sld [smem:$0x3F95]  }
0x2c: {  	s7 =	sld [smem:$0x3F96]  }
0x2d: {  	s3 =	simm.s32 $0x108;
	s8 =	sld [smem:$0x3F97]  }
0x2e: {  	s3 =	simm.s32 @!p0 $0x1082;
	s9 =	sld [smem:$0x3F98]  }
0x2f: {  	lr =	sadd.s32 s0, s3;
	s0 =	sld [smem:$0x3F8F]  }
0x30: {  	s3 =	sld [smem:$0x3F92]  }
0x31: {  	[smem:$0x3F9B] =	sst s10  }
0x32: {  	s10 =	sld [smem:$0x3F99];
	_ =	sdelay $0x3  }
0x33: {  	p0 =	seq.s32 s10, $0x1;
	s10 =	sld [smem:$0x3F9B];
	_ =	sdelay $0x3  }
0x34: {  	[smem:$0x3F9B] =	sst s10  }
0x35: {  	s10 =	sld [smem:$0x3F9A];
	_ =	sdelay $0x3  }
0x36: {  	p1 =	seq.s32 s10, $0x1;
	s10 =	sld [smem:$0x3F9B];
	_ =	sdelay $0x3  }
0x37: {  	[smem:$0x3F9B] =	sst s10  }
0x38: {  	s10 =	sld [smem:$0x3F9C]  }
0x39: {  	_ = 	snop;
	(pc) =	sbr.ind lr, $3  }
0x3a: {  	_ = 	snop  }
0x3b: {  	_ = 	snop  }
0x3c: {  	p2 =	seq.s32 s10, $0x1;
	s10 =	sld [smem:$0x3F9B]  }
0x3d: {  	_ =	shalt  }
0x3e: {  	_ =	shalt  }
0x3f: {  	_ =	shalt  }
0x40: {  	_ =	shalt  }
0x41: {  	_ =	shalt  }
0x42: {  	_ =	shalt  }
0x43: {  	_ =	shalt  }
0x44: {  	_ =	shalt  }
0x45: {  	_ =	shalt  }
0x46: {  	_ =	shalt  }
0x47: {  	_ =	shalt  }
0x48: {  	_ =	shalt  }
0x49: {  	_ =	shalt  }
0x4a: {  	_ =	shalt  }
0x4b: {  	_ =	shalt  }
0x4c: {  	_ =	shalt  }
0x4d: {  	_ =	shalt  }
0x4e: {  	_ =	shalt  }
0x4f: {  	_ =	shalt  }
0x50: {  	_ =	shalt  }
0x51: {  	_ =	shalt  }
0x52: {  	_ =	shalt  }
0x53: {  	_ =	shalt  }
0x54: {  	_ =	shalt  }
0x55: {  	_ =	shalt  }
0x56: {  	_ =	shalt  }
0x57: {  	_ =	shalt  }
0x58: {  	_ =	shalt  }
0x59: {  	_ =	shalt  }
0x5a: {  	_ =	shalt  }
0x5b: {  	_ =	shalt  }
0x5c: {  	_ =	shalt  }
0x5d: {  	_ =	shalt  }
0x5e: {  	_ =	shalt  }
0x5f: {  	_ =	shalt  }
0x60: {  	_ =	shalt  }
0x61: {  	_ =	shalt  }
0x62: {  	_ =	shalt  }
0x63: {  	_ =	shalt  }
0x64: {  	_ =	shalt  }
0x65: {  	_ =	shalt  }
0x66: {  	_ =	shalt  }
0x67: {  	_ =	shalt  }
0x68: {  	_ =	shalt  }
0x69: {  	_ =	shalt  }
0x6a: {  	_ =	shalt  }
0x6b: {  	_ =	shalt  }
0x6c: {  	_ =	shalt  }
0x6d: {  	_ =	shalt  }
0x6e: {  	_ =	shalt  }
0x6f: {  	_ =	shalt  }
0x70: {  	_ =	shalt  }
0x71: {  	_ =	shalt  }
0x72: {  	_ =	shalt  }
0x73: {  	_ =	shalt  }
0x74: {  	_ =	shalt  }
0x75: {  	_ =	shalt  }
0x76: {  	_ =	shalt  }
0x77: {  	_ =	shalt  }
0x78: {  	_ =	shalt  }
0x79: {  	_ =	shalt  }
0x7a: {  	_ =	shalt  }
0x7b: {  	_ =	shalt  }
0x7c: {  	_ =	shalt  }
0x7d: {  	_ =	shalt  }
0x7e: {  	_ =	shalt  }
0x7f: {  	_ =	shalt  }
0x80: {  	_ =	shalt  }
0x81: {  	_ =	shalt  }
0x82: {  	_ =	shalt  }
0x83: {  	_ =	shalt  }
0x84: {  	_ =	shalt  }
0x85: {  	_ =	shalt  }
0x86: {  	_ =	shalt  }
0x87: {  	_ =	shalt  }
.Lfunc_end0:
.L_simem_size_0:
called_computation.2_lowered:
.L_overlay_start_0:
0x88: {  	s2 =	sld [smem:$0x3FD9]  }
0x89: {  	s3 =	sld [smem:$0x3FFE];
	_ =	sdelay $0x1  }
0x8a: {  	s1 =	srdreg.scid  }
0x8b: {  	s0 =	sand.u32 $0x1, s1  }
0x8c: {  	s17 =	sshll.u32 s0, $0xA;
	s2 =	sadd.s32 s3, s2  }
0x8d: {  	s2 =	sadd.s32 s2, s17  }
0x8e: {  	[smem:$0x3FA7] =	sst s2  }
0x8f: {  	_ = 	snop  }
0x90: {  	s2 =	sld [smem:$0x3FAA]  }
0x91: {  	s18 =	sld [smem:$0x3FD0];
	(tm) =	ssettm $0x1  }
0x92: {  	s4 =	sld [smem:$0x3FFB];
	_ =	sdelay $0x3  }
0x93: {  	_ =	strace s4  }
0x94: {  	s4 =	sld [smem:$0x3FFC];
	_ =	sdelay $0x3  }
0x95: {  	_ =	strace s4  }
0x96: {  	s4 =	sld [smem:$0x3FFD];
	_ =	sdelay $0x3  }
0x97: {  	_ =	strace s4  }
0x98: {  	_ =	strace $0x8FFFFFFF  }
0x99: {  	s19 =	sld [smem:$0x3FDB];
	_ =	sdelay $0x1  }
0x9a: {  	s5 =	simm.s32 $_scs_section_size  }
0x9b: {  	s6 =	simm.s32 $_size__tile_overlayer_lowered;
	s7 =	simm.s32 $_tile_overlayer_lowered  }
0x9c: {  	s22 =	simm.s32 $0x1BFF;
	s21 =	sshll.u32 s7, $0x1;
	s4 =	sadd.s32 s5, s19  }
0x9d: {  	s8 =	simm.s32 $0x0;
	s20 =	sshll.u32 s6, $0x1;
	s6 =	sadd.s32 s21, s4  }
0x9e: {  	[timem:s8], [sflag:s22] =	dma.local [hbm:s6], s20  }
0x9f: {  	_ =	swait.ge [sflag:s22], s20  }
0xa0: {  	s5 =	ssub.s32 $0x0, s20;
	[sflag:s22] =	ssyncset.done $0x0  }
0xa1: {  	[sflag:s22] =	ssyncadd.s32 s5;
	_ =	sdelay $0x1  }
0xa2: {  	s23 =	simm.s32 $0x1B8B  }
0xa3: {  	_ =	swait.ge [sflag:s23], $0x1  }
0xa4: {  	[sflag:s23] =	ssyncset.done $0x0  }
0xa5: {  	s25 =	simm.s32 $0x1B8E;
	s24 =	sld [smem:$0x3FFE];
	[sflag:s23] =	ssyncadd.s32 $0xFFFFFFFF  }
0xa6: {  	s26 =	simm.s32 $execute0_lowered;
	[smem:$0x3FD2] =	sst s25  }
0xa7: {  	s6 =	sshll.u32 s26, $0x1;
	_ =	strace $0x80000046;
	[dreg:$0x1] =	wrdreg $0xFFFFFFFF  }
0xa8: {  	s28 =	simm.s32 $_size_execute0_lowered;
	s4 =	sadd.s32 s4, s6;
	[dreg:$0x0] =	wrdreg $0x0  }
0xa9: {  	s6 =	sshll.u32 s28, $0x1;
	[dreg:$0x2] =	wrdreg s4  }
0xaa: {  	[dreg:$0x3] =	wrdreg s6  }
0xab: {  	[dreg:$0x4] =	wrdreg $0xC0  }
0xac: {  	_ =	task [dreg:s8], $0x5FFFF  }
0xad: {  	[dreg:$0x1] =	wrdreg $0xFFFFFFFF  }
0xae: {  	[dreg:$0x0] =	wrdreg $0x60  }
0xaf: {  	[dreg:$0x2] =	wrdreg s18  }
0xb0: {  	[dreg:$0x3] =	wrdreg s2  }
0xb1: {  	[dreg:$0x4] =	wrdreg s24  }
0xb2: {  	[dreg:$0x5] =	wrdreg $0xB  }
0xb3: {  	_ =	task.clear_ibuf [dreg:s8], $0x6FFFF;
	_ =	strace $0x90000046  }
0xb4: {  	s29 =	simm.s32 $0xB;
	_ =	strace $0x80000048  }
0xb5: {  	_ =	swait.ge [sflag:s29], $0x1  }
0xb6: {  	[sflag:s29] =	ssyncadd.s32 $0xFFFFFFFF  }
0xb7: {  	_ =	strace $0x90000048  }
0xb8: {  	_ =	sfence  }
0xb9: {  	s30 =	sld [smem:$0x0];
	_ =	sdelay $0x2  }
0xba: {  	s31 =	sshll.u32 s1, $0xD;
	s1 =	sshrl.u32 s1, $0x2  }
0xbb: {  	s3 =	sand.u32 $0x4000, s31;
	s1 =	sadd.s32 s1, s30  }
0xbc: {  	s0 =	sor.u32 s3, s0;
	s1 =	sshll.u32 s1, $0x11  }
0xbd: {  	s0 =	sor.u32 s1, s0  }
0xbe: {  	s0 =	sadd.s32 $0x8F2B, s0  }
0xbf: {  	[sflag:s0] =	ssyncadd.remote.s32 $0x1  }
0xc0: {  	_ =	sfence.sel $0xFFFF  }
0xc1: {  	[dreg:$0x0] =	wrdreg $0xFFFFFFFF;
	(pc) =	sbr.abs _section_cstart, $3  }
0xc2: {  	[dreg:$0x1] =	wrdreg $0xFFFFFFFF  }
0xc3: {  	_ =	task.clear_ibuf [dreg:s8], $0x2FFFF;
	_ =	strace $0x9FFFFFFF  }
0xc4: {  	(tm) =	ssettm $0x7FFFFFFF  }
0xc5: {  	_ =	shalt  }
tec
execute0_lowered:
.L_overlay_start_1:
0x0: {  	(tag) =	ssettag $0x1  }
0x1: {  	s1 =	rddreg [dreg:$0x0]  }
0x2: {  	s4 =	rddreg [dreg:$0x1]  }
0x3: {  	s5 =	rddreg [dreg:$0x2]  }
0x4: {  	s0 =	rddreg [dreg:$0x3];
	s6 =	srdreg.scid  }
0x5: {  	s2 =	stileid.u32;
	s3 =	simm.s32 $0x0;
	s12 =	simm.s32 $0xEF80  }
0x6: {  	s13 =	simm.s32 $0x2;
	s6 =	sand.u32 $0x1, s6;
	s7 =	sshll.u32 s2, $0x1  }
0x7: {  	s14 =	simm.s32 $0x0;
	s30 =	smul.u32 $0x4E200, s2;
	s7 =	sor.u32 s6, s7  }
0x8: {  	[smem:$0x7FF] =	sst s3;
	s10 =	sadd.s32 $0x2F600, s5;
	s9 =	smul.u32 $0x138800, s7  }
0x9: {  	_ =	strace $0x80000047;
	s8 =	ssub.s32 $0x2, s6;
	s7 =	smul.u32 $0x2710, s7  }
0xa: {  	s11 =	smul.u32 $0x27100, s6;
	s28 =	sshrl.u32 s8, $0x1;
	s31 =	sadd.s32 s30, s10  }
0xb: {  	s8 =	ssub.s32 s8, s28;
	s29 =	sshrl.u32 s9, $0x3;
	s7 =	sshrl.u32 s7, $0x3  }
0xc: {  	s6 =	smax.u32 s8, $0x1;
	s8 =	simm.s32 $0x3;
	s9 =	simm.s32 $0x190  }
0xd: {  	s5 =	sadd.s32 s10, s29;
	s4 =	sadd.s32 s4, s7;
	s7 =	sadd.s32 s11, s31  }
0xe: {  	s10 =	simm.s32 $0x2780;
	s11 =	simm.s32 $0x1;
	s5 =	sadd.s32 $0x25800, s5  }
.LBB2_1:
0xf: {  	[tilespmem:s3], [sflag:$0x3] =	stream.linear.gather [hbm4b:s4+s3], $0x2710, $0x38;
	[tilespmem:$0x1B780] =	vst v63  }
0x10: {  	_ =	swait.ge [sflag:s8], $0x2710  }
0x11: {  	[sflag:s8] =	ssyncset.done $0x0  }
0x12: {  	[sflag:s8] =	ssyncadd.s32 $0xFFFFD8F0  }
0x13: {  	[tilespmem:s10], [sflag:$0x1] =	stream.indirect.gather [hbm4b:s1+s9], $0x80, s3, s9, $0xb8;
	[tilespmem:$0x1B780] =	vst v63  }
0x14: {  	_ =	swait.ge [sflag:s11], $0xC800  }
0x15: {  	[sflag:s11] =	ssyncset.done $0x0  }
0x16: {  	s15 =	simm.s32 $0x190;
	[sflag:s11] =	ssyncadd.s32 $0xFFFF3800  }
0x17: {  	[tilespmem:s12], [sflag:$0x2] =	stream.indirect.gather [hbm4b:s1+s9], $0x80, s15, s9, $0xb8;
	[tilespmem:$0x1B780] =	vst v63  }
0x18: {  	s31 =	sadd.s32 $0x0, s7  }
0x19: {  	[hbm4b:s31+s3] =	stream.linear.scatter [tilespmem:s10], [sflag:$0x3], $0xC800, $0x38;
	[tilespmem:$0x1B780] =	vst v63  }
0x1a: {  	_ =	swait.ge [sflag:s8], $0xC800  }
0x1b: {  	[sflag:s8] =	ssyncset.done $0x0  }
0x1c: {  	[sflag:s8] =	ssyncadd.s32 $0xFFFF3800  }
0x1d: {  	_ =	swait.ge [sflag:s13], $0xC800  }
0x1e: {  	[sflag:s13] =	ssyncset.done $0x0  }
0x1f: {  	s16 =	simm.s32 $0x320;
	[sflag:s13] =	ssyncadd.s32 $0xFFFF3800  }
0x20: {  	[tilespmem:s10], [sflag:$0x1] =	stream.indirect.gather [hbm4b:s1+s9], $0x80, s16, s9, $0xb8;
	[tilespmem:$0x1B780] =	vst v63  }
0x21: {  	s15 =	sadd.s32 $0x1900, s31  }
0x22: {  	[hbm4b:s15+s3] =	stream.linear.scatter [tilespmem:s12], [sflag:$0x3], $0xC800, $0x38;
	[tilespmem:$0x1B780] =	vst v63  }
0x23: {  	_ =	swait.ge [sflag:s8], $0xC800  }
0x24: {  	[sflag:s8] =	ssyncset.done $0x0  }
0x25: {  	[sflag:s8] =	ssyncadd.s32 $0xFFFF3800  }
0x26: {  	s17 =	simm.s32 $0x6400;
	_ =	swait.ge [sflag:s11], $0xC800  }
0x27: {  	s16 =	simm.s32 $0x3200;
	s15 =	simm.s32 $0x640;
	[sflag:s11] =	ssyncset.done $0x0  }
.LBB2_2:
0x28: {  	p0 =	sne.s32 s17, $0x22600;
	s18 =	sadd.s32 $0xFFFFFE70, s15;
	[sflag:s11] =	ssyncadd.s32 $0xFFFF3800  }
0x29: {  	[tilespmem:s12], [sflag:$0x2] =	stream.indirect.gather [hbm4b:s1+s9], $0x80, s18, s9, $0xb8;
	[tilespmem:$0x1B780] =	vst v63  }
0x2a: {  	s18 =	sadd.s32 s16, s7;
	s16 =	smov.u32 s17;
	s17 =	sadd.s32 $0x3200, s17  }
0x2b: {  	[hbm4b:s18+s3] =	stream.linear.scatter [tilespmem:s10], [sflag:$0x3], $0xC800, $0x38;
	[tilespmem:$0x1B780] =	vst v63  }
0x2c: {  	_ =	swait.ge [sflag:s8], $0xC800  }
0x2d: {  	[sflag:s8] =	ssyncset.done $0x0  }
0x2e: {  	[sflag:s8] =	ssyncadd.s32 $0xFFFF3800  }
0x2f: {  	_ =	swait.ge [sflag:s13], $0xC800  }
0x30: {  	[sflag:s13] =	ssyncset.done $0x0  }
0x31: {  	[sflag:s13] =	ssyncadd.s32 $0xFFFF3800  }
0x32: {  	[tilespmem:s10], [sflag:$0x1] =	stream.indirect.gather [hbm4b:s1+s9], $0x80, s15, s9, $0xb8;
	[tilespmem:$0x1B780] =	vst v63  }
0x33: {  	s18 =	sadd.s32 $0x1900, s18  }
0x34: {  	[hbm4b:s18+s3] =	stream.linear.scatter [tilespmem:s12], [sflag:$0x3], $0xC800, $0x38;
	[tilespmem:$0x1B780] =	vst v63  }
.Ltmp0:
0x35: {  	_ =	swait.ge [sflag:s8], $0xC800;
	(pc) =	sbr.rel @p0 .LBB2_2-.Ltmp0, $4  }
0x36: {  	[sflag:s8] =	ssyncset.done $0x0  }
0x37: {  	[sflag:s8] =	ssyncadd.s32 $0xFFFF3800  }
0x38: {  	_ =	swait.ge [sflag:s11], $0xC800  }
0x39: {  	s15 =	sadd.s32 $0x320, s15;
	[sflag:s11] =	ssyncset.done $0x0  }
0x3a: {  	s17 =	sadd.s32 $0xFFFFFE70, s15;
	[sflag:s11] =	ssyncadd.s32 $0xFFFF3800  }
0x3b: {  	[tilespmem:s12], [sflag:$0x2] =	stream.indirect.gather [hbm4b:s1+s9], $0x80, s17, s9, $0xb8;
	[tilespmem:$0x1B780] =	vst v63  }
0x3c: {  	s16 =	sadd.s32 s16, s7  }
0x3d: {  	[hbm4b:s16+s3] =	stream.linear.scatter [tilespmem:s10], [sflag:$0x3], $0xC800, $0x38;
	[tilespmem:$0x1B780] =	vst v63  }
0x3e: {  	_ =	swait.ge [sflag:s8], $0xC800  }
0x3f: {  	[sflag:s8] =	ssyncset.done $0x0  }
0x40: {  	[sflag:s8] =	ssyncadd.s32 $0xFFFF3800  }
0x41: {  	_ =	swait.ge [sflag:s13], $0xC800  }
0x42: {  	[sflag:s13] =	ssyncset.done $0x0  }
0x43: {  	[sflag:s13] =	ssyncadd.s32 $0xFFFF3800  }
0x44: {  	[tilespmem:s10], [sflag:$0x1] =	stream.indirect.gather [hbm4b:s1+s9], $0x80, s15, s9, $0xb8;
	[tilespmem:$0x1B780] =	vst v63  }
0x45: {  	s31 =	sadd.s32 $0x1900, s16  }
0x46: {  	[hbm4b:s31+s3] =	stream.linear.scatter [tilespmem:s12], [sflag:$0x3], $0xC800, $0x38;
	[tilespmem:$0x1B780] =	vst v63  }
0x47: {  	_ =	swait.ge [sflag:s8], $0xC800  }
0x48: {  	[sflag:s8] =	ssyncset.done $0x0  }
0x49: {  	[sflag:s8] =	ssyncadd.s32 $0xFFFF3800  }
0x4a: {  	s14 =	sadd.s32 $0x1, s14;
	_ =	swait.ge [sflag:s11], $0xC800  }
0x4b: {  	p0 =	sne.s32 s14, s6;
	[sflag:s11] =	ssyncset.done $0x0  }
.Ltmp1:
0x4c: {  	[sflag:s11] =	ssyncadd.s32 $0xFFFF3800;
	(pc) =	sbr.rel @p0 .LBB2_1-.Ltmp1, $4  }
0x4d: {  	[hbm4b:s5+s3] =	stream.linear.scatter [tilespmem:s10], [sflag:$0x3], $0xC800, $0x38;
	[tilespmem:$0x1B780] =	vst v63  }
0x4e: {  	_ =	swait.ge [sflag:s8], $0xC800  }
0x4f: {  	[sflag:s8] =	ssyncset.done $0x0  }
0x50: {  	[sflag:s8] =	ssyncadd.s32 $0xFFFF3800  }
0x51: {  	_ =	sfence.sel $0x180000  }
0x52: {  	[bflag:$0x0] =	sbarrier.arrive $0xFFFF  }
0x53: {  	p0 =	sne.s32 s2, $0x0;
	_ =	strace $0x90000047  }
0x54: {  	s0 =	sadd.s32 @!p0 $0x100000, s0;
	[bflag:$0x2] =	sbarrier.arrive $0xFFFF  }
0x55: {  	[sflag:s0] =	ssyncadd.tile.s32 @!p0 $0x1;
	_ =	shalt  }
.Lfunc_end2:
_tile_overlayer_lowered:
.L_overlay_start_2:
0x56: {  	(tag) =	ssettag $0x2  }
0x57: {  	s0 =	rddreg [dreg:$0x0];
	s2 =	stileid.u32  }
0x58: {  	s1 =	rddreg [dreg:$0x1];
	p0 =	sne.s32 s2, $0x0  }
0x59: {  	s3 =	rddreg [dreg:$0x2];
	[bflag:$0x3] =	sbarrier.arrive $0xFFFF;
	s2 =	simm.s32 @!p0 $0x1C03  }
0x5a: {  	[timem:s3], [sflag:s2] =	dma.local @!p0 [hbm:s0], s1  }
0x5b: {  	s0 =	simm.s32 @!p0 $0x3  }
0x5c: {  	_ =	swait.ge @!p0 [sflag:s0], s1  }
0x5d: {  	s1 =	ssub.s32 @!p0 $0x0, s1;
	[sflag:s0] =	ssyncset.done @!p0 $0x0  }
0x5e: {  	[sflag:s0] =	ssyncadd.s32 @!p0 s1  }
0x5f: {  	[bflag:$0x3] =	sbarrier.arrive $0xFFFF  }
0x60: {  	_ =	shalt  }

// kernel: kernel.22.cloned.1.call-start
scs
__scs_entry_jumppad:
0x0: {  	(pc) =	sbr.rel $0x88, $3  }
0x1: {  	(tag) =	ssettag $0x0;
	lr =	simm.s32 $0x1  }
0x2: {  	[smem:$0x3F80] =	sst lr;
	_ =	strace $0xD0000000  }
0x3: {  	_ = 	snop  }
0x4: {  	_ = 	snop  }
0x5: {  	_ = 	snop  }
0x6: {  	_ = 	snop  }
0x7: {  	_ = 	snop  }
__scs_overlays_trampoline_lowered:
0x8: {  	[smem:$0x3F8F] =	sst s0  }
0x9: {  	[smem:$0x3F90] =	sst s1  }
0xa: {  	[smem:$0x3F91] =	sst s2  }
0xb: {  	[smem:$0x3F92] =	sst s3  }
0xc: {  	[smem:$0x3F93] =	sst s4  }
0xd: {  	[smem:$0x3F94] =	sst s5  }
0xe: {  	[smem:$0x3F95] =	sst s6  }
0xf: {  	[smem:$0x3F96] =	sst s7  }
0x10: {  	[smem:$0x3F97] =	sst s8  }
0x11: {  	[smem:$0x3F98] =	sst s9;
	s0 =	simm.s32 @!p0 $0x0  }
0x12: {  	s1 =	sld [smem:$0x3F7E];
	s0 =	simm.s32 @p0 $0x1  }
0x13: {  	[smem:$0x3F99] =	sst s0;
	s0 =	simm.s32 @!p1 $0x0  }
0x14: {  	s2 =	sld [smem:$0x3F7D];
	s0 =	simm.s32 @p1 $0x1  }
0x15: {  	[smem:$0x3F9A] =	sst s0;
	s0 =	simm.s32 @!p2 $0x0  }
0x16: {  	s3 =	sld [smem:$0x3FDB];
	s0 =	simm.s32 @p2 $0x1  }
0x17: {  	s4 =	simm.s32 $0x1BF5;
	[smem:$0x3F9C] =	sst s0  }
0x18: {  	s0 =	sld [smem:$0x3F7F];
	_ =	swait.ge [sflag:s4], $0x0  }
0x19: {  	s7 =	sld [smem:$0x3F80]  }
0x1a: {  	s8 =	sadd.s32 $0xFFFFE003, lr  }
0x1b: {  	s9 =	sadd.s32 $0xFFFFFEF7, lr;
	s5 =	simm.s32 $0xFFFFFFFF;
	p2 =	slt.u32 s8, $0xFFFFF086  }
0x1c: {  	p1 =	slt.u32 s9, $0xF7A;
	s5 =	simm.s32 @!p2 $0x0  }
0x1d: {  	s5 =	simm.s32 @p1 $0x1;
	p0 =	seq.s32 s7, s2  }
0x1e: {  	s7 =	smul.u32 @!p0 $0xF7A, s2;
	p2 =	seq.s32 @!p0 s5, $0x0  }
0x1f: {  	s9 =	smul.u32 $0xF7A, s1;
	s8 =	simm.s32 @!p0 $0x1BF5;
	p2 =	por !p2, p0  }
0x20: {  	[sflag:s8] =	ssyncset.s32 @!p0 $0xFFFFF086;
	s6 =	sadd.s32 @!p0 s3, s7;
	s7 =	simm.s32 @!p0 $0x108  }
0x21: {  	s3 =	sadd.s32 s3, s9;
	s6 =	sadd.s32 @!p0 $0x88, s6;
	s7 =	simm.s32 @p2 $0x1082  }
0x22: {  	[simem:s7], [sflag:s8] =	dma.local @!p0 [hbm:s6], $0xF7A  }
0x23: {  	s9 =	sor.u32 $0xD0000000, s2;
	s6 =	simm.s32 $0x108;
	_ =	swait.ge @!p0 [sflag:s8], $0x0  }
0x24: {  	s3 =	sadd.s32 $0x88, s3;
	s6 =	simm.s32 @!p1 $0x1082;
	[sflag:s4] =	ssyncset.s32 $0xFFFFF086  }
0x25: {  	[simem:s6], [sflag:s4] =	dma.local [hbm:s3], $0xF7A  }
0x26: {  	[smem:$0x3F80] =	sst s1;
	(tag) =	ssettag s2;
	_ =	strace s9  }
0x27: {  	s1 =	sld [smem:$0x3F90]  }
0x28: {  	s2 =	sld [smem:$0x3F91]  }
0x29: {  	s4 =	sld [smem:$0x3F93]  }
0x2a: {  	p0 =	seq.s32 s5, $0x0;
	s5 =	sld [smem:$0x3F94]  }
0x2b: {  	s6 =	sld [smem:$0x3F95]  }
0x2c: {  	s7 =	sld [smem:$0x3F96]  }
0x2d: {  	s3 =	simm.s32 $0x108;
	s8 =	sld [smem:$0x3F97]  }
0x2e: {  	s3 =	simm.s32 @!p0 $0x1082;
	s9 =	sld [smem:$0x3F98]  }
0x2f: {  	lr =	sadd.s32 s0, s3;
	s0 =	sld [smem:$0x3F8F]  }
0x30: {  	s3 =	sld [smem:$0x3F92]  }
0x31: {  	[smem:$0x3F9B] =	sst s10  }
0x32: {  	s10 =	sld [smem:$0x3F99];
	_ =	sdelay $0x3  }
0x33: {  	p0 =	seq.s32 s10, $0x1;
	s10 =	sld [smem:$0x3F9B];
	_ =	sdelay $0x3  }
0x34: {  	[smem:$0x3F9B] =	sst s10  }
0x35: {  	s10 =	sld [smem:$0x3F9A];
	_ =	sdelay $0x3  }
0x36: {  	p1 =	seq.s32 s10, $0x1;
	s10 =	sld [smem:$0x3F9B];
	_ =	sdelay $0x3  }
0x37: {  	[smem:$0x3F9B] =	sst s10  }
0x38: {  	s10 =	sld [smem:$0x3F9C]  }
0x39: {  	_ = 	snop;
	(pc) =	sbr.ind lr, $3  }
0x3a: {  	_ = 	snop  }
0x3b: {  	_ = 	snop  }
0x3c: {  	p2 =	seq.s32 s10, $0x1;
	s10 =	sld [smem:$0x3F9B]  }
0x3d: {  	_ =	shalt  }
0x3e: {  	_ =	shalt  }
0x3f: {  	_ =	shalt  }
0x40: {  	_ =	shalt  }
0x41: {  	_ =	shalt  }
0x42: {  	_ =	shalt  }
0x43: {  	_ =	shalt  }
0x44: {  	_ =	shalt  }
0x45: {  	_ =	shalt  }
0x46: {  	_ =	shalt  }
0x47: {  	_ =	shalt  }
0x48: {  	_ =	shalt  }
0x49: {  	_ =	shalt  }
0x4a: {  	_ =	shalt  }
0x4b: {  	_ =	shalt  }
0x4c: {  	_ =	shalt  }
0x4d: {  	_ =	shalt  }
0x4e: {  	_ =	shalt  }
0x4f: {  	_ =	shalt  }
0x50: {  	_ =	shalt  }
0x51: {  	_ =	shalt  }
0x52: {  	_ =	shalt  }
0x53: {  	_ =	shalt  }
0x54: {  	_ =	shalt  }
0x55: {  	_ =	shalt  }
0x56: {  	_ =	shalt  }
0x57: {  	_ =	shalt  }
0x58: {  	_ =	shalt  }
0x59: {  	_ =	shalt  }
0x5a: {  	_ =	shalt  }
0x5b: {  	_ =	shalt  }
0x5c: {  	_ =	shalt  }
0x5d: {  	_ =	shalt  }
0x5e: {  	_ =	shalt  }
0x5f: {  	_ =	shalt  }
0x60: {  	_ =	shalt  }
0x61: {  	_ =	shalt  }
0x62: {  	_ =	shalt  }
0x63: {  	_ =	shalt  }
0x64: {  	_ =	shalt  }
0x65: {  	_ =	shalt  }
0x66: {  	_ =	shalt  }
0x67: {  	_ =	shalt  }
0x68: {  	_ =	shalt  }
0x69: {  	_ =	shalt  }
0x6a: {  	_ =	shalt  }
0x6b: {  	_ =	shalt  }
0x6c: {  	_ =	shalt  }
0x6d: {  	_ =	shalt  }
0x6e: {  	_ =	shalt  }
0x6f: {  	_ =	shalt  }
0x70: {  	_ =	shalt  }
0x71: {  	_ =	shalt  }
0x72: {  	_ =	shalt  }
0x73: {  	_ =	shalt  }
0x74: {  	_ =	shalt  }
0x75: {  	_ =	shalt  }
0x76: {  	_ =	shalt  }
0x77: {  	_ =	shalt  }
0x78: {  	_ =	shalt  }
0x79: {  	_ =	shalt  }
0x7a: {  	_ =	shalt  }
0x7b: {  	_ =	shalt  }
0x7c: {  	_ =	shalt  }
0x7d: {  	_ =	shalt  }
0x7e: {  	_ =	shalt  }
0x7f: {  	_ =	shalt  }
0x80: {  	_ =	shalt  }
0x81: {  	_ =	shalt  }
0x82: {  	_ =	shalt  }
0x83: {  	_ =	shalt  }
0x84: {  	_ =	shalt  }
0x85: {  	_ =	shalt  }
0x86: {  	_ =	shalt  }
0x87: {  	_ =	shalt  }
.Lfunc_end0:
.L_simem_size_0:
called_computation.3_lowered:
.L_overlay_start_0:
0x88: {  	s2 =	sld [smem:$0x3FD9]  }
0x89: {  	s3 =	sld [smem:$0x3FFE];
	_ =	sdelay $0x1  }
0x8a: {  	s1 =	srdreg.scid  }
0x8b: {  	s0 =	sand.u32 $0x1, s1  }
0x8c: {  	s17 =	sshll.u32 s0, $0xA;
	s2 =	sadd.s32 s3, s2  }
0x8d: {  	s2 =	sadd.s32 s2, s17  }
0x8e: {  	[smem:$0x3FA7] =	sst s2  }
0x8f: {  	_ = 	snop  }
0x90: {  	s18 =	sld [smem:$0x3FA9]  }
0x91: {  	s4 =	sld [smem:$0x3FD0];
	(tm) =	ssettm $0x1  }
0x92: {  	s19 =	sld [smem:$0x3FFB];
	_ =	sdelay $0x3  }
0x93: {  	_ =	strace s19  }
0x94: {  	s2 =	sld [smem:$0x3FFC];
	_ =	sdelay $0x3  }
0x95: {  	_ =	strace s2  }
0x96: {  	s2 =	sld [smem:$0x3FFD];
	_ =	sdelay $0x3  }
0x97: {  	_ =	strace s2  }
0x98: {  	_ =	strace $0x8FFFFFFF  }
0x99: {  	s20 =	sld [smem:$0x3FDB];
	_ =	sdelay $0x1  }
0x9a: {  	s5 =	simm.s32 $_scs_section_size  }
0x9b: {  	s6 =	simm.s32 $_size__tile_overlayer_lowered;
	s7 =	simm.s32 $_tile_overlayer_lowered  }
0x9c: {  	s8 =	simm.s32 $0x1BFF;
	s21 =	sshll.u32 s7, $0x1;
	s5 =	sadd.s32 s5, s20  }
0x9d: {  	s22 =	simm.s32 $0x0;
	s6 =	sshll.u32 s6, $0x1;
	s7 =	sadd.s32 s21, s5  }
0x9e: {  	[timem:s22], [sflag:s8] =	dma.local [hbm:s7], s6  }
0x9f: {  	_ =	swait.ge [sflag:s8], s6  }
0xa0: {  	s6 =	ssub.s32 $0x0, s6;
	[sflag:s8] =	ssyncset.done $0x0  }
0xa1: {  	[sflag:s8] =	ssyncadd.s32 s6;
	_ =	sdelay $0x1  }
0xa2: {  	s23 =	simm.s32 $0x1B8B  }
0xa3: {  	_ =	swait.ge [sflag:s23], $0x1  }
0xa4: {  	[sflag:s23] =	ssyncset.done $0x0  }
0xa5: {  	[sflag:s23] =	ssyncadd.s32 $0xFFFFFFFF  }
0xa6: {  	s6 =	sld [smem:$0x0]  }
0xa7: {  	s7 =	sand.u32 $0xFFFFFFFE, s1  }
0xa8: {  	p0 =	sne.s32 s1, s7  }
0xa9: {  	s7 =	sshll.u32 @p0 s7, $0xE  }
0xaa: {  	s7 =	sadd.s32 @p0 $0x11B8D, s7;
	s8 =	sshll.u32 @p0 s6, $0x11  }
0xab: {  	s7 =	sor.u32 @p0 s8, s7  }
0xac: {  	[sflag:s7] =	ssyncadd.remote.s32 @p0 $0x1;
	_ =	sdelay $0x1  }
0xad: {  	s7 =	simm.s32 @p0 $0x1B8D  }
0xae: {  	_ =	swait.eq @p0 [sflag:s7], $0x1  }
0xaf: {  	[sflag:s7] =	ssyncadd.s32 @p0 $0xFFFFFFFF  }
0xb0: {  	s8 =	sshll.u32 @!p0 s1, $0xE  }
0xb1: {  	s8 =	sor.u32 @!p0 $0x4000, s8;
	s7 =	simm.s32 @!p0 $0x1B8D  }
0xb2: {  	s6 =	sshll.u32 @!p0 s6, $0x11;
	s8 =	sadd.s32 @!p0 $0x11B8D, s8;
	_ =	swait.eq @!p0 [sflag:s7], $0x1  }
0xb3: {  	s6 =	sor.u32 @!p0 s6, s8;
	[sflag:s7] =	ssyncadd.s32 @!p0 $0xFFFFFFFF  }
0xb4: {  	s25 =	simm.s32 $0x1B8E;
	s24 =	sld [smem:$0x3FFE];
	[sflag:s6] =	ssyncadd.remote.s32 @!p0 $0x1  }
0xb5: {  	s26 =	simm.s32 $execute0_lowered;
	[smem:$0x3FD2] =	sst s25  }
0xb6: {  	s7 =	sshll.u32 s26, $0x1;
	_ =	strace $0x80000049;
	[dreg:$0x1] =	wrdreg $0xFFFFFFFF  }
0xb7: {  	s28 =	simm.s32 $_size_execute0_lowered;
	s5 =	sadd.s32 s5, s7;
	[dreg:$0x0] =	wrdreg $0x0  }
0xb8: {  	s7 =	sshll.u32 s28, $0x1;
	[dreg:$0x2] =	wrdreg s5  }
0xb9: {  	[dreg:$0x3] =	wrdreg s7  }
0xba: {  	[dreg:$0x4] =	wrdreg $0xC0  }
0xbb: {  	_ =	task [dreg:s22], $0x5FFFF  }
0xbc: {  	[dreg:$0x1] =	wrdreg $0xFFFFFFFF  }
0xbd: {  	[dreg:$0x0] =	wrdreg $0x60  }
0xbe: {  	[dreg:$0x2] =	wrdreg s4  }
0xbf: {  	[dreg:$0x3] =	wrdreg s18  }
0xc0: {  	[dreg:$0x4] =	wrdreg s24  }
0xc1: {  	[dreg:$0x5] =	wrdreg $0xC  }
0xc2: {  	_ =	task.clear_ibuf [dreg:s22], $0x6FFFF;
	_ =	strace $0x90000049  }
0xc3: {  	s29 =	simm.s32 $0xC;
	_ =	strace $0x8000004B  }
0xc4: {  	_ =	swait.ge [sflag:s29], $0x1  }
0xc5: {  	[sflag:s29] =	ssyncadd.s32 $0xFFFFFFFF  }
0xc6: {  	_ =	strace $0x9000004B  }
0xc7: {  	_ =	sfence  }
0xc8: {  	s30 =	sld [smem:$0x0];
	_ =	sdelay $0x2  }
0xc9: {  	s31 =	sshll.u32 s1, $0xD;
	s1 =	sshrl.u32 s1, $0x2  }
0xca: {  	s4 =	sand.u32 $0x4000, s31;
	s1 =	sadd.s32 s1, s30  }
0xcb: {  	s0 =	sor.u32 s4, s0;
	s1 =	sshll.u32 s1, $0x11  }
0xcc: {  	s0 =	sor.u32 s1, s0  }
0xcd: {  	s0 =	sadd.s32 $0x8F2B, s0  }
0xce: {  	[sflag:s0] =	ssyncadd.remote.s32 $0x1  }
0xcf: {  	_ =	sfence.sel $0xFFFF  }
0xd0: {  	[dreg:$0x0] =	wrdreg $0xFFFFFFFF;
	(pc) =	sbr.abs _section_cstart, $3  }
0xd1: {  	[dreg:$0x1] =	wrdreg $0xFFFFFFFF  }
0xd2: {  	_ =	task.clear_ibuf [dreg:s22], $0x2FFFF;
	_ =	strace $0x9FFFFFFF  }
0xd3: {  	(tm) =	ssettm $0x7FFFFFFF  }
tec
execute0_lowered:
.L_overlay_start_1:
0x0: {  	(tag) =	ssettag $0x1  }
0x1: {  	s1 =	rddreg [dreg:$0x0]  }
0x2: {  	s4 =	rddreg [dreg:$0x1]  }
0x3: {  	s5 =	rddreg [dreg:$0x2]  }
0x4: {  	s0 =	rddreg [dreg:$0x3];
	s6 =	srdreg.scid  }
0x5: {  	s2 =	stileid.u32;
	s3 =	simm.s32 $0x0;
	s12 =	simm.s32 $0xEF80  }
0x6: {  	s13 =	simm.s32 $0x2;
	s6 =	sand.u32 $0x1, s6;
	s7 =	sshll.u32 s2, $0x1  }
0x7: {  	[smem:$0x7FF] =	sst s3;
	s30 =	smul.u32 $0x4E200, s2;
	s7 =	sor.u32 s6, s7  }
0x8: {  	s14 =	simm.s32 $0x0;
	s10 =	sadd.s32 $0x511600, s5;
	s9 =	smul.u32 $0x138800, s7  }
0x9: {  	_ =	strace $0x8000004A;
	s8 =	ssub.s32 $0x2, s6;
	s7 =	smul.u32 $0x2710, s7  }
0xa: {  	s11 =	smul.u32 $0x27100, s6;
	s28 =	sshrl.u32 s8, $0x1;
	s31 =	sadd.s32 s30, s10  }
0xb: {  	s8 =	ssub.s32 s8, s28;
	s29 =	sshrl.u32 s9, $0x3;
	s7 =	sshrl.u32 s7, $0x3  }
0xc: {  	s6 =	smax.u32 s8, $0x1;
	s8 =	simm.s32 $0x3;
	s9 =	simm.s32 $0x190  }
0xd: {  	s5 =	sadd.s32 s10, s29;
	s4 =	sadd.s32 s4, s7;
	s7 =	sadd.s32 s11, s31  }
0xe: {  	s10 =	simm.s32 $0x2780;
	s11 =	simm.s32 $0x1;
	s5 =	sadd.s32 $0x25800, s5  }
.LBB2_1:
0xf: {  	[tilespmem:s3], [sflag:$0x3] =	stream.linear.gather [hbm4b:s4+s3], $0x2710, $0x38;
	[tilespmem:$0x1B780] =	vst v63  }
0x10: {  	_ =	swait.ge [sflag:s8], $0x2710  }
0x11: {  	[sflag:s8] =	ssyncset.done $0x0  }
0x12: {  	[sflag:s8] =	ssyncadd.s32 $0xFFFFD8F0  }
0x13: {  	[tilespmem:s10], [sflag:$0x1] =	stream.indirect.gather [hbm4b:s1+s9], $0x80, s3, s9, $0xb8;
	[tilespmem:$0x1B780] =	vst v63  }
0x14: {  	_ =	swait.ge [sflag:s11], $0xC800  }
0x15: {  	[sflag:s11] =	ssyncset.done $0x0  }
0x16: {  	s15 =	simm.s32 $0x190;
	[sflag:s11] =	ssyncadd.s32 $0xFFFF3800  }
0x17: {  	[tilespmem:s12], [sflag:$0x2] =	stream.indirect.gather [hbm4b:s1+s9], $0x80, s15, s9, $0xb8;
	[tilespmem:$0x1B780] =	vst v63  }
0x18: {  	s31 =	sadd.s32 $0x0, s7  }
0x19: {  	[hbm4b:s31+s3] =	stream.linear.scatter [tilespmem:s10], [sflag:$0x3], $0xC800, $0x38;
	[tilespmem:$0x1B780] =	vst v63  }
0x1a: {  	_ =	swait.ge [sflag:s8], $0xC800  }
0x1b: {  	[sflag:s8] =	ssyncset.done $0x0  }
0x1c: {  	[sflag:s8] =	ssyncadd.s32 $0xFFFF3800  }
0x1d: {  	_ =	swait.ge [sflag:s13], $0xC800  }
0x1e: {  	[sflag:s13] =	ssyncset.done $0x0  }
0x1f: {  	s16 =	simm.s32 $0x320;
	[sflag:s13] =	ssyncadd.s32 $0xFFFF3800  }
0x20: {  	[tilespmem:s10], [sflag:$0x1] =	stream.indirect.gather [hbm4b:s1+s9], $0x80, s16, s9, $0xb8;
	[tilespmem:$0x1B780] =	vst v63  }
0x21: {  	s15 =	sadd.s32 $0x1900, s31  }
0x22: {  	[hbm4b:s15+s3] =	stream.linear.scatter [tilespmem:s12], [sflag:$0x3], $0xC800, $0x38;
	[tilespmem:$0x1B780] =	vst v63  }
0x23: {  	_ =	swait.ge [sflag:s8], $0xC800  }
0x24: {  	[sflag:s8] =	ssyncset.done $0x0  }
0x25: {  	[sflag:s8] =	ssyncadd.s32 $0xFFFF3800  }
0x26: {  	s17 =	simm.s32 $0x6400;
	_ =	swait.ge [sflag:s11], $0xC800  }
0x27: {  	s16 =	simm.s32 $0x3200;
	s15 =	simm.s32 $0x640;
	[sflag:s11] =	ssyncset.done $0x0  }
.LBB2_2:
0x28: {  	p0 =	sne.s32 s17, $0x22600;
	s18 =	sadd.s32 $0xFFFFFE70, s15;
	[sflag:s11] =	ssyncadd.s32 $0xFFFF3800  }
0x29: {  	[tilespmem:s12], [sflag:$0x2] =	stream.indirect.gather [hbm4b:s1+s9], $0x80, s18, s9, $0xb8;
	[tilespmem:$0x1B780] =	vst v63  }
0x2a: {  	s18 =	sadd.s32 s16, s7;
	s16 =	smov.u32 s17;
	s17 =	sadd.s32 $0x3200, s17  }
0x2b: {  	[hbm4b:s18+s3] =	stream.linear.scatter [tilespmem:s10], [sflag:$0x3], $0xC800, $0x38;
	[tilespmem:$0x1B780] =	vst v63  }
0x2c: {  	_ =	swait.ge [sflag:s8], $0xC800  }
0x2d: {  	[sflag:s8] =	ssyncset.done $0x0  }
0x2e: {  	[sflag:s8] =	ssyncadd.s32 $0xFFFF3800  }
0x2f: {  	_ =	swait.ge [sflag:s13], $0xC800  }
0x30: {  	[sflag:s13] =	ssyncset.done $0x0  }
0x31: {  	[sflag:s13] =	ssyncadd.s32 $0xFFFF3800  }
0x32: {  	[tilespmem:s10], [sflag:$0x1] =	stream.indirect.gather [hbm4b:s1+s9], $0x80, s15, s9, $0xb8;
	[tilespmem:$0x1B780] =	vst v63  }
0x33: {  	s18 =	sadd.s32 $0x1900, s18  }
0x34: {  	[hbm4b:s18+s3] =	stream.linear.scatter [tilespmem:s12], [sflag:$0x3], $0xC800, $0x38;
	[tilespmem:$0x1B780] =	vst v63  }
.Ltmp0:
0x35: {  	_ =	swait.ge [sflag:s8], $0xC800;
	(pc) =	sbr.rel @p0 .LBB2_2-.Ltmp0, $4  }
0x36: {  	[sflag:s8] =	ssyncset.done $0x0  }
0x37: {  	[sflag:s8] =	ssyncadd.s32 $0xFFFF3800  }
0x38: {  	_ =	swait.ge [sflag:s11], $0xC800  }
0x39: {  	s15 =	sadd.s32 $0x320, s15;
	[sflag:s11] =	ssyncset.done $0x0  }
0x3a: {  	s17 =	sadd.s32 $0xFFFFFE70, s15;
	[sflag:s11] =	ssyncadd.s32 $0xFFFF3800  }
0x3b: {  	[tilespmem:s12], [sflag:$0x2] =	stream.indirect.gather [hbm4b:s1+s9], $0x80, s17, s9, $0xb8;
	[tilespmem:$0x1B780] =	vst v63  }
0x3c: {  	s16 =	sadd.s32 s16, s7  }
0x3d: {  	[hbm4b:s16+s3] =	stream.linear.scatter [tilespmem:s10], [sflag:$0x3], $0xC800, $0x38;
	[tilespmem:$0x1B780] =	vst v63  }
0x3e: {  	_ =	swait.ge [sflag:s8], $0xC800  }
0x3f: {  	[sflag:s8] =	ssyncset.done $0x0  }
0x40: {  	[sflag:s8] =	ssyncadd.s32 $0xFFFF3800  }
0x41: {  	_ =	swait.ge [sflag:s13], $0xC800  }
0x42: {  	[sflag:s13] =	ssyncset.done $0x0  }
0x43: {  	[sflag:s13] =	ssyncadd.s32 $0xFFFF3800  }
0x44: {  	[tilespmem:s10], [sflag:$0x1] =	stream.indirect.gather [hbm4b:s1+s9], $0x80, s15, s9, $0xb8;
	[tilespmem:$0x1B780] =	vst v63  }
0x45: {  	s31 =	sadd.s32 $0x1900, s16  }
0x46: {  	[hbm4b:s31+s3] =	stream.linear.scatter [tilespmem:s12], [sflag:$0x3], $0xC800, $0x38;
	[tilespmem:$0x1B780] =	vst v63  }
0x47: {  	_ =	swait.ge [sflag:s8], $0xC800  }
0x48: {  	[sflag:s8] =	ssyncset.done $0x0  }
0x49: {  	[sflag:s8] =	ssyncadd.s32 $0xFFFF3800  }
0x4a: {  	s14 =	sadd.s32 $0x1, s14;
	_ =	swait.ge [sflag:s11], $0xC800  }
0x4b: {  	p0 =	sne.s32 s14, s6;
	[sflag:s11] =	ssyncset.done $0x0  }
.Ltmp1:
0x4c: {  	[sflag:s11] =	ssyncadd.s32 $0xFFFF3800;
	(pc) =	sbr.rel @p0 .LBB2_1-.Ltmp1, $4  }
0x4d: {  	[hbm4b:s5+s3] =	stream.linear.scatter [tilespmem:s10], [sflag:$0x3], $0xC800, $0x38;
	[tilespmem:$0x1B780] =	vst v63  }
0x4e: {  	_ =	swait.ge [sflag:s8], $0xC800  }
0x4f: {  	[sflag:s8] =	ssyncset.done $0x0  }
0x50: {  	[sflag:s8] =	ssyncadd.s32 $0xFFFF3800  }
0x51: {  	_ =	sfence.sel $0x180000  }
0x52: {  	[bflag:$0x0] =	sbarrier.arrive $0xFFFF  }
0x53: {  	p0 =	sne.s32 s2, $0x0;
	_ =	strace $0x9000004A  }
0x54: {  	s0 =	sadd.s32 @!p0 $0x100000, s0;
	[bflag:$0x2] =	sbarrier.arrive $0xFFFF  }
0x55: {  	[sflag:s0] =	ssyncadd.tile.s32 @!p0 $0x1;
	_ =	shalt  }
.Lfunc_end2:
_tile_overlayer_lowered:
.L_overlay_start_2:
0x56: {  	(tag) =	ssettag $0x2  }
0x57: {  	s0 =	rddreg [dreg:$0x0];
	s2 =	stileid.u32  }
0x58: {  	s1 =	rddreg [dreg:$0x1];
	p0 =	sne.s32 s2, $0x0  }
0x59: {  	s3 =	rddreg [dreg:$0x2];
	[bflag:$0x3] =	sbarrier.arrive $0xFFFF;
	s2 =	simm.s32 @!p0 $0x1C03  }
0x5a: {  	[timem:s3], [sflag:s2] =	dma.local @!p0 [hbm:s0], s1  }
0x5b: {  	s0 =	simm.s32 @!p0 $0x3  }
0x5c: {  	_ =	swait.ge @!p0 [sflag:s0], s1  }
0x5d: {  	s1 =	ssub.s32 @!p0 $0x0, s1;
	[sflag:s0] =	ssyncset.done @!p0 $0x0  }
0x5e: {  	[sflag:s0] =	ssyncadd.s32 @!p0 s1  }
0x5f: {  	[bflag:$0x3] =	sbarrier.arrive $0xFFFF  }
0x60: {  	_ =	shalt  }

// kernel: kernel.25.cloned.1.call-start
scs
__scs_entry_jumppad:
0x0: {  	(pc) =	sbr.rel $0x88, $3  }
0x1: {  	(tag) =	ssettag $0x0;
	lr =	simm.s32 $0x1  }
0x2: {  	[smem:$0x3F80] =	sst lr;
	_ =	strace $0xD0000000  }
0x3: {  	_ = 	snop  }
0x4: {  	_ = 	snop  }
0x5: {  	_ = 	snop  }
0x6: {  	_ = 	snop  }
0x7: {  	_ = 	snop  }
__scs_overlays_trampoline_lowered:
0x8: {  	[smem:$0x3F8F] =	sst s0  }
0x9: {  	[smem:$0x3F90] =	sst s1  }
0xa: {  	[smem:$0x3F91] =	sst s2  }
0xb: {  	[smem:$0x3F92] =	sst s3  }
0xc: {  	[smem:$0x3F93] =	sst s4  }
0xd: {  	[smem:$0x3F94] =	sst s5  }
0xe: {  	[smem:$0x3F95] =	sst s6  }
0xf: {  	[smem:$0x3F96] =	sst s7  }
0x10: {  	[smem:$0x3F97] =	sst s8  }
0x11: {  	[smem:$0x3F98] =	sst s9;
	s0 =	simm.s32 @!p0 $0x0  }
0x12: {  	s1 =	sld [smem:$0x3F7E];
	s0 =	simm.s32 @p0 $0x1  }
0x13: {  	[smem:$0x3F99] =	sst s0;
	s0 =	simm.s32 @!p1 $0x0  }
0x14: {  	s2 =	sld [smem:$0x3F7D];
	s0 =	simm.s32 @p1 $0x1  }
0x15: {  	[smem:$0x3F9A] =	sst s0;
	s0 =	simm.s32 @!p2 $0x0  }
0x16: {  	s3 =	sld [smem:$0x3FDB];
	s0 =	simm.s32 @p2 $0x1  }
0x17: {  	s4 =	simm.s32 $0x1BF5;
	[smem:$0x3F9C] =	sst s0  }
0x18: {  	s0 =	sld [smem:$0x3F7F];
	_ =	swait.ge [sflag:s4], $0x0  }
0x19: {  	s7 =	sld [smem:$0x3F80]  }
0x1a: {  	s8 =	sadd.s32 $0xFFFFE003, lr  }
0x1b: {  	s9 =	sadd.s32 $0xFFFFFEF7, lr;
	s5 =	simm.s32 $0xFFFFFFFF;
	p2 =	slt.u32 s8, $0xFFFFF086  }
0x1c: {  	p1 =	slt.u32 s9, $0xF7A;
	s5 =	simm.s32 @!p2 $0x0  }
0x1d: {  	s5 =	simm.s32 @p1 $0x1;
	p0 =	seq.s32 s7, s2  }
0x1e: {  	s7 =	smul.u32 @!p0 $0xF7A, s2;
	p2 =	seq.s32 @!p0 s5, $0x0  }
0x1f: {  	s9 =	smul.u32 $0xF7A, s1;
	s8 =	simm.s32 @!p0 $0x1BF5;
	p2 =	por !p2, p0  }
0x20: {  	[sflag:s8] =	ssyncset.s32 @!p0 $0xFFFFF086;
	s6 =	sadd.s32 @!p0 s3, s7;
	s7 =	simm.s32 @!p0 $0x108  }
0x21: {  	s3 =	sadd.s32 s3, s9;
	s6 =	sadd.s32 @!p0 $0x88, s6;
	s7 =	simm.s32 @p2 $0x1082  }
0x22: {  	[simem:s7], [sflag:s8] =	dma.local @!p0 [hbm:s6], $0xF7A  }
0x23: {  	s9 =	sor.u32 $0xD0000000, s2;
	s6 =	simm.s32 $0x108;
	_ =	swait.ge @!p0 [sflag:s8], $0x0  }
0x24: {  	s3 =	sadd.s32 $0x88, s3;
	s6 =	simm.s32 @!p1 $0x1082;
	[sflag:s4] =	ssyncset.s32 $0xFFFFF086  }
0x25: {  	[simem:s6], [sflag:s4] =	dma.local [hbm:s3], $0xF7A  }
0x26: {  	[smem:$0x3F80] =	sst s1;
	(tag) =	ssettag s2;
	_ =	strace s9  }
0x27: {  	s1 =	sld [smem:$0x3F90]  }
0x28: {  	s2 =	sld [smem:$0x3F91]  }
0x29: {  	s4 =	sld [smem:$0x3F93]  }
0x2a: {  	p0 =	seq.s32 s5, $0x0;
	s5 =	sld [smem:$0x3F94]  }
0x2b: {  	s6 =	sld [smem:$0x3F95]  }
0x2c: {  	s7 =	sld [smem:$0x3F96]  }
0x2d: {  	s3 =	simm.s32 $0x108;
	s8 =	sld [smem:$0x3F97]  }
0x2e: {  	s3 =	simm.s32 @!p0 $0x1082;
	s9 =	sld [smem:$0x3F98]  }
0x2f: {  	lr =	sadd.s32 s0, s3;
	s0 =	sld [smem:$0x3F8F]  }
0x30: {  	s3 =	sld [smem:$0x3F92]  }
0x31: {  	[smem:$0x3F9B] =	sst s10  }
0x32: {  	s10 =	sld [smem:$0x3F99];
	_ =	sdelay $0x3  }
0x33: {  	p0 =	seq.s32 s10, $0x1;
	s10 =	sld [smem:$0x3F9B];
	_ =	sdelay $0x3  }
0x34: {  	[smem:$0x3F9B] =	sst s10  }
0x35: {  	s10 =	sld [smem:$0x3F9A];
	_ =	sdelay $0x3  }
0x36: {  	p1 =	seq.s32 s10, $0x1;
	s10 =	sld [smem:$0x3F9B];
	_ =	sdelay $0x3  }
0x37: {  	[smem:$0x3F9B] =	sst s10  }
0x38: {  	s10 =	sld [smem:$0x3F9C]  }
0x39: {  	_ = 	snop;
	(pc) =	sbr.ind lr, $3  }
0x3a: {  	_ = 	snop  }
0x3b: {  	_ = 	snop  }
0x3c: {  	p2 =	seq.s32 s10, $0x1;
	s10 =	sld [smem:$0x3F9B]  }
0x3d: {  	_ =	shalt  }
0x3e: {  	_ =	shalt  }
0x3f: {  	_ =	shalt  }
0x40: {  	_ =	shalt  }
0x41: {  	_ =	shalt  }
0x42: {  	_ =	shalt  }
0x43: {  	_ =	shalt  }
0x44: {  	_ =	shalt  }
0x45: {  	_ =	shalt  }
0x46: {  	_ =	shalt  }
0x47: {  	_ =	shalt  }
0x48: {  	_ =	shalt  }
0x49: {  	_ =	shalt  }
0x4a: {  	_ =	shalt  }
0x4b: {  	_ =	shalt  }
0x4c: {  	_ =	shalt  }
0x4d: {  	_ =	shalt  }
0x4e: {  	_ =	shalt  }
0x4f: {  	_ =	shalt  }
0x50: {  	_ =	shalt  }
0x51: {  	_ =	shalt  }
0x52: {  	_ =	shalt  }
0x53: {  	_ =	shalt  }
0x54: {  	_ =	shalt  }
0x55: {  	_ =	shalt  }
0x56: {  	_ =	shalt  }
0x57: {  	_ =	shalt  }
0x58: {  	_ =	shalt  }
0x59: {  	_ =	shalt  }
0x5a: {  	_ =	shalt  }
0x5b: {  	_ =	shalt  }
0x5c: {  	_ =	shalt  }
0x5d: {  	_ =	shalt  }
0x5e: {  	_ =	shalt  }
0x5f: {  	_ =	shalt  }
0x60: {  	_ =	shalt  }
0x61: {  	_ =	shalt  }
0x62: {  	_ =	shalt  }
0x63: {  	_ =	shalt  }
0x64: {  	_ =	shalt  }
0x65: {  	_ =	shalt  }
0x66: {  	_ =	shalt  }
0x67: {  	_ =	shalt  }
0x68: {  	_ =	shalt  }
0x69: {  	_ =	shalt  }
0x6a: {  	_ =	shalt  }
0x6b: {  	_ =	shalt  }
0x6c: {  	_ =	shalt  }
0x6d: {  	_ =	shalt  }
0x6e: {  	_ =	shalt  }
0x6f: {  	_ =	shalt  }
0x70: {  	_ =	shalt  }
0x71: {  	_ =	shalt  }
0x72: {  	_ =	shalt  }
0x73: {  	_ =	shalt  }
0x74: {  	_ =	shalt  }
0x75: {  	_ =	shalt  }
0x76: {  	_ =	shalt  }
0x77: {  	_ =	shalt  }
0x78: {  	_ =	shalt  }
0x79: {  	_ =	shalt  }
0x7a: {  	_ =	shalt  }
0x7b: {  	_ =	shalt  }
0x7c: {  	_ =	shalt  }
0x7d: {  	_ =	shalt  }
0x7e: {  	_ =	shalt  }
0x7f: {  	_ =	shalt  }
0x80: {  	_ =	shalt  }
0x81: {  	_ =	shalt  }
0x82: {  	_ =	shalt  }
0x83: {  	_ =	shalt  }
0x84: {  	_ =	shalt  }
0x85: {  	_ =	shalt  }
0x86: {  	_ =	shalt  }
0x87: {  	_ =	shalt  }
.Lfunc_end0:
.L_simem_size_0:
called_computation.4_lowered:
.L_overlay_start_0:
0x88: {  	s2 =	sld [smem:$0x3FD9]  }
0x89: {  	s3 =	sld [smem:$0x3FFE];
	_ =	sdelay $0x1  }
0x8a: {  	s1 =	srdreg.scid  }
0x8b: {  	s0 =	sand.u32 $0x1, s1  }
0x8c: {  	s17 =	sshll.u32 s0, $0xA;
	s2 =	sadd.s32 s3, s2  }
0x8d: {  	s2 =	sadd.s32 s2, s17  }
0x8e: {  	[smem:$0x3FA7] =	sst s2  }
0x8f: {  	_ = 	snop  }
0x90: {  	(tm) =	ssettm $0x1  }
0x91: {  	s18 =	sld [smem:$0x3FFB];
	_ =	sdelay $0x3  }
0x92: {  	_ =	strace s18  }
0x93: {  	s2 =	sld [smem:$0x3FFC];
	_ =	sdelay $0x3  }
0x94: {  	_ =	strace s2  }
0x95: {  	s2 =	sld [smem:$0x3FFD];
	_ =	sdelay $0x3  }
0x96: {  	_ =	strace s2  }
0x97: {  	_ =	strace $0x8FFFFFFF  }
0x98: {  	s19 =	sld [smem:$0x3FDB];
	_ =	sdelay $0x1  }
0x99: {  	s20 =	simm.s32 $_scs_section_size  }
0x9a: {  	s4 =	simm.s32 $_size__tile_overlayer_lowered;
	s5 =	simm.s32 $_tile_overlayer_lowered  }
0x9b: {  	s6 =	simm.s32 $0x1BFF;
	s21 =	sshll.u32 s5, $0x1;
	s3 =	sadd.s32 s20, s19  }
0x9c: {  	s22 =	simm.s32 $0x0;
	s4 =	sshll.u32 s4, $0x1;
	s5 =	sadd.s32 s21, s3  }
0x9d: {  	[timem:s22], [sflag:s6] =	dma.local [hbm:s5], s4  }
0x9e: {  	_ =	swait.ge [sflag:s6], s4  }
0x9f: {  	s4 =	ssub.s32 $0x0, s4;
	[sflag:s6] =	ssyncset.done $0x0  }
0xa0: {  	[sflag:s6] =	ssyncadd.s32 s4;
	_ =	sdelay $0x1  }
0xa1: {  	s23 =	simm.s32 $0x1B8B  }
0xa2: {  	_ =	swait.ge [sflag:s23], $0x1  }
0xa3: {  	[sflag:s23] =	ssyncset.done $0x0  }
0xa4: {  	[sflag:s23] =	ssyncadd.s32 $0xFFFFFFFF  }
0xa5: {  	s4 =	sld [smem:$0x0]  }
0xa6: {  	s5 =	sand.u32 $0xFFFFFFFE, s1  }
0xa7: {  	p0 =	sne.s32 s1, s5  }
0xa8: {  	s5 =	sshll.u32 @p0 s5, $0xE  }
0xa9: {  	s5 =	sadd.s32 @p0 $0x11B8D, s5;
	s6 =	sshll.u32 @p0 s4, $0x11  }
0xaa: {  	s5 =	sor.u32 @p0 s6, s5  }
0xab: {  	[sflag:s5] =	ssyncadd.remote.s32 @p0 $0x1;
	_ =	sdelay $0x1  }
0xac: {  	s5 =	simm.s32 @p0 $0x1B8D  }
0xad: {  	_ =	swait.eq @p0 [sflag:s5], $0x1  }
0xae: {  	[sflag:s5] =	ssyncadd.s32 @p0 $0xFFFFFFFF  }
0xaf: {  	s6 =	sshll.u32 @!p0 s1, $0xE  }
0xb0: {  	s6 =	sor.u32 @!p0 $0x4000, s6;
	s5 =	simm.s32 @!p0 $0x1B8D  }
0xb1: {  	s4 =	sshll.u32 @!p0 s4, $0x11;
	s6 =	sadd.s32 @!p0 $0x11B8D, s6;
	_ =	swait.eq @!p0 [sflag:s5], $0x1  }
0xb2: {  	s4 =	sor.u32 @!p0 s4, s6;
	[sflag:s5] =	ssyncadd.s32 @!p0 $0xFFFFFFFF  }
0xb3: {  	s25 =	simm.s32 $0x1B8E;
	s24 =	sld [smem:$0x3FFE];
	[sflag:s4] =	ssyncadd.remote.s32 @!p0 $0x1  }
0xb4: {  	s26 =	simm.s32 $execute0_lowered;
	[smem:$0x3FD2] =	sst s25  }
0xb5: {  	s5 =	sshll.u32 s26, $0x1;
	_ =	strace $0x80000055;
	[dreg:$0x1] =	wrdreg $0xFFFFFFFF  }
0xb6: {  	s28 =	simm.s32 $_size_execute0_lowered;
	s3 =	sadd.s32 s3, s5;
	[dreg:$0x0] =	wrdreg $0x0  }
0xb7: {  	s5 =	sshll.u32 s28, $0x1;
	[dreg:$0x2] =	wrdreg s3  }
0xb8: {  	[dreg:$0x3] =	wrdreg s5  }
0xb9: {  	[dreg:$0x4] =	wrdreg $0xC0  }
0xba: {  	_ =	task [dreg:s22], $0x5FFFF  }
0xbb: {  	[dreg:$0x1] =	wrdreg $0xFFFFFFFF  }
0xbc: {  	[dreg:$0x0] =	wrdreg $0x60  }
0xbd: {  	[dreg:$0x2] =	wrdreg s24  }
0xbe: {  	[dreg:$0x3] =	wrdreg $0x90000  }
0xbf: {  	[dreg:$0x4] =	wrdreg $0x9  }
0xc0: {  	_ =	task.clear_ibuf [dreg:s22], $0x5FFFF;
	_ =	strace $0x90000055  }
0xc1: {  	s29 =	simm.s32 $0x9;
	_ =	strace $0x80000057  }
0xc2: {  	_ =	swait.ge [sflag:s29], $0x1  }
0xc3: {  	[sflag:s29] =	ssyncadd.s32 $0xFFFFFFFF  }
0xc4: {  	_ =	strace $0x90000057  }
0xc5: {  	_ =	sfence  }
0xc6: {  	s30 =	sld [smem:$0x0];
	_ =	sdelay $0x2  }
0xc7: {  	s31 =	sshll.u32 s1, $0xD;
	s1 =	sshrl.u32 s1, $0x2  }
0xc8: {  	s4 =	sand.u32 $0x4000, s31;
	s1 =	sadd.s32 s1, s30  }
0xc9: {  	s0 =	sor.u32 s4, s0;
	s1 =	sshll.u32 s1, $0x11  }
0xca: {  	s0 =	sor.u32 s1, s0  }
0xcb: {  	s0 =	sadd.s32 $0x8F2B, s0  }
0xcc: {  	[sflag:s0] =	ssyncadd.remote.s32 $0x1  }
0xcd: {  	_ =	sfence.sel $0xFFFF  }
0xce: {  	[dreg:$0x0] =	wrdreg $0xFFFFFFFF;
	(pc) =	sbr.abs _section_cstart, $3  }
0xcf: {  	[dreg:$0x1] =	wrdreg $0xFFFFFFFF  }
0xd0: {  	_ =	task.clear_ibuf [dreg:s22], $0x2FFFF;
	_ =	strace $0x9FFFFFFF  }
0xd1: {  	(tm) =	ssettm $0x7FFFFFFF  }
tec
execute0_lowered:
.L_overlay_start_1:
0x0: {  	(tag) =	ssettag $0x1  }
0x1: {  	s5 =	rddreg [dreg:$0x0]  }
0x2: {  	s2 =	rddreg [dreg:$0x1]  }
0x3: {  	s0 =	rddreg [dreg:$0x2]  }
0x4: {  	s4 =	srdreg.scid;
	s1 =	stileid.u32  }
0x5: {  	s3 =	simm.s32 $0x0;
	s17 =	simm.s32 $0x1;
	s18 =	simm.s32 $0x6800  }
0x6: {  	s19 =	simm.s32 $0x50;
	s20 =	simm.s32 $0x2;
	s21 =	simm.s32 $0x3E00  }
0x7: {  	s22 =	simm.s32 $0x0;
	s7 =	sand.u32 $0x1, s4;
	s9 =	smul.u32 $0x14000, s1  }
0x8: {  	s23 =	sshll.u32 s1, $0x1;
	[smem:$0x7FF] =	sst s3;
	s14 =	smul.u32 $0x50000, s1  }
0x9: {  	s10 =	sadd.s32 $0xE1E00, s5;
	s11 =	sadd.s32 $0x1D95800, s5;
	s28 =	smul.u32 $0x4E200, s1  }
0xa: {  	s31 =	sshll.u32 s1, $0x6;
	s6 =	sor.u32 s7, s23;
	s8 =	smul.u32 $0x140000, s7  }
0xb: {  	_ =	strace $0x80000056;
	s24 =	ssub.s32 $0x2, s7;
	s29 =	smul.u32 $0x27100, s7  }
0xc: {  	s4 =	sshll.u32 s6, $0xB;
	s13 =	sshrl.u32 s24, $0x1;
	s25 =	smul.u32 $0x27100, s6  }
0xd: {  	s26 =	sshrl.u32 s14, $0x2;
	s14 =	sor.u32 $0x1C03, s31;
	s12 =	sadd.s32 s4, s5  }
0xe: {  	s4 =	sadd.s32 $0x2F600, s5;
	s8 =	sadd.s32 s9, s8;
	s13 =	ssub.s32 s24, s13  }
0xf: {  	s16 =	sadd.s32 s26, s2;
	s8 =	sshrl.u32 s8, $0x3;
	s6 =	sadd.s32 s10, s25  }
0x10: {  	s10 =	sadd.s32 s28, s10;
	s15 =	sadd.s32 s8, s5;
	s5 =	sadd.s32 $0xD1E00, s12  }
0x11: {  	s8 =	sadd.s32 s11, s25;
	s30 =	sadd.s32 s29, s10;
	s12 =	sadd.s32 s28, s11  }
0x12: {  	s10 =	smax.u32 s13, $0x1;
	s13 =	simm.s32 $0x3;
	s7 =	sadd.s32 $0x5C3E00, s15  }
0x13: {  	s9 =	sadd.s32 $0x613E00, s15;
	s11 =	sadd.s32 $0xA00, s30;
	s12 =	sadd.s32 s29, s12  }
0x14: {  	s15 =	sshrl.u32 s16, $0x3;
	s16 =	simm.s32 $0x4000;
	s12 =	sadd.s32 $0xA00, s12  }
.LBB2_1:
0x15: {  	[tilespmem:s3], [sflag:$0x3] =	stream.linear.gather [hbm4b:s5+s3], $0x3E80, $0x38;
	[tilespmem:$0x1D000] =	vst v63  }
0x16: {  	_ =	swait.ge [sflag:s13], $0x3E80  }
0x17: {  	[sflag:s13] =	ssyncset.done $0x0  }
0x18: {  	[sflag:s13] =	ssyncadd.s32 $0xFFFFC180  }
0x19: {  	[spmem:s15], [sflag:s14] =	dma.local [hbm:s4], $0x2800  }
0x1a: {  	_ =	swait.ge [sflag:s13], $0x2800  }
0x1b: {  	[sflag:s13] =	ssyncset.done $0x0  }
0x1c: {  	[sflag:s13] =	ssyncadd.s32 $0xFFFFD800  }
0x1d: {  	[bflag:$0x0] =	sbarrier.arrive $0xFFFF  }
0x1e: {  	[tilespmem:s16], [sflag:$0x1] =	stream.linear.gather [hbm4b:s6+s3], $0x2800, $0x38;
	[tilespmem:$0x1D000] =	vst v63  }
0x1f: {  	_ =	swait.ge [sflag:s17], $0x2800  }
0x20: {  	[sflag:s17] =	ssyncset.done $0x0  }
0x21: {  	s23 =	sadd.s32 $0xFFFFFB00, s11;
	[sflag:s17] =	ssyncadd.s32 $0xFFFFD800  }
0x22: {  	[tilespmem:s18], [sflag:$0x2] =	stream.linear.gather [hbm4b:s23+s3], $0x2800, $0x38;
	[tilespmem:$0x1D000] =	vst v63  }
0x23: {  	s30 =	simm.s32 $0x0  }
0x24: {  	[spmem:s2] =	stream.indirect.scatter.add.f32 [tilespmem:s16], [sflag:$0x3], $0x80, s30, s19, $0xb8;
	[tilespmem:$0x1D000] =	vst v63  }
0x25: {  	_ =	swait.ge [sflag:s13], $0x2800  }
0x26: {  	[sflag:s13] =	ssyncset.done $0x0  }
0x27: {  	[sflag:s13] =	ssyncadd.s32 $0xFFFFD800  }
0x28: {  	_ =	swait.ge [sflag:s20], $0x2800  }
0x29: {  	[sflag:s20] =	ssyncset.done $0x0  }
0x2a: {  	[sflag:s20] =	ssyncadd.s32 $0xFFFFD800  }
0x2b: {  	[tilespmem:s16], [sflag:$0x1] =	stream.linear.gather [hbm4b:s11+s3], $0x2800, $0x38;
	[tilespmem:$0x1D000] =	vst v63  }
0x2c: {  	s31 =	simm.s32 $0x80  }
0x2d: {  	[spmem:s2] =	stream.indirect.scatter.add.f32 [tilespmem:s18], [sflag:$0x3], $0x80, s31, s19, $0xb8;
	[tilespmem:$0x1D000] =	vst v63  }
0x2e: {  	_ =	swait.ge [sflag:s13], $0x2800  }
0x2f: {  	[sflag:s13] =	ssyncset.done $0x0  }
0x30: {  	[sflag:s13] =	ssyncadd.s32 $0xFFFFD800  }
0x31: {  	s24 =	simm.s32 $0x400;
	_ =	swait.ge [sflag:s17], $0x2800  }
0x32: {  	s25 =	simm.s32 $0x800;
	s23 =	sadd.s32 $0xA00, s11;
	[sflag:s17] =	ssyncset.done $0x0  }
.LBB2_2:
0x33: {  	p0 =	sne.s32 s25, $0xF400;
	s26 =	sadd.s32 $0xFFFFFB00, s23;
	[sflag:s17] =	ssyncadd.s32 $0xFFFFD800  }
0x34: {  	[tilespmem:s18], [sflag:$0x2] =	stream.linear.gather [hbm4b:s26+s3], $0x2800, $0x38;
	[tilespmem:$0x1D000] =	vst v63  }
0x35: {  	s26 =	sshra.s32 s24, $0x2;
	s24 =	smov.u32 s25;
	s25 =	sadd.s32 $0x400, s25  }
0x36: {  	[spmem:s2] =	stream.indirect.scatter.add.f32 [tilespmem:s16], [sflag:$0x3], $0x80, s26, s19, $0xb8;
	[tilespmem:$0x1D000] =	vst v63  }
0x37: {  	_ =	swait.ge [sflag:s13], $0x2800  }
0x38: {  	[sflag:s13] =	ssyncset.done $0x0  }
0x39: {  	[sflag:s13] =	ssyncadd.s32 $0xFFFFD800  }
0x3a: {  	_ =	swait.ge [sflag:s20], $0x2800  }
0x3b: {  	[sflag:s20] =	ssyncset.done $0x0  }
0x3c: {  	[sflag:s20] =	ssyncadd.s32 $0xFFFFD800  }
0x3d: {  	[tilespmem:s16], [sflag:$0x1] =	stream.linear.gather [hbm4b:s23+s3], $0x2800, $0x38;
	[tilespmem:$0x1D000] =	vst v63  }
0x3e: {  	s26 =	sadd.s32 $0x80, s26  }
0x3f: {  	[spmem:s2] =	stream.indirect.scatter.add.f32 [tilespmem:s18], [sflag:$0x3], $0x80, s26, s19, $0xb8;
	[tilespmem:$0x1D000] =	vst v63  }
.Ltmp0:
0x40: {  	_ =	swait.ge [sflag:s13], $0x2800;
	(pc) =	sbr.rel @p0 .LBB2_2-.Ltmp0, $4  }
0x41: {  	[sflag:s13] =	ssyncset.done $0x0  }
0x42: {  	[sflag:s13] =	ssyncadd.s32 $0xFFFFD800  }
0x43: {  	_ =	swait.ge [sflag:s17], $0x2800  }
0x44: {  	s23 =	sadd.s32 $0xA00, s23;
	[sflag:s17] =	ssyncset.done $0x0  }
0x45: {  	s25 =	sadd.s32 $0xFFFFFB00, s23;
	[sflag:s17] =	ssyncadd.s32 $0xFFFFD800  }
0x46: {  	[tilespmem:s18], [sflag:$0x2] =	stream.linear.gather [hbm4b:s25+s3], $0x2800, $0x38;
	[tilespmem:$0x1D000] =	vst v63  }
0x47: {  	s24 =	sshra.s32 s24, $0x2  }
0x48: {  	[spmem:s2] =	stream.indirect.scatter.add.f32 [tilespmem:s16], [sflag:$0x3], $0x80, s24, s19, $0xb8;
	[tilespmem:$0x1D000] =	vst v63  }
0x49: {  	_ =	swait.ge [sflag:s13], $0x2800  }
0x4a: {  	[sflag:s13] =	ssyncset.done $0x0  }
0x4b: {  	[sflag:s13] =	ssyncadd.s32 $0xFFFFD800  }
0x4c: {  	_ =	swait.ge [sflag:s20], $0x2800  }
0x4d: {  	[sflag:s20] =	ssyncset.done $0x0  }
0x4e: {  	[sflag:s20] =	ssyncadd.s32 $0xFFFFD800  }
0x4f: {  	[tilespmem:s16], [sflag:$0x1] =	stream.linear.gather [hbm4b:s23+s3], $0x2800, $0x38;
	[tilespmem:$0x1D000] =	vst v63  }
0x50: {  	s26 =	sadd.s32 $0x80, s24  }
0x51: {  	[spmem:s2] =	stream.indirect.scatter.add.f32 [tilespmem:s18], [sflag:$0x3], $0x80, s26, s19, $0xb8;
	[tilespmem:$0x1D000] =	vst v63  }
0x52: {  	_ =	swait.ge [sflag:s13], $0x2800  }
0x53: {  	[sflag:s13] =	ssyncset.done $0x0  }
0x54: {  	[sflag:s13] =	ssyncadd.s32 $0xFFFFD800  }
0x55: {  	_ =	swait.ge [sflag:s17], $0x2800  }
0x56: {  	[sflag:s17] =	ssyncset.done $0x0  }
0x57: {  	[sflag:s17] =	ssyncadd.s32 $0xFFFFD800  }
0x58: {  	[spmem:s2] =	stream.indirect.scatter.add.f32 [tilespmem:s16], [sflag:$0x3], $0x80, s21, s19, $0xb8;
	[tilespmem:$0x1D000] =	vst v63  }
0x59: {  	_ =	swait.ge [sflag:s13], $0x2800  }
0x5a: {  	[sflag:s13] =	ssyncset.done $0x0  }
0x5b: {  	[sflag:s13] =	ssyncadd.s32 $0xFFFFD800  }
0x5c: {  	[bflag:$0x0] =	sbarrier.arrive $0xFFFF  }
0x5d: {  	[hbm:s7], [sflag:s14] =	dma.local [spmem:s15], $0x2800  }
0x5e: {  	_ =	swait.ge [sflag:s13], $0x2800  }
0x5f: {  	[sflag:s13] =	ssyncset.done $0x0  }
0x60: {  	[sflag:s13] =	ssyncadd.s32 $0xFFFFD800  }
0x61: {  	[spmem:s15], [sflag:s14] =	dma.local [hbm:s4], $0x2800  }
0x62: {  	_ =	swait.ge [sflag:s13], $0x2800  }
0x63: {  	[sflag:s13] =	ssyncset.done $0x0  }
0x64: {  	[sflag:s13] =	ssyncadd.s32 $0xFFFFD800  }
0x65: {  	s28 =	simm.s32 $0x0;
	[bflag:$0x0] =	sbarrier.arrive $0xFFFF  }
0x66: {  	[tilespmem:s16], [sflag:$0x1] =	stream.linear.gather [hbm4b:s8+s28], $0x2800, $0x38;
	[tilespmem:$0x1D000] =	vst v63  }
0x67: {  	_ =	swait.ge [sflag:s17], $0x2800  }
0x68: {  	[sflag:s17] =	ssyncset.done $0x0  }
0x69: {  	s29 =	sadd.s32 $0xFFFFFB00, s12;
	[sflag:s17] =	ssyncadd.s32 $0xFFFFD800  }
0x6a: {  	[tilespmem:s18], [sflag:$0x2] =	stream.linear.gather [hbm4b:s29+s3], $0x2800, $0x38;
	[tilespmem:$0x1D000] =	vst v63  }
0x6b: {  	s30 =	simm.s32 $0x0  }
0x6c: {  	[spmem:s2] =	stream.indirect.scatter.add.f32 [tilespmem:s16], [sflag:$0x3], $0x80, s30, s19, $0xb8;
	[tilespmem:$0x1D000] =	vst v63  }
0x6d: {  	_ =	swait.ge [sflag:s13], $0x2800  }
0x6e: {  	[sflag:s13] =	ssyncset.done $0x0  }
0x6f: {  	[sflag:s13] =	ssyncadd.s32 $0xFFFFD800  }
0x70: {  	_ =	swait.ge [sflag:s20], $0x2800  }
0x71: {  	[sflag:s20] =	ssyncset.done $0x0  }
0x72: {  	[sflag:s20] =	ssyncadd.s32 $0xFFFFD800  }
0x73: {  	[tilespmem:s16], [sflag:$0x1] =	stream.linear.gather [hbm4b:s12+s3], $0x2800, $0x38;
	[tilespmem:$0x1D000] =	vst v63  }
0x74: {  	s31 =	simm.s32 $0x80  }
0x75: {  	[spmem:s2] =	stream.indirect.scatter.add.f32 [tilespmem:s18], [sflag:$0x3], $0x80, s31, s19, $0xb8;
	[tilespmem:$0x1D000] =	vst v63  }
0x76: {  	_ =	swait.ge [sflag:s13], $0x2800  }
0x77: {  	[sflag:s13] =	ssyncset.done $0x0  }
0x78: {  	[sflag:s13] =	ssyncadd.s32 $0xFFFFD800  }
0x79: {  	s25 =	simm.s32 $0x800;
	_ =	swait.ge [sflag:s17], $0x2800  }
0x7a: {  	s24 =	simm.s32 $0x400;
	s23 =	sadd.s32 $0xA00, s12;
	[sflag:s17] =	ssyncset.done $0x0  }
.LBB2_4:
0x7b: {  	p0 =	sne.s32 s25, $0xF400;
	s26 =	sadd.s32 $0xFFFFFB00, s23;
	[sflag:s17] =	ssyncadd.s32 $0xFFFFD800  }
0x7c: {  	[tilespmem:s18], [sflag:$0x2] =	stream.linear.gather [hbm4b:s26+s3], $0x2800, $0x38;
	[tilespmem:$0x1D000] =	vst v63  }
0x7d: {  	s26 =	sshra.s32 s24, $0x2;
	s24 =	smov.u32 s25;
	s25 =	sadd.s32 $0x400, s25  }
0x7e: {  	[spmem:s2] =	stream.indirect.scatter.add.f32 [tilespmem:s16], [sflag:$0x3], $0x80, s26, s19, $0xb8;
	[tilespmem:$0x1D000] =	vst v63  }
0x7f: {  	_ =	swait.ge [sflag:s13], $0x2800  }
0x80: {  	[sflag:s13] =	ssyncset.done $0x0  }
0x81: {  	[sflag:s13] =	ssyncadd.s32 $0xFFFFD800  }
0x82: {  	_ =	swait.ge [sflag:s20], $0x2800  }
0x83: {  	[sflag:s20] =	ssyncset.done $0x0  }
0x84: {  	[sflag:s20] =	ssyncadd.s32 $0xFFFFD800  }
0x85: {  	[tilespmem:s16], [sflag:$0x1] =	stream.linear.gather [hbm4b:s23+s3], $0x2800, $0x38;
	[tilespmem:$0x1D000] =	vst v63  }
0x86: {  	s26 =	sadd.s32 $0x80, s26  }
0x87: {  	[spmem:s2] =	stream.indirect.scatter.add.f32 [tilespmem:s18], [sflag:$0x3], $0x80, s26, s19, $0xb8;
	[tilespmem:$0x1D000] =	vst v63  }
.Ltmp1:
0x88: {  	_ =	swait.ge [sflag:s13], $0x2800;
	(pc) =	sbr.rel @p0 .LBB2_4-.Ltmp1, $4  }
0x89: {  	[sflag:s13] =	ssyncset.done $0x0  }
0x8a: {  	[sflag:s13] =	ssyncadd.s32 $0xFFFFD800  }
0x8b: {  	_ =	swait.ge [sflag:s17], $0x2800  }
0x8c: {  	s23 =	sadd.s32 $0xA00, s23;
	[sflag:s17] =	ssyncset.done $0x0  }
0x8d: {  	s25 =	sadd.s32 $0xFFFFFB00, s23;
	[sflag:s17] =	ssyncadd.s32 $0xFFFFD800  }
0x8e: {  	[tilespmem:s18], [sflag:$0x2] =	stream.linear.gather [hbm4b:s25+s3], $0x2800, $0x38;
	[tilespmem:$0x1D000] =	vst v63  }
0x8f: {  	s24 =	sshra.s32 s24, $0x2  }
0x90: {  	[spmem:s2] =	stream.indirect.scatter.add.f32 [tilespmem:s16], [sflag:$0x3], $0x80, s24, s19, $0xb8;
	[tilespmem:$0x1D000] =	vst v63  }
0x91: {  	_ =	swait.ge [sflag:s13], $0x2800  }
0x92: {  	[sflag:s13] =	ssyncset.done $0x0  }
0x93: {  	[sflag:s13] =	ssyncadd.s32 $0xFFFFD800  }
0x94: {  	_ =	swait.ge [sflag:s20], $0x2800  }
0x95: {  	[sflag:s20] =	ssyncset.done $0x0  }
0x96: {  	[sflag:s20] =	ssyncadd.s32 $0xFFFFD800  }
0x97: {  	[tilespmem:s16], [sflag:$0x1] =	stream.linear.gather [hbm4b:s23+s3], $0x2800, $0x38;
	[tilespmem:$0x1D000] =	vst v63  }
0x98: {  	s31 =	sadd.s32 $0x80, s24  }
0x99: {  	[spmem:s2] =	stream.indirect.scatter.add.f32 [tilespmem:s18], [sflag:$0x3], $0x80, s31, s19, $0xb8;
	[tilespmem:$0x1D000] =	vst v63  }
0x9a: {  	_ =	swait.ge [sflag:s13], $0x2800  }
0x9b: {  	[sflag:s13] =	ssyncset.done $0x0  }
0x9c: {  	[sflag:s13] =	ssyncadd.s32 $0xFFFFD800  }
0x9d: {  	_ =	swait.ge [sflag:s17], $0x2800  }
0x9e: {  	[sflag:s17] =	ssyncset.done $0x0  }
0x9f: {  	[sflag:s17] =	ssyncadd.s32 $0xFFFFD800  }
0xa0: {  	[spmem:s2] =	stream.indirect.scatter.add.f32 [tilespmem:s16], [sflag:$0x3], $0x80, s21, s19, $0xb8;
	[tilespmem:$0x1D000] =	vst v63  }
0xa1: {  	_ =	swait.ge [sflag:s13], $0x2800  }
0xa2: {  	s22 =	sadd.s32 $0x1, s22;
	[sflag:s13] =	ssyncset.done $0x0  }
0xa3: {  	p0 =	sne.s32 s22, s10;
	[sflag:s13] =	ssyncadd.s32 $0xFFFFD800  }
.Ltmp2:
0xa4: {  	[bflag:$0x0] =	sbarrier.arrive $0xFFFF;
	(pc) =	sbr.rel @p0 .LBB2_1-.Ltmp2, $4  }
0xa5: {  	[hbm:s9], [sflag:s14] =	dma.local [spmem:s15], $0x2800  }
0xa6: {  	_ =	swait.ge [sflag:s13], $0x2800  }
0xa7: {  	[sflag:s13] =	ssyncset.done $0x0  }
0xa8: {  	[sflag:s13] =	ssyncadd.s32 $0xFFFFD800  }
0xa9: {  	_ =	sfence.sel $0x180000  }
0xaa: {  	[bflag:$0x0] =	sbarrier.arrive $0xFFFF  }
0xab: {  	p0 =	sne.s32 s1, $0x0;
	_ =	strace $0x90000056  }
0xac: {  	s0 =	sadd.s32 @!p0 $0x100000, s0;
	[bflag:$0x2] =	sbarrier.arrive $0xFFFF  }
0xad: {  	[sflag:s0] =	ssyncadd.tile.s32 @!p0 $0x1;
	_ =	shalt  }
.Lfunc_end2:
_tile_overlayer_lowered:
.L_overlay_start_2:
0xae: {  	(tag) =	ssettag $0x2  }
0xaf: {  	s0 =	rddreg [dreg:$0x0];
	s2 =	stileid.u32  }
0xb0: {  	s1 =	rddreg [dreg:$0x1];
	p0 =	sne.s32 s2, $0x0  }
0xb1: {  	s3 =	rddreg [dreg:$0x2];
	[bflag:$0x3] =	sbarrier.arrive $0xFFFF;
	s2 =	simm.s32 @!p0 $0x1C03  }
0xb2: {  	[timem:s3], [sflag:s2] =	dma.local @!p0 [hbm:s0], s1  }
0xb3: {  	s0 =	simm.s32 @!p0 $0x3  }
0xb4: {  	_ =	swait.ge @!p0 [sflag:s0], s1  }
0xb5: {  	s1 =	ssub.s32 @!p0 $0x0, s1;
	[sflag:s0] =	ssyncset.done @!p0 $0x0  }
0xb6: {  	[sflag:s0] =	ssyncadd.s32 @!p0 s1  }
0xb7: {  	[bflag:$0x3] =	sbarrier.arrive $0xFFFF  }
0xb8: {  	_ =	shalt  }

// kernel: kernel.28.cloned.1.call-start
scs
__scs_entry_jumppad:
0x0: {  	(pc) =	sbr.rel $0x88, $3  }
0x1: {  	(tag) =	ssettag $0x0;
	lr =	simm.s32 $0x1  }
0x2: {  	[smem:$0x3F80] =	sst lr;
	_ =	strace $0xD0000000  }
0x3: {  	_ = 	snop  }
0x4: {  	_ = 	snop  }
0x5: {  	_ = 	snop  }
0x6: {  	_ = 	snop  }
0x7: {  	_ = 	snop  }
__scs_overlays_trampoline_lowered:
0x8: {  	[smem:$0x3F8F] =	sst s0  }
0x9: {  	[smem:$0x3F90] =	sst s1  }
0xa: {  	[smem:$0x3F91] =	sst s2  }
0xb: {  	[smem:$0x3F92] =	sst s3  }
0xc: {  	[smem:$0x3F93] =	sst s4  }
0xd: {  	[smem:$0x3F94] =	sst s5  }
0xe: {  	[smem:$0x3F95] =	sst s6  }
0xf: {  	[smem:$0x3F96] =	sst s7  }
0x10: {  	[smem:$0x3F97] =	sst s8  }
0x11: {  	[smem:$0x3F98] =	sst s9;
	s0 =	simm.s32 @!p0 $0x0  }
0x12: {  	s1 =	sld [smem:$0x3F7E];
	s0 =	simm.s32 @p0 $0x1  }
0x13: {  	[smem:$0x3F99] =	sst s0;
	s0 =	simm.s32 @!p1 $0x0  }
0x14: {  	s2 =	sld [smem:$0x3F7D];
	s0 =	simm.s32 @p1 $0x1  }
0x15: {  	[smem:$0x3F9A] =	sst s0;
	s0 =	simm.s32 @!p2 $0x0  }
0x16: {  	s3 =	sld [smem:$0x3FDB];
	s0 =	simm.s32 @p2 $0x1  }
0x17: {  	s4 =	simm.s32 $0x1BF5;
	[smem:$0x3F9C] =	sst s0  }
0x18: {  	s0 =	sld [smem:$0x3F7F];
	_ =	swait.ge [sflag:s4], $0x0  }
0x19: {  	s7 =	sld [smem:$0x3F80]  }
0x1a: {  	s8 =	sadd.s32 $0xFFFFE003, lr  }
0x1b: {  	s9 =	sadd.s32 $0xFFFFFEF7, lr;
	s5 =	simm.s32 $0xFFFFFFFF;
	p2 =	slt.u32 s8, $0xFFFFF086  }
0x1c: {  	p1 =	slt.u32 s9, $0xF7A;
	s5 =	simm.s32 @!p2 $0x0  }
0x1d: {  	s5 =	simm.s32 @p1 $0x1;
	p0 =	seq.s32 s7, s2  }
0x1e: {  	s7 =	smul.u32 @!p0 $0xF7A, s2;
	p2 =	seq.s32 @!p0 s5, $0x0  }
0x1f: {  	s9 =	smul.u32 $0xF7A, s1;
	s8 =	simm.s32 @!p0 $0x1BF5;
	p2 =	por !p2, p0  }
0x20: {  	[sflag:s8] =	ssyncset.s32 @!p0 $0xFFFFF086;
	s6 =	sadd.s32 @!p0 s3, s7;
	s7 =	simm.s32 @!p0 $0x108  }
0x21: {  	s3 =	sadd.s32 s3, s9;
	s6 =	sadd.s32 @!p0 $0x88, s6;
	s7 =	simm.s32 @p2 $0x1082  }
0x22: {  	[simem:s7], [sflag:s8] =	dma.local @!p0 [hbm:s6], $0xF7A  }
0x23: {  	s9 =	sor.u32 $0xD0000000, s2;
	s6 =	simm.s32 $0x108;
	_ =	swait.ge @!p0 [sflag:s8], $0x0  }
0x24: {  	s3 =	sadd.s32 $0x88, s3;
	s6 =	simm.s32 @!p1 $0x1082;
	[sflag:s4] =	ssyncset.s32 $0xFFFFF086  }
0x25: {  	[simem:s6], [sflag:s4] =	dma.local [hbm:s3], $0xF7A  }
0x26: {  	[smem:$0x3F80] =	sst s1;
	(tag) =	ssettag s2;
	_ =	strace s9  }
0x27: {  	s1 =	sld [smem:$0x3F90]  }
0x28: {  	s2 =	sld [smem:$0x3F91]  }
0x29: {  	s4 =	sld [smem:$0x3F93]  }
0x2a: {  	p0 =	seq.s32 s5, $0x0;
	s5 =	sld [smem:$0x3F94]  }
0x2b: {  	s6 =	sld [smem:$0x3F95]  }
0x2c: {  	s7 =	sld [smem:$0x3F96]  }
0x2d: {  	s3 =	simm.s32 $0x108;
	s8 =	sld [smem:$0x3F97]  }
0x2e: {  	s3 =	simm.s32 @!p0 $0x1082;
	s9 =	sld [smem:$0x3F98]  }
0x2f: {  	lr =	sadd.s32 s0, s3;
	s0 =	sld [smem:$0x3F8F]  }
0x30: {  	s3 =	sld [smem:$0x3F92]  }
0x31: {  	[smem:$0x3F9B] =	sst s10  }
0x32: {  	s10 =	sld [smem:$0x3F99];
	_ =	sdelay $0x3  }
0x33: {  	p0 =	seq.s32 s10, $0x1;
	s10 =	sld [smem:$0x3F9B];
	_ =	sdelay $0x3  }
0x34: {  	[smem:$0x3F9B] =	sst s10  }
0x35: {  	s10 =	sld [smem:$0x3F9A];
	_ =	sdelay $0x3  }
0x36: {  	p1 =	seq.s32 s10, $0x1;
	s10 =	sld [smem:$0x3F9B];
	_ =	sdelay $0x3  }
0x37: {  	[smem:$0x3F9B] =	sst s10  }
0x38: {  	s10 =	sld [smem:$0x3F9C]  }
0x39: {  	_ = 	snop;
	(pc) =	sbr.ind lr, $3  }
0x3a: {  	_ = 	snop  }
0x3b: {  	_ = 	snop  }
0x3c: {  	p2 =	seq.s32 s10, $0x1;
	s10 =	sld [smem:$0x3F9B]  }
0x3d: {  	_ =	shalt  }
0x3e: {  	_ =	shalt  }
0x3f: {  	_ =	shalt  }
0x40: {  	_ =	shalt  }
0x41: {  	_ =	shalt  }
0x42: {  	_ =	shalt  }
0x43: {  	_ =	shalt  }
0x44: {  	_ =	shalt  }
0x45: {  	_ =	shalt  }
0x46: {  	_ =	shalt  }
0x47: {  	_ =	shalt  }
0x48: {  	_ =	shalt  }
0x49: {  	_ =	shalt  }
0x4a: {  	_ =	shalt  }
0x4b: {  	_ =	shalt  }
0x4c: {  	_ =	shalt  }
0x4d: {  	_ =	shalt  }
0x4e: {  	_ =	shalt  }
0x4f: {  	_ =	shalt  }
0x50: {  	_ =	shalt  }
0x51: {  	_ =	shalt  }
0x52: {  	_ =	shalt  }
0x53: {  	_ =	shalt  }
0x54: {  	_ =	shalt  }
0x55: {  	_ =	shalt  }
0x56: {  	_ =	shalt  }
0x57: {  	_ =	shalt  }
0x58: {  	_ =	shalt  }
0x59: {  	_ =	shalt  }
0x5a: {  	_ =	shalt  }
0x5b: {  	_ =	shalt  }
0x5c: {  	_ =	shalt  }
0x5d: {  	_ =	shalt  }
0x5e: {  	_ =	shalt  }
0x5f: {  	_ =	shalt  }
0x60: {  	_ =	shalt  }
0x61: {  	_ =	shalt  }
0x62: {  	_ =	shalt  }
0x63: {  	_ =	shalt  }
0x64: {  	_ =	shalt  }
0x65: {  	_ =	shalt  }
0x66: {  	_ =	shalt  }
0x67: {  	_ =	shalt  }
0x68: {  	_ =	shalt  }
0x69: {  	_ =	shalt  }
0x6a: {  	_ =	shalt  }
0x6b: {  	_ =	shalt  }
0x6c: {  	_ =	shalt  }
0x6d: {  	_ =	shalt  }
0x6e: {  	_ =	shalt  }
0x6f: {  	_ =	shalt  }
0x70: {  	_ =	shalt  }
0x71: {  	_ =	shalt  }
0x72: {  	_ =	shalt  }
0x73: {  	_ =	shalt  }
0x74: {  	_ =	shalt  }
0x75: {  	_ =	shalt  }
0x76: {  	_ =	shalt  }
0x77: {  	_ =	shalt  }
0x78: {  	_ =	shalt  }
0x79: {  	_ =	shalt  }
0x7a: {  	_ =	shalt  }
0x7b: {  	_ =	shalt  }
0x7c: {  	_ =	shalt  }
0x7d: {  	_ =	shalt  }
0x7e: {  	_ =	shalt  }
0x7f: {  	_ =	shalt  }
0x80: {  	_ =	shalt  }
0x81: {  	_ =	shalt  }
0x82: {  	_ =	shalt  }
0x83: {  	_ =	shalt  }
0x84: {  	_ =	shalt  }
0x85: {  	_ =	shalt  }
0x86: {  	_ =	shalt  }
0x87: {  	_ =	shalt  }
.Lfunc_end0:
.L_simem_size_0:
called_computation.5_lowered:
.L_overlay_start_0:
0x88: {  	s2 =	sld [smem:$0x3FD9]  }
0x89: {  	s3 =	sld [smem:$0x3FFE];
	_ =	sdelay $0x1  }
0x8a: {  	s1 =	srdreg.scid  }
0x8b: {  	s0 =	sand.u32 $0x1, s1  }
0x8c: {  	s17 =	sshll.u32 s0, $0xA;
	s2 =	sadd.s32 s3, s2  }
0x8d: {  	s2 =	sadd.s32 s2, s17  }
0x8e: {  	[smem:$0x3FA7] =	sst s2  }
0x8f: {  	_ = 	snop  }
0x90: {  	(tm) =	ssettm $0x1  }
0x91: {  	s18 =	sld [smem:$0x3FFB];
	_ =	sdelay $0x3  }
0x92: {  	_ =	strace s18  }
0x93: {  	s2 =	sld [smem:$0x3FFC];
	_ =	sdelay $0x3  }
0x94: {  	_ =	strace s2  }
0x95: {  	s2 =	sld [smem:$0x3FFD];
	_ =	sdelay $0x3  }
0x96: {  	_ =	strace s2  }
0x97: {  	_ =	strace $0x8FFFFFFF  }
0x98: {  	s19 =	sld [smem:$0x3FDB];
	_ =	sdelay $0x1  }
0x99: {  	s20 =	simm.s32 $_scs_section_size  }
0x9a: {  	s4 =	simm.s32 $_size__tile_overlayer_lowered;
	s5 =	simm.s32 $_tile_overlayer_lowered  }
0x9b: {  	s6 =	simm.s32 $0x1BFF;
	s21 =	sshll.u32 s5, $0x1;
	s3 =	sadd.s32 s20, s19  }
0x9c: {  	s22 =	simm.s32 $0x0;
	s4 =	sshll.u32 s4, $0x1;
	s5 =	sadd.s32 s21, s3  }
0x9d: {  	[timem:s22], [sflag:s6] =	dma.local [hbm:s5], s4  }
0x9e: {  	_ =	swait.ge [sflag:s6], s4  }
0x9f: {  	s4 =	ssub.s32 $0x0, s4;
	[sflag:s6] =	ssyncset.done $0x0  }
0xa0: {  	[sflag:s6] =	ssyncadd.s32 s4;
	_ =	sdelay $0x1  }
0xa1: {  	s23 =	simm.s32 $0x1B8B  }
0xa2: {  	_ =	swait.ge [sflag:s23], $0x1  }
0xa3: {  	[sflag:s23] =	ssyncset.done $0x0  }
0xa4: {  	[sflag:s23] =	ssyncadd.s32 $0xFFFFFFFF  }
0xa5: {  	s4 =	sld [smem:$0x0]  }
0xa6: {  	s5 =	sand.u32 $0xFFFFFFFE, s1  }
0xa7: {  	p0 =	sne.s32 s1, s5  }
0xa8: {  	s5 =	sshll.u32 @p0 s5, $0xE  }
0xa9: {  	s5 =	sadd.s32 @p0 $0x11B8D, s5;
	s6 =	sshll.u32 @p0 s4, $0x11  }
0xaa: {  	s5 =	sor.u32 @p0 s6, s5  }
0xab: {  	[sflag:s5] =	ssyncadd.remote.s32 @p0 $0x1;
	_ =	sdelay $0x1  }
0xac: {  	s5 =	simm.s32 @p0 $0x1B8D  }
0xad: {  	_ =	swait.eq @p0 [sflag:s5], $0x1  }
0xae: {  	[sflag:s5] =	ssyncadd.s32 @p0 $0xFFFFFFFF  }
0xaf: {  	s6 =	sshll.u32 @!p0 s1, $0xE  }
0xb0: {  	s6 =	sor.u32 @!p0 $0x4000, s6;
	s5 =	simm.s32 @!p0 $0x1B8D  }
0xb1: {  	s4 =	sshll.u32 @!p0 s4, $0x11;
	s6 =	sadd.s32 @!p0 $0x11B8D, s6;
	_ =	swait.eq @!p0 [sflag:s5], $0x1  }
0xb2: {  	s4 =	sor.u32 @!p0 s4, s6;
	[sflag:s5] =	ssyncadd.s32 @!p0 $0xFFFFFFFF  }
0xb3: {  	s25 =	simm.s32 $0x1B8E;
	s24 =	sld [smem:$0x3FFE];
	[sflag:s4] =	ssyncadd.remote.s32 @!p0 $0x1  }
0xb4: {  	s26 =	simm.s32 $execute0_lowered;
	[smem:$0x3FD2] =	sst s25  }
0xb5: {  	s5 =	sshll.u32 s26, $0x1;
	_ =	strace $0x80000052;
	[dreg:$0x1] =	wrdreg $0xFFFFFFFF  }
0xb6: {  	s28 =	simm.s32 $_size_execute0_lowered;
	s3 =	sadd.s32 s3, s5;
	[dreg:$0x0] =	wrdreg $0x0  }
0xb7: {  	s5 =	sshll.u32 s28, $0x1;
	[dreg:$0x2] =	wrdreg s3  }
0xb8: {  	[dreg:$0x3] =	wrdreg s5  }
0xb9: {  	[dreg:$0x4] =	wrdreg $0xC0  }
0xba: {  	_ =	task [dreg:s22], $0x5FFFF  }
0xbb: {  	[dreg:$0x1] =	wrdreg $0xFFFFFFFF  }
0xbc: {  	[dreg:$0x0] =	wrdreg $0x60  }
0xbd: {  	[dreg:$0x2] =	wrdreg s24  }
0xbe: {  	[dreg:$0x3] =	wrdreg $0x90000  }
0xbf: {  	[dreg:$0x4] =	wrdreg $0xB  }
0xc0: {  	_ =	task.clear_ibuf [dreg:s22], $0x5FFFF;
	_ =	strace $0x90000052  }
0xc1: {  	s29 =	simm.s32 $0xB;
	_ =	strace $0x80000054  }
0xc2: {  	_ =	swait.ge [sflag:s29], $0x1  }
0xc3: {  	[sflag:s29] =	ssyncadd.s32 $0xFFFFFFFF  }
0xc4: {  	_ =	strace $0x90000054  }
0xc5: {  	_ =	sfence  }
0xc6: {  	s30 =	sld [smem:$0x0];
	_ =	sdelay $0x2  }
0xc7: {  	s31 =	sshll.u32 s1, $0xD;
	s1 =	sshrl.u32 s1, $0x2  }
0xc8: {  	s4 =	sand.u32 $0x4000, s31;
	s1 =	sadd.s32 s1, s30  }
0xc9: {  	s0 =	sor.u32 s4, s0;
	s1 =	sshll.u32 s1, $0x11  }
0xca: {  	s0 =	sor.u32 s1, s0  }
0xcb: {  	s0 =	sadd.s32 $0x8F2B, s0  }
0xcc: {  	[sflag:s0] =	ssyncadd.remote.s32 $0x1  }
0xcd: {  	_ =	sfence.sel $0xFFFF  }
0xce: {  	[dreg:$0x0] =	wrdreg $0xFFFFFFFF;
	(pc) =	sbr.abs _section_cstart, $3  }
0xcf: {  	[dreg:$0x1] =	wrdreg $0xFFFFFFFF  }
0xd0: {  	_ =	task.clear_ibuf [dreg:s22], $0x2FFFF;
	_ =	strace $0x9FFFFFFF  }
0xd1: {  	(tm) =	ssettm $0x7FFFFFFF  }
tec
execute0_lowered:
.L_overlay_start_1:
0x0: {  	(tag) =	ssettag $0x1  }
0x1: {  	s5 =	rddreg [dreg:$0x0]  }
0x2: {  	s2 =	rddreg [dreg:$0x1]  }
0x3: {  	s0 =	rddreg [dreg:$0x2]  }
0x4: {  	s4 =	srdreg.scid;
	s1 =	stileid.u32  }
0x5: {  	s3 =	simm.s32 $0x0;
	s17 =	simm.s32 $0x1;
	s18 =	simm.s32 $0x6800  }
0x6: {  	s19 =	simm.s32 $0x50;
	s20 =	simm.s32 $0x2;
	s21 =	simm.s32 $0x3E00  }
0x7: {  	s22 =	simm.s32 $0x0;
	s7 =	sand.u32 $0x1, s4;
	s9 =	smul.u32 $0x14000, s1  }
0x8: {  	s23 =	sshll.u32 s1, $0x1;
	s10 =	sadd.s32 $0x13D1800, s5;
	s14 =	smul.u32 $0x50000, s1  }
0x9: {  	[smem:$0x7FF] =	sst s3;
	s11 =	sadd.s32 $0x18B3800, s5;
	s28 =	smul.u32 $0x4E200, s1  }
0xa: {  	s31 =	sshll.u32 s1, $0x6;
	s6 =	sor.u32 s7, s23;
	s8 =	smul.u32 $0x140000, s7  }
0xb: {  	_ =	strace $0x80000053;
	s24 =	ssub.s32 $0x2, s7;
	s29 =	smul.u32 $0x27100, s7  }
0xc: {  	s4 =	sshll.u32 s6, $0xB;
	s13 =	sshrl.u32 s24, $0x1;
	s25 =	smul.u32 $0x27100, s6  }
0xd: {  	s26 =	sshrl.u32 s14, $0x2;
	s14 =	sor.u32 $0x1C03, s31;
	s12 =	sadd.s32 s4, s5  }
0xe: {  	s4 =	sadd.s32 $0x2F600, s5;
	s8 =	sadd.s32 s9, s8;
	s13 =	ssub.s32 s24, s13  }
0xf: {  	s16 =	sadd.s32 s26, s2;
	s8 =	sshrl.u32 s8, $0x3;
	s6 =	sadd.s32 s10, s25  }
0x10: {  	s10 =	sadd.s32 s28, s10;
	s15 =	sadd.s32 s8, s5;
	s5 =	sadd.s32 $0x13BF400, s12  }
0x11: {  	s8 =	sadd.s32 s11, s25;
	s30 =	sadd.s32 s29, s10;
	s12 =	sadd.s32 s28, s11  }
0x12: {  	s10 =	smax.u32 s13, $0x1;
	s13 =	simm.s32 $0x3;
	s7 =	sadd.s32 $0x31E00, s15  }
0x13: {  	s9 =	sadd.s32 $0x81E00, s15;
	s11 =	sadd.s32 $0xA00, s30;
	s12 =	sadd.s32 s29, s12  }
0x14: {  	s15 =	sshrl.u32 s16, $0x3;
	s16 =	simm.s32 $0x4000;
	s12 =	sadd.s32 $0xA00, s12  }
.LBB2_1:
0x15: {  	[tilespmem:s3], [sflag:$0x3] =	stream.linear.gather [hbm4b:s5+s3], $0x3E80, $0x38;
	[tilespmem:$0x1D000] =	vst v63  }
0x16: {  	_ =	swait.ge [sflag:s13], $0x3E80  }
0x17: {  	[sflag:s13] =	ssyncset.done $0x0  }
0x18: {  	[sflag:s13] =	ssyncadd.s32 $0xFFFFC180  }
0x19: {  	[spmem:s15], [sflag:s14] =	dma.local [hbm:s4], $0x2800  }
0x1a: {  	_ =	swait.ge [sflag:s13], $0x2800  }
0x1b: {  	[sflag:s13] =	ssyncset.done $0x0  }
0x1c: {  	[sflag:s13] =	ssyncadd.s32 $0xFFFFD800  }
0x1d: {  	[bflag:$0x0] =	sbarrier.arrive $0xFFFF  }
0x1e: {  	[tilespmem:s16], [sflag:$0x1] =	stream.linear.gather [hbm4b:s6+s3], $0x2800, $0x38;
	[tilespmem:$0x1D000] =	vst v63  }
0x1f: {  	_ =	swait.ge [sflag:s17], $0x2800  }
0x20: {  	[sflag:s17] =	ssyncset.done $0x0  }
0x21: {  	s23 =	sadd.s32 $0xFFFFFB00, s11;
	[sflag:s17] =	ssyncadd.s32 $0xFFFFD800  }
0x22: {  	[tilespmem:s18], [sflag:$0x2] =	stream.linear.gather [hbm4b:s23+s3], $0x2800, $0x38;
	[tilespmem:$0x1D000] =	vst v63  }
0x23: {  	s30 =	simm.s32 $0x0  }
0x24: {  	[spmem:s2] =	stream.indirect.scatter.add.f32 [tilespmem:s16], [sflag:$0x3], $0x80, s30, s19, $0xb8;
	[tilespmem:$0x1D000] =	vst v63  }
0x25: {  	_ =	swait.ge [sflag:s13], $0x2800  }
0x26: {  	[sflag:s13] =	ssyncset.done $0x0  }
0x27: {  	[sflag:s13] =	ssyncadd.s32 $0xFFFFD800  }
0x28: {  	_ =	swait.ge [sflag:s20], $0x2800  }
0x29: {  	[sflag:s20] =	ssyncset.done $0x0  }
0x2a: {  	[sflag:s20] =	ssyncadd.s32 $0xFFFFD800  }
0x2b: {  	[tilespmem:s16], [sflag:$0x1] =	stream.linear.gather [hbm4b:s11+s3], $0x2800, $0x38;
	[tilespmem:$0x1D000] =	vst v63  }
0x2c: {  	s31 =	simm.s32 $0x80  }
0x2d: {  	[spmem:s2] =	stream.indirect.scatter.add.f32 [tilespmem:s18], [sflag:$0x3], $0x80, s31, s19, $0xb8;
	[tilespmem:$0x1D000] =	vst v63  }
0x2e: {  	_ =	swait.ge [sflag:s13], $0x2800  }
0x2f: {  	[sflag:s13] =	ssyncset.done $0x0  }
0x30: {  	[sflag:s13] =	ssyncadd.s32 $0xFFFFD800  }
0x31: {  	s24 =	simm.s32 $0x400;
	_ =	swait.ge [sflag:s17], $0x2800  }
0x32: {  	s25 =	simm.s32 $0x800;
	s23 =	sadd.s32 $0xA00, s11;
	[sflag:s17] =	ssyncset.done $0x0  }
.LBB2_2:
0x33: {  	p0 =	sne.s32 s25, $0xF400;
	s26 =	sadd.s32 $0xFFFFFB00, s23;
	[sflag:s17] =	ssyncadd.s32 $0xFFFFD800  }
0x34: {  	[tilespmem:s18], [sflag:$0x2] =	stream.linear.gather [hbm4b:s26+s3], $0x2800, $0x38;
	[tilespmem:$0x1D000] =	vst v63  }
0x35: {  	s26 =	sshra.s32 s24, $0x2;
	s24 =	smov.u32 s25;
	s25 =	sadd.s32 $0x400, s25  }
0x36: {  	[spmem:s2] =	stream.indirect.scatter.add.f32 [tilespmem:s16], [sflag:$0x3], $0x80, s26, s19, $0xb8;
	[tilespmem:$0x1D000] =	vst v63  }
0x37: {  	_ =	swait.ge [sflag:s13], $0x2800  }
0x38: {  	[sflag:s13] =	ssyncset.done $0x0  }
0x39: {  	[sflag:s13] =	ssyncadd.s32 $0xFFFFD800  }
0x3a: {  	_ =	swait.ge [sflag:s20], $0x2800  }
0x3b: {  	[sflag:s20] =	ssyncset.done $0x0  }
0x3c: {  	[sflag:s20] =	ssyncadd.s32 $0xFFFFD800  }
0x3d: {  	[tilespmem:s16], [sflag:$0x1] =	stream.linear.gather [hbm4b:s23+s3], $0x2800, $0x38;
	[tilespmem:$0x1D000] =	vst v63  }
0x3e: {  	s26 =	sadd.s32 $0x80, s26  }
0x3f: {  	[spmem:s2] =	stream.indirect.scatter.add.f32 [tilespmem:s18], [sflag:$0x3], $0x80, s26, s19, $0xb8;
	[tilespmem:$0x1D000] =	vst v63  }
.Ltmp0:
0x40: {  	_ =	swait.ge [sflag:s13], $0x2800;
	(pc) =	sbr.rel @p0 .LBB2_2-.Ltmp0, $4  }
0x41: {  	[sflag:s13] =	ssyncset.done $0x0  }
0x42: {  	[sflag:s13] =	ssyncadd.s32 $0xFFFFD800  }
0x43: {  	_ =	swait.ge [sflag:s17], $0x2800  }
0x44: {  	s23 =	sadd.s32 $0xA00, s23;
	[sflag:s17] =	ssyncset.done $0x0  }
0x45: {  	s25 =	sadd.s32 $0xFFFFFB00, s23;
	[sflag:s17] =	ssyncadd.s32 $0xFFFFD800  }
0x46: {  	[tilespmem:s18], [sflag:$0x2] =	stream.linear.gather [hbm4b:s25+s3], $0x2800, $0x38;
	[tilespmem:$0x1D000] =	vst v63  }
0x47: {  	s24 =	sshra.s32 s24, $0x2  }
0x48: {  	[spmem:s2] =	stream.indirect.scatter.add.f32 [tilespmem:s16], [sflag:$0x3], $0x80, s24, s19, $0xb8;
	[tilespmem:$0x1D000] =	vst v63  }
0x49: {  	_ =	swait.ge [sflag:s13], $0x2800  }
0x4a: {  	[sflag:s13] =	ssyncset.done $0x0  }
0x4b: {  	[sflag:s13] =	ssyncadd.s32 $0xFFFFD800  }
0x4c: {  	_ =	swait.ge [sflag:s20], $0x2800  }
0x4d: {  	[sflag:s20] =	ssyncset.done $0x0  }
0x4e: {  	[sflag:s20] =	ssyncadd.s32 $0xFFFFD800  }
0x4f: {  	[tilespmem:s16], [sflag:$0x1] =	stream.linear.gather [hbm4b:s23+s3], $0x2800, $0x38;
	[tilespmem:$0x1D000] =	vst v63  }
0x50: {  	s26 =	sadd.s32 $0x80, s24  }
0x51: {  	[spmem:s2] =	stream.indirect.scatter.add.f32 [tilespmem:s18], [sflag:$0x3], $0x80, s26, s19, $0xb8;
	[tilespmem:$0x1D000] =	vst v63  }
0x52: {  	_ =	swait.ge [sflag:s13], $0x2800  }
0x53: {  	[sflag:s13] =	ssyncset.done $0x0  }
0x54: {  	[sflag:s13] =	ssyncadd.s32 $0xFFFFD800  }
0x55: {  	_ =	swait.ge [sflag:s17], $0x2800  }
0x56: {  	[sflag:s17] =	ssyncset.done $0x0  }
0x57: {  	[sflag:s17] =	ssyncadd.s32 $0xFFFFD800  }
0x58: {  	[spmem:s2] =	stream.indirect.scatter.add.f32 [tilespmem:s16], [sflag:$0x3], $0x80, s21, s19, $0xb8;
	[tilespmem:$0x1D000] =	vst v63  }
0x59: {  	_ =	swait.ge [sflag:s13], $0x2800  }
0x5a: {  	[sflag:s13] =	ssyncset.done $0x0  }
0x5b: {  	[sflag:s13] =	ssyncadd.s32 $0xFFFFD800  }
0x5c: {  	[bflag:$0x0] =	sbarrier.arrive $0xFFFF  }
0x5d: {  	[hbm:s7], [sflag:s14] =	dma.local [spmem:s15], $0x2800  }
0x5e: {  	_ =	swait.ge [sflag:s13], $0x2800  }
0x5f: {  	[sflag:s13] =	ssyncset.done $0x0  }
0x60: {  	[sflag:s13] =	ssyncadd.s32 $0xFFFFD800  }
0x61: {  	[spmem:s15], [sflag:s14] =	dma.local [hbm:s4], $0x2800  }
0x62: {  	_ =	swait.ge [sflag:s13], $0x2800  }
0x63: {  	[sflag:s13] =	ssyncset.done $0x0  }
0x64: {  	[sflag:s13] =	ssyncadd.s32 $0xFFFFD800  }
0x65: {  	s28 =	simm.s32 $0x0;
	[bflag:$0x0] =	sbarrier.arrive $0xFFFF  }
0x66: {  	[tilespmem:s16], [sflag:$0x1] =	stream.linear.gather [hbm4b:s8+s28], $0x2800, $0x38;
	[tilespmem:$0x1D000] =	vst v63  }
0x67: {  	_ =	swait.ge [sflag:s17], $0x2800  }
0x68: {  	[sflag:s17] =	ssyncset.done $0x0  }
0x69: {  	s29 =	sadd.s32 $0xFFFFFB00, s12;
	[sflag:s17] =	ssyncadd.s32 $0xFFFFD800  }
0x6a: {  	[tilespmem:s18], [sflag:$0x2] =	stream.linear.gather [hbm4b:s29+s3], $0x2800, $0x38;
	[tilespmem:$0x1D000] =	vst v63  }
0x6b: {  	s30 =	simm.s32 $0x0  }
0x6c: {  	[spmem:s2] =	stream.indirect.scatter.add.f32 [tilespmem:s16], [sflag:$0x3], $0x80, s30, s19, $0xb8;
	[tilespmem:$0x1D000] =	vst v63  }
0x6d: {  	_ =	swait.ge [sflag:s13], $0x2800  }
0x6e: {  	[sflag:s13] =	ssyncset.done $0x0  }
0x6f: {  	[sflag:s13] =	ssyncadd.s32 $0xFFFFD800  }
0x70: {  	_ =	swait.ge [sflag:s20], $0x2800  }
0x71: {  	[sflag:s20] =	ssyncset.done $0x0  }
0x72: {  	[sflag:s20] =	ssyncadd.s32 $0xFFFFD800  }
0x73: {  	[tilespmem:s16], [sflag:$0x1] =	stream.linear.gather [hbm4b:s12+s3], $0x2800, $0x38;
	[tilespmem:$0x1D000] =	vst v63  }
0x74: {  	s31 =	simm.s32 $0x80  }
0x75: {  	[spmem:s2] =	stream.indirect.scatter.add.f32 [tilespmem:s18], [sflag:$0x3], $0x80, s31, s19, $0xb8;
	[tilespmem:$0x1D000] =	vst v63  }
0x76: {  	_ =	swait.ge [sflag:s13], $0x2800  }
0x77: {  	[sflag:s13] =	ssyncset.done $0x0  }
0x78: {  	[sflag:s13] =	ssyncadd.s32 $0xFFFFD800  }
0x79: {  	s25 =	simm.s32 $0x800;
	_ =	swait.ge [sflag:s17], $0x2800  }
0x7a: {  	s24 =	simm.s32 $0x400;
	s23 =	sadd.s32 $0xA00, s12;
	[sflag:s17] =	ssyncset.done $0x0  }
.LBB2_4:
0x7b: {  	p0 =	sne.s32 s25, $0xF400;
	s26 =	sadd.s32 $0xFFFFFB00, s23;
	[sflag:s17] =	ssyncadd.s32 $0xFFFFD800  }
0x7c: {  	[tilespmem:s18], [sflag:$0x2] =	stream.linear.gather [hbm4b:s26+s3], $0x2800, $0x38;
	[tilespmem:$0x1D000] =	vst v63  }
0x7d: {  	s26 =	sshra.s32 s24, $0x2;
	s24 =	smov.u32 s25;
	s25 =	sadd.s32 $0x400, s25  }
0x7e: {  	[spmem:s2] =	stream.indirect.scatter.add.f32 [tilespmem:s16], [sflag:$0x3], $0x80, s26, s19, $0xb8;
	[tilespmem:$0x1D000] =	vst v63  }
0x7f: {  	_ =	swait.ge [sflag:s13], $0x2800  }
0x80: {  	[sflag:s13] =	ssyncset.done $0x0  }
0x81: {  	[sflag:s13] =	ssyncadd.s32 $0xFFFFD800  }
0x82: {  	_ =	swait.ge [sflag:s20], $0x2800  }
0x83: {  	[sflag:s20] =	ssyncset.done $0x0  }
0x84: {  	[sflag:s20] =	ssyncadd.s32 $0xFFFFD800  }
0x85: {  	[tilespmem:s16], [sflag:$0x1] =	stream.linear.gather [hbm4b:s23+s3], $0x2800, $0x38;
	[tilespmem:$0x1D000] =	vst v63  }
0x86: {  	s26 =	sadd.s32 $0x80, s26  }
0x87: {  	[spmem:s2] =	stream.indirect.scatter.add.f32 [tilespmem:s18], [sflag:$0x3], $0x80, s26, s19, $0xb8;
	[tilespmem:$0x1D000] =	vst v63  }
.Ltmp1:
0x88: {  	_ =	swait.ge [sflag:s13], $0x2800;
	(pc) =	sbr.rel @p0 .LBB2_4-.Ltmp1, $4  }
0x89: {  	[sflag:s13] =	ssyncset.done $0x0  }
0x8a: {  	[sflag:s13] =	ssyncadd.s32 $0xFFFFD800  }
0x8b: {  	_ =	swait.ge [sflag:s17], $0x2800  }
0x8c: {  	s23 =	sadd.s32 $0xA00, s23;
	[sflag:s17] =	ssyncset.done $0x0  }
0x8d: {  	s25 =	sadd.s32 $0xFFFFFB00, s23;
	[sflag:s17] =	ssyncadd.s32 $0xFFFFD800  }
0x8e: {  	[tilespmem:s18], [sflag:$0x2] =	stream.linear.gather [hbm4b:s25+s3], $0x2800, $0x38;
	[tilespmem:$0x1D000] =	vst v63  }
0x8f: {  	s24 =	sshra.s32 s24, $0x2  }
0x90: {  	[spmem:s2] =	stream.indirect.scatter.add.f32 [tilespmem:s16], [sflag:$0x3], $0x80, s24, s19, $0xb8;
	[tilespmem:$0x1D000] =	vst v63  }
0x91: {  	_ =	swait.ge [sflag:s13], $0x2800  }
0x92: {  	[sflag:s13] =	ssyncset.done $0x0  }
0x93: {  	[sflag:s13] =	ssyncadd.s32 $0xFFFFD800  }
0x94: {  	_ =	swait.ge [sflag:s20], $0x2800  }
0x95: {  	[sflag:s20] =	ssyncset.done $0x0  }
0x96: {  	[sflag:s20] =	ssyncadd.s32 $0xFFFFD800  }
0x97: {  	[tilespmem:s16], [sflag:$0x1] =	stream.linear.gather [hbm4b:s23+s3], $0x2800, $0x38;
	[tilespmem:$0x1D000] =	vst v63  }
0x98: {  	s31 =	sadd.s32 $0x80, s24  }
0x99: {  	[spmem:s2] =	stream.indirect.scatter.add.f32 [tilespmem:s18], [sflag:$0x3], $0x80, s31, s19, $0xb8;
	[tilespmem:$0x1D000] =	vst v63  }
0x9a: {  	_ =	swait.ge [sflag:s13], $0x2800  }
0x9b: {  	[sflag:s13] =	ssyncset.done $0x0  }
0x9c: {  	[sflag:s13] =	ssyncadd.s32 $0xFFFFD800  }
0x9d: {  	_ =	swait.ge [sflag:s17], $0x2800  }
0x9e: {  	[sflag:s17] =	ssyncset.done $0x0  }
0x9f: {  	[sflag:s17] =	ssyncadd.s32 $0xFFFFD800  }
0xa0: {  	[spmem:s2] =	stream.indirect.scatter.add.f32 [tilespmem:s16], [sflag:$0x3], $0x80, s21, s19, $0xb8;
	[tilespmem:$0x1D000] =	vst v63  }
0xa1: {  	_ =	swait.ge [sflag:s13], $0x2800  }
0xa2: {  	s22 =	sadd.s32 $0x1, s22;
	[sflag:s13] =	ssyncset.done $0x0  }
0xa3: {  	p0 =	sne.s32 s22, s10;
	[sflag:s13] =	ssyncadd.s32 $0xFFFFD800  }
.Ltmp2:
0xa4: {  	[bflag:$0x0] =	sbarrier.arrive $0xFFFF;
	(pc) =	sbr.rel @p0 .LBB2_1-.Ltmp2, $4  }
0xa5: {  	[hbm:s9], [sflag:s14] =	dma.local [spmem:s15], $0x2800  }
0xa6: {  	_ =	swait.ge [sflag:s13], $0x2800  }
0xa7: {  	[sflag:s13] =	ssyncset.done $0x0  }
0xa8: {  	[sflag:s13] =	ssyncadd.s32 $0xFFFFD800  }
0xa9: {  	_ =	sfence.sel $0x180000  }
0xaa: {  	[bflag:$0x0] =	sbarrier.arrive $0xFFFF  }
0xab: {  	p0 =	sne.s32 s1, $0x0;
	_ =	strace $0x90000053  }
0xac: {  	s0 =	sadd.s32 @!p0 $0x100000, s0;
	[bflag:$0x2] =	sbarrier.arrive $0xFFFF  }
0xad: {  	[sflag:s0] =	ssyncadd.tile.s32 @!p0 $0x1;
	_ =	shalt  }
.Lfunc_end2:
_tile_overlayer_lowered:
.L_overlay_start_2:
0xae: {  	(tag) =	ssettag $0x2  }
0xaf: {  	s0 =	rddreg [dreg:$0x0];
	s2 =	stileid.u32  }
0xb0: {  	s1 =	rddreg [dreg:$0x1];
	p0 =	sne.s32 s2, $0x0  }
0xb1: {  	s3 =	rddreg [dreg:$0x2];
	[bflag:$0x3] =	sbarrier.arrive $0xFFFF;
	s2 =	simm.s32 @!p0 $0x1C03  }
0xb2: {  	[timem:s3], [sflag:s2] =	dma.local @!p0 [hbm:s0], s1  }
0xb3: {  	s0 =	simm.s32 @!p0 $0x3  }
0xb4: {  	_ =	swait.ge @!p0 [sflag:s0], s1  }
0xb5: {  	s1 =	ssub.s32 @!p0 $0x0, s1;
	[sflag:s0] =	ssyncset.done @!p0 $0x0  }
0xb6: {  	[sflag:s0] =	ssyncadd.s32 @!p0 s1  }
0xb7: {  	[bflag:$0x3] =	sbarrier.arrive $0xFFFF  }
0xb8: {  	_ =	shalt  }

</sc_bundles>
